<compile_context>
chip_gen: v7x
topology: tpu7x:2x2x1
jax: 0.10.2.dev20260603
libtpu: 0.0.44.dev20260713+nightly
codegen_flags: <defaults>
</compile_context>

<pallas_src>
import functools

import jax
import jax.numpy as jnp
from jax import lax
from jax.experimental import pallas as pl
from jax.experimental.pallas import tpu as pltpu
from jax.experimental.pallas import tpu_sc as plsc

NC = 2
NS = 16



def _make_deg_kernel(E, NP, K, C):
    sp = NP // NS
    nrows = E // K
    nouter = nrows // (NC * NS * C)
    mesh = plsc.VectorSubcoreMesh(core_axis_name="c", subcore_axis_name="s")

    @functools.partial(
        pl.kernel,
        out_type=jax.ShapeDtypeStruct((NC * NP,), jnp.float32),
        mesh=mesh,
        scratch_types=[
            pltpu.VMEM((C, K), jnp.int32),
            pltpu.VMEM((K,), jnp.float32),
            pltpu.VMEM((sp,), jnp.float32),
            pltpu.VMEM_SHARED((NP,), jnp.float32),
            pltpu.SemaphoreType.DMA,
        ],
        compiler_params=pltpu.CompilerParams(use_tc_tiling_on_sc=False),
    )
    def deg_k(ei3_hbm, ones_hbm, zeros_hbm, deg_hbm,
              idx_v, ones_v, zv, acc_sh, sem):
        cid = lax.axis_index("c")
        sid = lax.axis_index("s")
        pltpu.sync_copy(ones_hbm, ones_v)
        pltpu.sync_copy(zeros_hbm, zv)
        pltpu.sync_copy(zv, acc_sh.at[pl.ds(sid * sp, sp)])
        plsc.subcore_barrier()

        def chunk(o, _):
            base = pl.multiple_of(
                cid * (nrows // NC) + (sid * nouter + o) * C, C)
            pltpu.sync_copy(ei3_hbm.at[1, pl.ds(base, C), :], idx_v)
            hs = [
                pltpu.async_copy(ones_v, acc_sh.at[idx_v.at[j]], sem,
                                 add=True)
                for j in range(C)
            ]
            for h in hs:
                h.wait()
            return 0

        lax.fori_loop(0, nouter, chunk, 0)
        plsc.subcore_barrier()
        pltpu.sync_copy(acc_sh.at[pl.ds(sid * sp, sp)], zv)
        pltpu.sync_copy(zv, deg_hbm.at[pl.ds(cid * NP + sid * sp, sp)])

    return deg_k



def _make_agg_kernel(E, N, Dh, K, C, ZR):
    sp = N // NS
    nrows = E // K
    nouter = nrows // (NS * C)
    mesh = plsc.VectorSubcoreMesh(core_axis_name="c", subcore_axis_name="s")

    @functools.partial(
        pl.kernel,
        out_type=jax.ShapeDtypeStruct((NC * N, Dh), jnp.float32),
        mesh=mesh,
        scratch_types=(
            [pltpu.VMEM((C, K), jnp.int32)] * 2
            + [pltpu.VMEM((K, Dh), jnp.float32)] * C
            + [pltpu.VMEM((ZR, Dh), jnp.float32),
               pltpu.VMEM_SHARED((N, Dh), jnp.float32)]
            + [pltpu.SemaphoreType.DMA] * C
        ),
        compiler_params=pltpu.CompilerParams(use_tc_tiling_on_sc=False),
    )
    def agg_k(ei3_hbm, yC_hbm, zeros_hbm, agg_hbm, *scr):
        ridx_v, cidx_v = scr[0], scr[1]
        bufs = scr[2:2 + C]
        zeros_v, acc_sh = scr[2 + C], scr[3 + C]
        gsems = scr[4 + C:4 + 2 * C]
        cid = lax.axis_index("c")
        sid = lax.axis_index("s")
        pltpu.sync_copy(zeros_hbm, zeros_v)
        for q in range(sp // ZR):
            pltpu.sync_copy(zeros_v, acc_sh.at[pl.ds(sid * sp + q * ZR, ZR), :])
        plsc.subcore_barrier()

        yoff = cid * N

        def chunk(o, _):
            base = pl.multiple_of((sid * nouter + o) * C, C)
            pltpu.sync_copy(ei3_hbm.at[0, pl.ds(base, C), :], ridx_v)
            pltpu.sync_copy(ei3_hbm.at[1, pl.ds(base, C), :], cidx_v)
            nfull = K // 16
            tail_new = K - nfull * 16
            for j in range(C):
                for i in range(nfull):
                    v = ridx_v[j, pl.ds(i * 16, 16)]
                    ridx_v[j, pl.ds(i * 16, 16)] = v + yoff
                if tail_new:
                    v = ridx_v[j, pl.ds(K - 16, 16)]
                    m = lax.iota(jnp.int32, 16) >= (16 - tail_new)
                    ridx_v[j, pl.ds(K - 16, 16)] = v + jnp.where(m, yoff, 0)
            gs = [
                pltpu.async_copy(yC_hbm.at[ridx_v.at[j]], bufs[j], gsems[j])
                for j in range(C)
            ]
            for j in range(C):
                gs[j].wait()
                pltpu.sync_copy(bufs[j], acc_sh.at[cidx_v.at[j]], add=True)
            return 0

        lax.fori_loop(0, nouter, chunk, 0)
        plsc.subcore_barrier()
        for q in range(sp // ZR):
            pltpu.sync_copy(acc_sh.at[pl.ds(sid * sp + q * ZR, ZR), :], zeros_v)
            pltpu.sync_copy(
                zeros_v,
                agg_hbm.at[pl.ds(cid * N + sid * sp + q * ZR, ZR), :],
            )

    return agg_k



def _y_body(d0_ref, d1_ref, x_ref, y_ref):
    c = pl.program_id(0)
    dis = lax.rsqrt(d0_ref[...] + d1_ref[...] + 1.0)
    xb = x_ref[...]
    Dh = xb.shape[1] // 2
    xh = jnp.where(c == 0, xb[:, :Dh], xb[:, Dh:])
    y_ref[...] = xh * dis


def _out_body(d0_ref, d1_ref, x_ref, a0_ref, a1_ref, W_ref, b_ref, g_ref,
              be_ref, o_ref):
    dis = lax.rsqrt(d0_ref[...] + d1_ref[...] + 1.0)
    agg = jnp.concatenate([a0_ref[...], a1_ref[...]], axis=1)
    z = (agg + x_ref[...] * dis) * dis
    h = lax.dot_general(z, W_ref[...], (((1,), (1,)), ((), ())),
                        preferred_element_type=jnp.float32)
    h = h + b_ref[...][None, :]
    mu = jnp.mean(h, axis=1, keepdims=True)
    var = jnp.mean((h - mu) ** 2, axis=1, keepdims=True)
    o_ref[...] = (h - mu) * lax.rsqrt(var + 1e-5) * g_ref[...][None, :] \
        + be_ref[...][None, :]



def kernel(x, edge_index, W, b, gamma, beta):
    N, D = x.shape
    E = edge_index.shape[1]
    Dh = D // 2
    K = 125
    C = 4
    NP = ((N + 8 * NS - 1) // (8 * NS)) * (8 * NS)
    assert N % NS == 0 and E % (NS * K * C) == 0 and E % (NC * NS * K * C) == 0
    sp = N // NS
    ZR = 125
    assert sp % ZR == 0

    ei3 = edge_index.astype(jnp.int32).reshape(2, E // K, K)
    onesK = jnp.ones((K,), jnp.float32)
    zeros1 = jnp.zeros((NP // NS,), jnp.float32)
    zeros2 = jnp.zeros((ZR, Dh), jnp.float32)

    degp = _make_deg_kernel(E, NP, K, C)(ei3, onesK, zeros1)
    d0 = lax.slice(degp, (0,), (N,)).reshape(N, 1)
    d1 = lax.slice(degp, (NP,), (NP + N,)).reshape(N, 1)

    RB = 2000
    nb = N // RB
    assert N % RB == 0
    yC = pl.pallas_call(
        _y_body,
        grid=(NC, nb),
        in_specs=[
            pl.BlockSpec((RB, 1), lambda c, i: (i, 0)),
            pl.BlockSpec((RB, 1), lambda c, i: (i, 0)),
            pl.BlockSpec((RB, D), lambda c, i: (i, 0)),
        ],
        out_specs=pl.BlockSpec((RB, Dh), lambda c, i: (c * nb + i, 0)),
        out_shape=jax.ShapeDtypeStruct((NC * N, Dh), jnp.float32),
    )(d0, d1, x)

    aggp = _make_agg_kernel(E, N, Dh, K, C, ZR)(ei3, yC, zeros2)

    out = pl.pallas_call(
        _out_body,
        grid=(nb,),
        in_specs=[
            pl.BlockSpec((RB, 1), lambda i: (i, 0)),
            pl.BlockSpec((RB, 1), lambda i: (i, 0)),
            pl.BlockSpec((RB, D), lambda i: (i, 0)),
            pl.BlockSpec((RB, Dh), lambda i: (i, 0)),
            pl.BlockSpec((RB, Dh), lambda i: (nb + i, 0)),
            pl.BlockSpec((D, D), lambda i: (0, 0)),
            pl.BlockSpec((D,), lambda i: (0,)),
            pl.BlockSpec((D,), lambda i: (0,)),
            pl.BlockSpec((D,), lambda i: (0,)),
        ],
        out_specs=pl.BlockSpec((RB, D), lambda i: (i, 0)),
        out_shape=jax.ShapeDtypeStruct((N, D), jnp.float32),
    )(d0, d1, x, aggp, aggp, W, b, gamma, beta)
    return out

# --- scband reference (transcript-rebuilt; emitter-appended) ---
"""Pipeline reference for scband-optimized-prompt-graph-74251394613540 (READ-ONLY COPY).

The authoritative reference and input builder live on the scoring server;
editing this copy changes nothing except your own understanding.
"""

import jax, jax.numpy as jnp
import numpy as np

N_NODES = 50000
N_EDGES = 800000
D = 64


def setup_inputs(seed: int = 0) -> dict:
    key = jax.random.key(seed)
    k1, k2, k3, k4 = jax.random.split(key, 4)
    x = jax.random.normal(k1, (N_NODES, D), dtype=jnp.float32)
    edge_index = jax.random.randint(k2, (2, N_EDGES), 0, N_NODES, dtype=jnp.int64)
    # SimpleGCNLayer parameters: nn.Linear(D, D) + nn.LayerNorm(D)
    W = jax.random.normal(k3, (D, D), dtype=jnp.float32) * (1.0 / np.sqrt(D))
    b = jnp.zeros((D,), dtype=jnp.float32)
    gamma = jnp.ones((D,), dtype=jnp.float32)
    beta = jnp.zeros((D,), dtype=jnp.float32)
    return {"x": x, "edge_index": edge_index, "W": W, "b": b, "gamma": gamma, "beta": beta}


def reference(x, edge_index, W, b, gamma, beta):
    # Faithful translation of SimpleGCNLayer.forward (the GNN layer inside
    # OptimizedPromptGraph.gnn_layers, aggr='add', source_to_target flow).
    N = x.shape[0]
    # add_self_loops
    loops = jnp.arange(N, dtype=edge_index.dtype)
    ei = jnp.concatenate([edge_index, jnp.stack([loops, loops])], axis=1)
    row, col = ei[0], ei[1]
    # degree(col, N) and symmetric normalization
    deg = jnp.zeros((N,), dtype=x.dtype).at[col].add(jnp.ones_like(col, dtype=x.dtype))
    deg_inv_sqrt = jnp.where(deg > 0, deg ** -0.5, 0.0)
    norm = deg_inv_sqrt[row] * deg_inv_sqrt[col]
    # message: norm * x_j  (x_j = x[row]); aggregate: scatter-add at col
    msgs = norm[:, None] * jnp.take(x, row, axis=0)
    agg = jnp.zeros_like(x).at[col].add(msgs)
    # lin + LayerNorm
    out = agg @ W.T + b
    mean = jnp.mean(out, axis=-1, keepdims=True)
    var = jnp.var(out, axis=-1, keepdims=True)
    out = (out - mean) / jnp.sqrt(var + 1e-5) * gamma + beta
    return out

if __name__ == "__main__":
    import jax
    _d = setup_inputs()
    print(jax.jit(kernel)(*tuple(_d.values())))

</pallas_src>

<mosaic_0001>
#map = affine_map<(d0, d1) -> (0, 0, 0)>
#map1 = affine_map<(d0, d1) -> (0)>
module attributes {stable_mosaic.version = 14 : i64} {
  func.func @deg_k(%arg0: i32, %arg1: i32, %arg2: memref<2x6400x125xi32, #tpu.memory_space<hbm>>, %arg3: memref<125xf32, #tpu.memory_space<hbm>>, %arg4: memref<3128xf32, #tpu.memory_space<hbm>>, %arg5: memref<100096xf32, #tpu.memory_space<hbm>>, %arg6: memref<4x125xi32, #tpu.memory_space<vmem>>, %arg7: memref<125xf32, #tpu.memory_space<vmem>>, %arg8: memref<3128xf32, #tpu.memory_space<vmem>>, %arg9: memref<50048xf32, #tpu.memory_space<vmem_shared>>, %arg10: memref<!tpu.dma_semaphore, #tpu.memory_space<semaphore_mem>>) attributes {dimension_semantics = [#tpu.dimension_semantics<core_parallel>, #tpu.dimension_semantics<subcore_parallel>], iteration_bounds = array<i64: 2, 16>, scalar_prefetch = 0 : i64, scratch_operands = 5 : i64, tpu.core_type = #tpu.core_type<sc_vector_subcore>, window_params = [{transform_indices = #map}, {transform_indices = #map1}, {transform_indices = #map1}, {transform_indices = #map1}]} {
    "tpu.region"() ({
      %run_scoped3A = tpu.sem_alloc : memref<!tpu.dma_semaphore, #tpu.memory_space<semaphore_mem>>
      tpu.enqueue_dma source(%arg3 : memref<125xf32, #tpu.memory_space<hbm>>) target(%arg7 : memref<125xf32, #tpu.memory_space<vmem>>) target_semaphore(%run_scoped3A : memref<!tpu.dma_semaphore, #tpu.memory_space<semaphore_mem>>)
      tpu.wait_dma2 semaphore(%run_scoped3A : memref<!tpu.dma_semaphore, #tpu.memory_space<semaphore_mem>>) src(%arg3 : memref<125xf32, #tpu.memory_space<hbm>>) dst(%arg7 : memref<125xf32, #tpu.memory_space<vmem>>)
      tpu.yield
    }) : () -> ()
    "tpu.region"() ({
      %run_scoped3A = tpu.sem_alloc : memref<!tpu.dma_semaphore, #tpu.memory_space<semaphore_mem>>
      tpu.enqueue_dma source(%arg4 : memref<3128xf32, #tpu.memory_space<hbm>>) target(%arg8 : memref<3128xf32, #tpu.memory_space<vmem>>) target_semaphore(%run_scoped3A : memref<!tpu.dma_semaphore, #tpu.memory_space<semaphore_mem>>)
      tpu.wait_dma2 semaphore(%run_scoped3A : memref<!tpu.dma_semaphore, #tpu.memory_space<semaphore_mem>>) src(%arg4 : memref<3128xf32, #tpu.memory_space<hbm>>) dst(%arg8 : memref<3128xf32, #tpu.memory_space<vmem>>)
      tpu.yield
    }) : () -> ()
    %mul3A = arith.constant 3128 : i32
    %mul3A_0 = arith.muli %arg1, %mul3A : i32
    "tpu.region"() ({
      %run_scoped3A = tpu.sem_alloc : memref<!tpu.dma_semaphore, #tpu.memory_space<semaphore_mem>>
      %dma_start3A = tpu.memref_slice %arg9[%mul3A_0] : memref<50048xf32, #tpu.memory_space<vmem_shared>> -> memref<3128xf32, #tpu.memory_space<vmem_shared>>
      %dma_start3A_14 = tpu.memref_slice %arg9[%mul3A_0] : memref<50048xf32, #tpu.memory_space<vmem_shared>> -> memref<3128xf32, #tpu.memory_space<vmem_shared>>
      tpu.enqueue_dma source(%arg8 : memref<3128xf32, #tpu.memory_space<vmem>>) target(%dma_start3A_14 : memref<3128xf32, #tpu.memory_space<vmem_shared>>) target_semaphore(%run_scoped3A : memref<!tpu.dma_semaphore, #tpu.memory_space<semaphore_mem>>)
      %dma_wait3A = tpu.memref_slice %arg9[%mul3A_0] : memref<50048xf32, #tpu.memory_space<vmem_shared>> -> memref<3128xf32, #tpu.memory_space<vmem_shared>>
      %dma_wait3A_15 = tpu.memref_slice %arg9[%mul3A_0] : memref<50048xf32, #tpu.memory_space<vmem_shared>> -> memref<3128xf32, #tpu.memory_space<vmem_shared>>
      tpu.wait_dma2 semaphore(%run_scoped3A : memref<!tpu.dma_semaphore, #tpu.memory_space<semaphore_mem>>) src(%arg8 : memref<3128xf32, #tpu.memory_space<vmem>>) dst(%dma_wait3A_15 : memref<3128xf32, #tpu.memory_space<vmem_shared>>)
      tpu.yield
    }) : () -> ()
    %barrier3A = arith.constant 0 : index
    tpu.barrier barrier_id(%barrier3A)
    %scan3A = arith.constant 0 : i32
    %scan3A_1 = arith.constant 0 : i32
    %scan3A_2 = arith.constant 50 : i32
    %scan3A_3 = arith.addi %scan3A_1, %scan3A_2 : i32
    %scan3A_4 = arith.constant 1 : i32
    %scan3A_5 = scf.for %scan3A_14 = %scan3A_1 to %scan3A_3 step %scan3A_4 iter_args(%scan3A_15 = %scan3A) -> (i32)  : i32 {
      %mul3A_16 = arith.constant 3200 : i32
      %mul3A_17 = arith.muli %arg0, %mul3A_16 : i32
      %mul3A_18 = arith.constant 50 : i32
      %mul3A_19 = arith.muli %arg1, %mul3A_18 : i32
      %add3A_20 = arith.addi %mul3A_19, %scan3A_14 : i32
      %mul3A_21 = arith.constant 4 : i32
      %mul3A_22 = arith.muli %add3A_20, %mul3A_21 : i32
      %add3A_23 = arith.addi %mul3A_17, %mul3A_22 : i32
      %multiple_of3A = tpu.assume_multiple %add3A_23, 4 : i32
      %run_scoped3A = arith.constant 1 : i32
      "tpu.region"() ({
        %run_scoped3A_71 = tpu.sem_alloc : memref<!tpu.dma_semaphore, #tpu.memory_space<semaphore_mem>>
        %dma_start3A_72 = arith.constant 0 : i32
        %dma_start3A_73 = tpu.memref_slice %arg2[%run_scoped3A, %multiple_of3A, %dma_start3A_72] : memref<2x6400x125xi32, #tpu.memory_space<hbm>> -> memref<1x4x125xi32, #tpu.memory_space<hbm>>
        %dma_start3A_74 = tpu.memref_squeeze %dma_start3A_73 : memref<1x4x125xi32, #tpu.memory_space<hbm>> -> memref<4x125xi32, #tpu.memory_space<hbm>>
        %dma_start3A_75 = arith.constant 0 : i32
        %dma_start3A_76 = tpu.memref_slice %arg2[%run_scoped3A, %multiple_of3A, %dma_start3A_75] : memref<2x6400x125xi32, #tpu.memory_space<hbm>> -> memref<1x4x125xi32, #tpu.memory_space<hbm>>
        %dma_start3A_77 = tpu.memref_squeeze %dma_start3A_76 : memref<1x4x125xi32, #tpu.memory_space<hbm>> -> memref<4x125xi32, #tpu.memory_space<hbm>>
        tpu.enqueue_dma source(%dma_start3A_77 : memref<4x125xi32, #tpu.memory_space<hbm>>) target(%arg6 : memref<4x125xi32, #tpu.memory_space<vmem>>) target_semaphore(%run_scoped3A_71 : memref<!tpu.dma_semaphore, #tpu.memory_space<semaphore_mem>>)
        %dma_wait3A_78 = arith.constant 0 : i32
        %dma_wait3A_79 = tpu.memref_slice %arg2[%run_scoped3A, %multiple_of3A, %dma_wait3A_78] : memref<2x6400x125xi32, #tpu.memory_space<hbm>> -> memref<1x4x125xi32, #tpu.memory_space<hbm>>
        %dma_wait3A_80 = tpu.memref_squeeze %dma_wait3A_79 : memref<1x4x125xi32, #tpu.memory_space<hbm>> -> memref<4x125xi32, #tpu.memory_space<hbm>>
        %dma_wait3A_81 = arith.constant 0 : i32
        %dma_wait3A_82 = tpu.memref_slice %arg2[%run_scoped3A, %multiple_of3A, %dma_wait3A_81] : memref<2x6400x125xi32, #tpu.memory_space<hbm>> -> memref<1x4x125xi32, #tpu.memory_space<hbm>>
        %dma_wait3A_83 = tpu.memref_squeeze %dma_wait3A_82 : memref<1x4x125xi32, #tpu.memory_space<hbm>> -> memref<4x125xi32, #tpu.memory_space<hbm>>
        tpu.wait_dma2 semaphore(%run_scoped3A_71 : memref<!tpu.dma_semaphore, #tpu.memory_space<semaphore_mem>>) src(%dma_wait3A_83 : memref<4x125xi32, #tpu.memory_space<hbm>>) dst(%arg6 : memref<4x125xi32, #tpu.memory_space<vmem>>)
        tpu.yield
      }) : () -> ()
      %dma_start3A = arith.constant 0 : i32
      %dma_start3A_24 = arith.constant 0 : i32
      %dma_start3A_25 = tpu.memref_slice %arg6[%dma_start3A, %dma_start3A_24] : memref<4x125xi32, #tpu.memory_space<vmem>> -> memref<1x125xi32, #tpu.memory_space<vmem>>
      %dma_start3A_26 = tpu.memref_squeeze %dma_start3A_25 : memref<1x125xi32, #tpu.memory_space<vmem>> -> memref<125xi32, #tpu.memory_space<vmem>>
      %dma_start3A_27 = arith.constant 0 : i32
      %dma_start3A_28 = tpu.memref_slice %arg9[%dma_start3A_27] : memref<50048xf32, #tpu.memory_space<vmem_shared>> -> memref<50048xf32, #tpu.memory_space<vmem_shared>>
      tpu.enqueue_indirect_dma source(%arg7 : memref<125xf32, #tpu.memory_space<vmem>>) target(%dma_start3A_28 : memref<50048xf32, #tpu.memory_space<vmem_shared>>) offsets(%dma_start3A_26 : memref<125xi32, #tpu.memory_space<vmem>>) semaphore(%arg10 : memref<!tpu.dma_semaphore, #tpu.memory_space<semaphore_mem>>) {add = true}
      %dma_start3A_29 = arith.constant 1 : i32
      %dma_start3A_30 = arith.constant 0 : i32
      %dma_start3A_31 = tpu.memref_slice %arg6[%dma_start3A_29, %dma_start3A_30] : memref<4x125xi32, #tpu.memory_space<vmem>> -> memref<1x125xi32, #tpu.memory_space<vmem>>
      %dma_start3A_32 = tpu.memref_squeeze %dma_start3A_31 : memref<1x125xi32, #tpu.memory_space<vmem>> -> memref<125xi32, #tpu.memory_space<vmem>>
      %dma_start3A_33 = arith.constant 0 : i32
      %dma_start3A_34 = tpu.memref_slice %arg9[%dma_start3A_33] : memref<50048xf32, #tpu.memory_space<vmem_shared>> -> memref<50048xf32, #tpu.memory_space<vmem_shared>>
      tpu.enqueue_indirect_dma source(%arg7 : memref<125xf32, #tpu.memory_space<vmem>>) target(%dma_start3A_34 : memref<50048xf32, #tpu.memory_space<vmem_shared>>) offsets(%dma_start3A_32 : memref<125xi32, #tpu.memory_space<vmem>>) semaphore(%arg10 : memref<!tpu.dma_semaphore, #tpu.memory_space<semaphore_mem>>) {add = true}
      %dma_start3A_35 = arith.constant 2 : i32
      %dma_start3A_36 = arith.constant 0 : i32
      %dma_start3A_37 = tpu.memref_slice %arg6[%dma_start3A_35, %dma_start3A_36] : memref<4x125xi32, #tpu.memory_space<vmem>> -> memref<1x125xi32, #tpu.memory_space<vmem>>
      %dma_start3A_38 = tpu.memref_squeeze %dma_start3A_37 : memref<1x125xi32, #tpu.memory_space<vmem>> -> memref<125xi32, #tpu.memory_space<vmem>>
      %dma_start3A_39 = arith.constant 0 : i32
      %dma_start3A_40 = tpu.memref_slice %arg9[%dma_start3A_39] : memref<50048xf32, #tpu.memory_space<vmem_shared>> -> memref<50048xf32, #tpu.memory_space<vmem_shared>>
      tpu.enqueue_indirect_dma source(%arg7 : memref<125xf32, #tpu.memory_space<vmem>>) target(%dma_start3A_40 : memref<50048xf32, #tpu.memory_space<vmem_shared>>) offsets(%dma_start3A_38 : memref<125xi32, #tpu.memory_space<vmem>>) semaphore(%arg10 : memref<!tpu.dma_semaphore, #tpu.memory_space<semaphore_mem>>) {add = true}
      %dma_start3A_41 = arith.constant 3 : i32
      %dma_start3A_42 = arith.constant 0 : i32
      %dma_start3A_43 = tpu.memref_slice %arg6[%dma_start3A_41, %dma_start3A_42] : memref<4x125xi32, #tpu.memory_space<vmem>> -> memref<1x125xi32, #tpu.memory_space<vmem>>
      %dma_start3A_44 = tpu.memref_squeeze %dma_start3A_43 : memref<1x125xi32, #tpu.memory_space<vmem>> -> memref<125xi32, #tpu.memory_space<vmem>>
      %dma_start3A_45 = arith.constant 0 : i32
      %dma_start3A_46 = tpu.memref_slice %arg9[%dma_start3A_45] : memref<50048xf32, #tpu.memory_space<vmem_shared>> -> memref<50048xf32, #tpu.memory_space<vmem_shared>>
      tpu.enqueue_indirect_dma source(%arg7 : memref<125xf32, #tpu.memory_space<vmem>>) target(%dma_start3A_46 : memref<50048xf32, #tpu.memory_space<vmem_shared>>) offsets(%dma_start3A_44 : memref<125xi32, #tpu.memory_space<vmem>>) semaphore(%arg10 : memref<!tpu.dma_semaphore, #tpu.memory_space<semaphore_mem>>) {add = true}
      %dma_wait3A = arith.constant 0 : i32
      %dma_wait3A_47 = arith.constant 0 : i32
      %dma_wait3A_48 = tpu.memref_slice %arg6[%dma_wait3A, %dma_wait3A_47] : memref<4x125xi32, #tpu.memory_space<vmem>> -> memref<1x125xi32, #tpu.memory_space<vmem>>
      %dma_wait3A_49 = tpu.memref_squeeze %dma_wait3A_48 : memref<1x125xi32, #tpu.memory_space<vmem>> -> memref<125xi32, #tpu.memory_space<vmem>>
      %dma_wait3A_50 = arith.constant 0 : i32
      %dma_wait3A_51 = tpu.memref_slice %arg9[%dma_wait3A_50] : memref<50048xf32, #tpu.memory_space<vmem_shared>> -> memref<50048xf32, #tpu.memory_space<vmem_shared>>
      tpu.wait_indirect_dma semaphore(%arg10 : memref<!tpu.dma_semaphore, #tpu.memory_space<semaphore_mem>>) src(%arg7 : memref<125xf32, #tpu.memory_space<vmem>>) dst(%dma_wait3A_51 : memref<50048xf32, #tpu.memory_space<vmem_shared>>)
      %dma_wait3A_52 = arith.constant 1 : i32
      %dma_wait3A_53 = arith.constant 0 : i32
      %dma_wait3A_54 = tpu.memref_slice %arg6[%dma_wait3A_52, %dma_wait3A_53] : memref<4x125xi32, #tpu.memory_space<vmem>> -> memref<1x125xi32, #tpu.memory_space<vmem>>
      %dma_wait3A_55 = tpu.memref_squeeze %dma_wait3A_54 : memref<1x125xi32, #tpu.memory_space<vmem>> -> memref<125xi32, #tpu.memory_space<vmem>>
      %dma_wait3A_56 = arith.constant 0 : i32
      %dma_wait3A_57 = tpu.memref_slice %arg9[%dma_wait3A_56] : memref<50048xf32, #tpu.memory_space<vmem_shared>> -> memref<50048xf32, #tpu.memory_space<vmem_shared>>
      tpu.wait_indirect_dma semaphore(%arg10 : memref<!tpu.dma_semaphore, #tpu.memory_space<semaphore_mem>>) src(%arg7 : memref<125xf32, #tpu.memory_space<vmem>>) dst(%dma_wait3A_57 : memref<50048xf32, #tpu.memory_space<vmem_shared>>)
      %dma_wait3A_58 = arith.constant 2 : i32
      %dma_wait3A_59 = arith.constant 0 : i32
      %dma_wait3A_60 = tpu.memref_slice %arg6[%dma_wait3A_58, %dma_wait3A_59] : memref<4x125xi32, #tpu.memory_space<vmem>> -> memref<1x125xi32, #tpu.memory_space<vmem>>
      %dma_wait3A_61 = tpu.memref_squeeze %dma_wait3A_60 : memref<1x125xi32, #tpu.memory_space<vmem>> -> memref<125xi32, #tpu.memory_space<vmem>>
      %dma_wait3A_62 = arith.constant 0 : i32
      %dma_wait3A_63 = tpu.memref_slice %arg9[%dma_wait3A_62] : memref<50048xf32, #tpu.memory_space<vmem_shared>> -> memref<50048xf32, #tpu.memory_space<vmem_shared>>
      tpu.wait_indirect_dma semaphore(%arg10 : memref<!tpu.dma_semaphore, #tpu.memory_space<semaphore_mem>>) src(%arg7 : memref<125xf32, #tpu.memory_space<vmem>>) dst(%dma_wait3A_63 : memref<50048xf32, #tpu.memory_space<vmem_shared>>)
      %dma_wait3A_64 = arith.constant 3 : i32
      %dma_wait3A_65 = arith.constant 0 : i32
      %dma_wait3A_66 = tpu.memref_slice %arg6[%dma_wait3A_64, %dma_wait3A_65] : memref<4x125xi32, #tpu.memory_space<vmem>> -> memref<1x125xi32, #tpu.memory_space<vmem>>
      %dma_wait3A_67 = tpu.memref_squeeze %dma_wait3A_66 : memref<1x125xi32, #tpu.memory_space<vmem>> -> memref<125xi32, #tpu.memory_space<vmem>>
      %dma_wait3A_68 = arith.constant 0 : i32
      %dma_wait3A_69 = tpu.memref_slice %arg9[%dma_wait3A_68] : memref<50048xf32, #tpu.memory_space<vmem_shared>> -> memref<50048xf32, #tpu.memory_space<vmem_shared>>
      tpu.wait_indirect_dma semaphore(%arg10 : memref<!tpu.dma_semaphore, #tpu.memory_space<semaphore_mem>>) src(%arg7 : memref<125xf32, #tpu.memory_space<vmem>>) dst(%dma_wait3A_69 : memref<50048xf32, #tpu.memory_space<vmem_shared>>)
      %scan3A_70 = arith.constant 0 : i32
      scf.yield %scan3A_70 : i32
    }
    %scan3A_6 = arith.constant 50 : i32
    %barrier3A_7 = arith.constant 0 : index
    tpu.barrier barrier_id(%barrier3A_7)
    %mul3A_8 = arith.constant 3128 : i32
    %mul3A_9 = arith.muli %arg1, %mul3A_8 : i32
    "tpu.region"() ({
      %run_scoped3A = tpu.sem_alloc : memref<!tpu.dma_semaphore, #tpu.memory_space<semaphore_mem>>
      %dma_start3A = tpu.memref_slice %arg9[%mul3A_9] : memref<50048xf32, #tpu.memory_space<vmem_shared>> -> memref<3128xf32, #tpu.memory_space<vmem_shared>>
      %dma_start3A_14 = tpu.memref_slice %arg9[%mul3A_9] : memref<50048xf32, #tpu.memory_space<vmem_shared>> -> memref<3128xf32, #tpu.memory_space<vmem_shared>>
      tpu.enqueue_dma source(%dma_start3A_14 : memref<3128xf32, #tpu.memory_space<vmem_shared>>) target(%arg8 : memref<3128xf32, #tpu.memory_space<vmem>>) target_semaphore(%run_scoped3A : memref<!tpu.dma_semaphore, #tpu.memory_space<semaphore_mem>>)
      %dma_wait3A = tpu.memref_slice %arg9[%mul3A_9] : memref<50048xf32, #tpu.memory_space<vmem_shared>> -> memref<3128xf32, #tpu.memory_space<vmem_shared>>
      %dma_wait3A_15 = tpu.memref_slice %arg9[%mul3A_9] : memref<50048xf32, #tpu.memory_space<vmem_shared>> -> memref<3128xf32, #tpu.memory_space<vmem_shared>>
      tpu.wait_dma2 semaphore(%run_scoped3A : memref<!tpu.dma_semaphore, #tpu.memory_space<semaphore_mem>>) src(%dma_wait3A_15 : memref<3128xf32, #tpu.memory_space<vmem_shared>>) dst(%arg8 : memref<3128xf32, #tpu.memory_space<vmem>>)
      tpu.yield
    }) : () -> ()
    %mul3A_10 = arith.constant 50048 : i32
    %mul3A_11 = arith.muli %arg0, %mul3A_10 : i32
    %mul3A_12 = arith.constant 3128 : i32
    %mul3A_13 = arith.muli %arg1, %mul3A_12 : i32
    %add3A = arith.addi %mul3A_11, %mul3A_13 : i32
    "tpu.region"() ({
      %run_scoped3A = tpu.sem_alloc : memref<!tpu.dma_semaphore, #tpu.memory_space<semaphore_mem>>
      %dma_start3A = tpu.memref_slice %arg5[%add3A] : memref<100096xf32, #tpu.memory_space<hbm>> -> memref<3128xf32, #tpu.memory_space<hbm>>
      %dma_start3A_14 = tpu.memref_slice %arg5[%add3A] : memref<100096xf32, #tpu.memory_space<hbm>> -> memref<3128xf32, #tpu.memory_space<hbm>>
      tpu.enqueue_dma source(%arg8 : memref<3128xf32, #tpu.memory_space<vmem>>) target(%dma_start3A_14 : memref<3128xf32, #tpu.memory_space<hbm>>) target_semaphore(%run_scoped3A : memref<!tpu.dma_semaphore, #tpu.memory_space<semaphore_mem>>)
      %dma_wait3A = tpu.memref_slice %arg5[%add3A] : memref<100096xf32, #tpu.memory_space<hbm>> -> memref<3128xf32, #tpu.memory_space<hbm>>
      %dma_wait3A_15 = tpu.memref_slice %arg5[%add3A] : memref<100096xf32, #tpu.memory_space<hbm>> -> memref<3128xf32, #tpu.memory_space<hbm>>
      tpu.wait_dma2 semaphore(%run_scoped3A : memref<!tpu.dma_semaphore, #tpu.memory_space<semaphore_mem>>) src(%arg8 : memref<3128xf32, #tpu.memory_space<vmem>>) dst(%dma_wait3A_15 : memref<3128xf32, #tpu.memory_space<hbm>>)
      tpu.yield
    }) : () -> ()
    return
  }
}

#map = affine_map<(d0, d1) -> (0, 0, 0)>
#map1 = affine_map<(d0, d1) -> (0, 0)>
module attributes {stable_mosaic.version = 14 : i64} {
  func.func @agg_k(%arg0: i32, %arg1: i32, %arg2: memref<2x6400x125xi32, #tpu.memory_space<hbm>>, %arg3: memref<100000x32xf32, #tpu.memory_space<hbm>>, %arg4: memref<125x32xf32, #tpu.memory_space<hbm>>, %arg5: memref<100000x32xf32, #tpu.memory_space<hbm>>, %arg6: memref<4x125xi32, #tpu.memory_space<vmem>>, %arg7: memref<4x125xi32, #tpu.memory_space<vmem>>, %arg8: memref<125x32xf32, #tpu.memory_space<vmem>>, %arg9: memref<125x32xf32, #tpu.memory_space<vmem>>, %arg10: memref<125x32xf32, #tpu.memory_space<vmem>>, %arg11: memref<125x32xf32, #tpu.memory_space<vmem>>, %arg12: memref<125x32xf32, #tpu.memory_space<vmem>>, %arg13: memref<50000x32xf32, #tpu.memory_space<vmem_shared>>, %arg14: memref<!tpu.dma_semaphore, #tpu.memory_space<semaphore_mem>>, %arg15: memref<!tpu.dma_semaphore, #tpu.memory_space<semaphore_mem>>, %arg16: memref<!tpu.dma_semaphore, #tpu.memory_space<semaphore_mem>>, %arg17: memref<!tpu.dma_semaphore, #tpu.memory_space<semaphore_mem>>) attributes {dimension_semantics = [#tpu.dimension_semantics<core_parallel>, #tpu.dimension_semantics<subcore_parallel>], iteration_bounds = array<i64: 2, 16>, scalar_prefetch = 0 : i64, scratch_operands = 12 : i64, tpu.core_type = #tpu.core_type<sc_vector_subcore>, window_params = [{transform_indices = #map}, {transform_indices = #map1}, {transform_indices = #map1}, {transform_indices = #map1}]} {
    "tpu.region"() ({
      %run_scoped3A = tpu.sem_alloc : memref<!tpu.dma_semaphore, #tpu.memory_space<semaphore_mem>>
      tpu.enqueue_dma source(%arg4 : memref<125x32xf32, #tpu.memory_space<hbm>>) target(%arg12 : memref<125x32xf32, #tpu.memory_space<vmem>>) target_semaphore(%run_scoped3A : memref<!tpu.dma_semaphore, #tpu.memory_space<semaphore_mem>>)
      tpu.wait_dma2 semaphore(%run_scoped3A : memref<!tpu.dma_semaphore, #tpu.memory_space<semaphore_mem>>) src(%arg4 : memref<125x32xf32, #tpu.memory_space<hbm>>) dst(%arg12 : memref<125x32xf32, #tpu.memory_space<vmem>>)
      tpu.yield
    }) : () -> ()
    %mul3A = arith.constant 3125 : i32
    %mul3A_0 = arith.muli %arg1, %mul3A : i32
    %add3A = arith.constant 0 : i32
    %add3A_1 = arith.addi %mul3A_0, %add3A : i32
    "tpu.region"() ({
      %run_scoped3A = tpu.sem_alloc : memref<!tpu.dma_semaphore, #tpu.memory_space<semaphore_mem>>
      %dma_start3A = arith.constant 0 : i32
      %dma_start3A_382 = tpu.memref_slice %arg13[%add3A_1, %dma_start3A] : memref<50000x32xf32, #tpu.memory_space<vmem_shared>> -> memref<125x32xf32, #tpu.memory_space<vmem_shared>>
      %dma_start3A_383 = arith.constant 0 : i32
      %dma_start3A_384 = tpu.memref_slice %arg13[%add3A_1, %dma_start3A_383] : memref<50000x32xf32, #tpu.memory_space<vmem_shared>> -> memref<125x32xf32, #tpu.memory_space<vmem_shared>>
      tpu.enqueue_dma source(%arg12 : memref<125x32xf32, #tpu.memory_space<vmem>>) target(%dma_start3A_384 : memref<125x32xf32, #tpu.memory_space<vmem_shared>>) target_semaphore(%run_scoped3A : memref<!tpu.dma_semaphore, #tpu.memory_space<semaphore_mem>>)
      %dma_wait3A = arith.constant 0 : i32
      %dma_wait3A_385 = tpu.memref_slice %arg13[%add3A_1, %dma_wait3A] : memref<50000x32xf32, #tpu.memory_space<vmem_shared>> -> memref<125x32xf32, #tpu.memory_space<vmem_shared>>
      %dma_wait3A_386 = arith.constant 0 : i32
      %dma_wait3A_387 = tpu.memref_slice %arg13[%add3A_1, %dma_wait3A_386] : memref<50000x32xf32, #tpu.memory_space<vmem_shared>> -> memref<125x32xf32, #tpu.memory_space<vmem_shared>>
      tpu.wait_dma2 semaphore(%run_scoped3A : memref<!tpu.dma_semaphore, #tpu.memory_space<semaphore_mem>>) src(%arg12 : memref<125x32xf32, #tpu.memory_space<vmem>>) dst(%dma_wait3A_387 : memref<125x32xf32, #tpu.memory_space<vmem_shared>>)
      tpu.yield
    }) : () -> ()
    %mul3A_2 = arith.constant 3125 : i32
    %mul3A_3 = arith.muli %arg1, %mul3A_2 : i32
    %add3A_4 = arith.constant 125 : i32
    %add3A_5 = arith.addi %mul3A_3, %add3A_4 : i32
    "tpu.region"() ({
      %run_scoped3A = tpu.sem_alloc : memref<!tpu.dma_semaphore, #tpu.memory_space<semaphore_mem>>
      %dma_start3A = arith.constant 0 : i32
      %dma_start3A_382 = tpu.memref_slice %arg13[%add3A_5, %dma_start3A] : memref<50000x32xf32, #tpu.memory_space<vmem_shared>> -> memref<125x32xf32, #tpu.memory_space<vmem_shared>>
      %dma_start3A_383 = arith.constant 0 : i32
      %dma_start3A_384 = tpu.memref_slice %arg13[%add3A_5, %dma_start3A_383] : memref<50000x32xf32, #tpu.memory_space<vmem_shared>> -> memref<125x32xf32, #tpu.memory_space<vmem_shared>>
      tpu.enqueue_dma source(%arg12 : memref<125x32xf32, #tpu.memory_space<vmem>>) target(%dma_start3A_384 : memref<125x32xf32, #tpu.memory_space<vmem_shared>>) target_semaphore(%run_scoped3A : memref<!tpu.dma_semaphore, #tpu.memory_space<semaphore_mem>>)
      %dma_wait3A = arith.constant 0 : i32
      %dma_wait3A_385 = tpu.memref_slice %arg13[%add3A_5, %dma_wait3A] : memref<50000x32xf32, #tpu.memory_space<vmem_shared>> -> memref<125x32xf32, #tpu.memory_space<vmem_shared>>
      %dma_wait3A_386 = arith.constant 0 : i32
      %dma_wait3A_387 = tpu.memref_slice %arg13[%add3A_5, %dma_wait3A_386] : memref<50000x32xf32, #tpu.memory_space<vmem_shared>> -> memref<125x32xf32, #tpu.memory_space<vmem_shared>>
      tpu.wait_dma2 semaphore(%run_scoped3A : memref<!tpu.dma_semaphore, #tpu.memory_space<semaphore_mem>>) src(%arg12 : memref<125x32xf32, #tpu.memory_space<vmem>>) dst(%dma_wait3A_387 : memref<125x32xf32, #tpu.memory_space<vmem_shared>>)
      tpu.yield
    }) : () -> ()
    %mul3A_6 = arith.constant 3125 : i32
    %mul3A_7 = arith.muli %arg1, %mul3A_6 : i32
    %add3A_8 = arith.constant 250 : i32
    %add3A_9 = arith.addi %mul3A_7, %add3A_8 : i32
    "tpu.region"() ({
      %run_scoped3A = tpu.sem_alloc : memref<!tpu.dma_semaphore, #tpu.memory_space<semaphore_mem>>
      %dma_start3A = arith.constant 0 : i32
      %dma_start3A_382 = tpu.memref_slice %arg13[%add3A_9, %dma_start3A] : memref<50000x32xf32, #tpu.memory_space<vmem_shared>> -> memref<125x32xf32, #tpu.memory_space<vmem_shared>>
      %dma_start3A_383 = arith.constant 0 : i32
      %dma_start3A_384 = tpu.memref_slice %arg13[%add3A_9, %dma_start3A_383] : memref<50000x32xf32, #tpu.memory_space<vmem_shared>> -> memref<125x32xf32, #tpu.memory_space<vmem_shared>>
      tpu.enqueue_dma source(%arg12 : memref<125x32xf32, #tpu.memory_space<vmem>>) target(%dma_start3A_384 : memref<125x32xf32, #tpu.memory_space<vmem_shared>>) target_semaphore(%run_scoped3A : memref<!tpu.dma_semaphore, #tpu.memory_space<semaphore_mem>>)
      %dma_wait3A = arith.constant 0 : i32
      %dma_wait3A_385 = tpu.memref_slice %arg13[%add3A_9, %dma_wait3A] : memref<50000x32xf32, #tpu.memory_space<vmem_shared>> -> memref<125x32xf32, #tpu.memory_space<vmem_shared>>
      %dma_wait3A_386 = arith.constant 0 : i32
      %dma_wait3A_387 = tpu.memref_slice %arg13[%add3A_9, %dma_wait3A_386] : memref<50000x32xf32, #tpu.memory_space<vmem_shared>> -> memref<125x32xf32, #tpu.memory_space<vmem_shared>>
      tpu.wait_dma2 semaphore(%run_scoped3A : memref<!tpu.dma_semaphore, #tpu.memory_space<semaphore_mem>>) src(%arg12 : memref<125x32xf32, #tpu.memory_space<vmem>>) dst(%dma_wait3A_387 : memref<125x32xf32, #tpu.memory_space<vmem_shared>>)
      tpu.yield
    }) : () -> ()
    %mul3A_10 = arith.constant 3125 : i32
    %mul3A_11 = arith.muli %arg1, %mul3A_10 : i32
    %add3A_12 = arith.constant 375 : i32
    %add3A_13 = arith.addi %mul3A_11, %add3A_12 : i32
    "tpu.region"() ({
      %run_scoped3A = tpu.sem_alloc : memref<!tpu.dma_semaphore, #tpu.memory_space<semaphore_mem>>
      %dma_start3A = arith.constant 0 : i32
      %dma_start3A_382 = tpu.memref_slice %arg13[%add3A_13, %dma_start3A] : memref<50000x32xf32, #tpu.memory_space<vmem_shared>> -> memref<125x32xf32, #tpu.memory_space<vmem_shared>>
      %dma_start3A_383 = arith.constant 0 : i32
      %dma_start3A_384 = tpu.memref_slice %arg13[%add3A_13, %dma_start3A_383] : memref<50000x32xf32, #tpu.memory_space<vmem_shared>> -> memref<125x32xf32, #tpu.memory_space<vmem_shared>>
      tpu.enqueue_dma source(%arg12 : memref<125x32xf32, #tpu.memory_space<vmem>>) target(%dma_start3A_384 : memref<125x32xf32, #tpu.memory_space<vmem_shared>>) target_semaphore(%run_scoped3A : memref<!tpu.dma_semaphore, #tpu.memory_space<semaphore_mem>>)
      %dma_wait3A = arith.constant 0 : i32
      %dma_wait3A_385 = tpu.memref_slice %arg13[%add3A_13, %dma_wait3A] : memref<50000x32xf32, #tpu.memory_space<vmem_shared>> -> memref<125x32xf32, #tpu.memory_space<vmem_shared>>
      %dma_wait3A_386 = arith.constant 0 : i32
      %dma_wait3A_387 = tpu.memref_slice %arg13[%add3A_13, %dma_wait3A_386] : memref<50000x32xf32, #tpu.memory_space<vmem_shared>> -> memref<125x32xf32, #tpu.memory_space<vmem_shared>>
      tpu.wait_dma2 semaphore(%run_scoped3A : memref<!tpu.dma_semaphore, #tpu.memory_space<semaphore_mem>>) src(%arg12 : memref<125x32xf32, #tpu.memory_space<vmem>>) dst(%dma_wait3A_387 : memref<125x32xf32, #tpu.memory_space<vmem_shared>>)
      tpu.yield
    }) : () -> ()
    %mul3A_14 = arith.constant 3125 : i32
    %mul3A_15 = arith.muli %arg1, %mul3A_14 : i32
    %add3A_16 = arith.constant 500 : i32
    %add3A_17 = arith.addi %mul3A_15, %add3A_16 : i32
    "tpu.region"() ({
      %run_scoped3A = tpu.sem_alloc : memref<!tpu.dma_semaphore, #tpu.memory_space<semaphore_mem>>
      %dma_start3A = arith.constant 0 : i32
      %dma_start3A_382 = tpu.memref_slice %arg13[%add3A_17, %dma_start3A] : memref<50000x32xf32, #tpu.memory_space<vmem_shared>> -> memref<125x32xf32, #tpu.memory_space<vmem_shared>>
      %dma_start3A_383 = arith.constant 0 : i32
      %dma_start3A_384 = tpu.memref_slice %arg13[%add3A_17, %dma_start3A_383] : memref<50000x32xf32, #tpu.memory_space<vmem_shared>> -> memref<125x32xf32, #tpu.memory_space<vmem_shared>>
      tpu.enqueue_dma source(%arg12 : memref<125x32xf32, #tpu.memory_space<vmem>>) target(%dma_start3A_384 : memref<125x32xf32, #tpu.memory_space<vmem_shared>>) target_semaphore(%run_scoped3A : memref<!tpu.dma_semaphore, #tpu.memory_space<semaphore_mem>>)
      %dma_wait3A = arith.constant 0 : i32
      %dma_wait3A_385 = tpu.memref_slice %arg13[%add3A_17, %dma_wait3A] : memref<50000x32xf32, #tpu.memory_space<vmem_shared>> -> memref<125x32xf32, #tpu.memory_space<vmem_shared>>
      %dma_wait3A_386 = arith.constant 0 : i32
      %dma_wait3A_387 = tpu.memref_slice %arg13[%add3A_17, %dma_wait3A_386] : memref<50000x32xf32, #tpu.memory_space<vmem_shared>> -> memref<125x32xf32, #tpu.memory_space<vmem_shared>>
      tpu.wait_dma2 semaphore(%run_scoped3A : memref<!tpu.dma_semaphore, #tpu.memory_space<semaphore_mem>>) src(%arg12 : memref<125x32xf32, #tpu.memory_space<vmem>>) dst(%dma_wait3A_387 : memref<125x32xf32, #tpu.memory_space<vmem_shared>>)
      tpu.yield
    }) : () -> ()
    %mul3A_18 = arith.constant 3125 : i32
    %mul3A_19 = arith.muli %arg1, %mul3A_18 : i32
    %add3A_20 = arith.constant 625 : i32
    %add3A_21 = arith.addi %mul3A_19, %add3A_20 : i32
    "tpu.region"() ({
      %run_scoped3A = tpu.sem_alloc : memref<!tpu.dma_semaphore, #tpu.memory_space<semaphore_mem>>
      %dma_start3A = arith.constant 0 : i32
      %dma_start3A_382 = tpu.memref_slice %arg13[%add3A_21, %dma_start3A] : memref<50000x32xf32, #tpu.memory_space<vmem_shared>> -> memref<125x32xf32, #tpu.memory_space<vmem_shared>>
      %dma_start3A_383 = arith.constant 0 : i32
      %dma_start3A_384 = tpu.memref_slice %arg13[%add3A_21, %dma_start3A_383] : memref<50000x32xf32, #tpu.memory_space<vmem_shared>> -> memref<125x32xf32, #tpu.memory_space<vmem_shared>>
      tpu.enqueue_dma source(%arg12 : memref<125x32xf32, #tpu.memory_space<vmem>>) target(%dma_start3A_384 : memref<125x32xf32, #tpu.memory_space<vmem_shared>>) target_semaphore(%run_scoped3A : memref<!tpu.dma_semaphore, #tpu.memory_space<semaphore_mem>>)
      %dma_wait3A = arith.constant 0 : i32
      %dma_wait3A_385 = tpu.memref_slice %arg13[%add3A_21, %dma_wait3A] : memref<50000x32xf32, #tpu.memory_space<vmem_shared>> -> memref<125x32xf32, #tpu.memory_space<vmem_shared>>
      %dma_wait3A_386 = arith.constant 0 : i32
      %dma_wait3A_387 = tpu.memref_slice %arg13[%add3A_21, %dma_wait3A_386] : memref<50000x32xf32, #tpu.memory_space<vmem_shared>> -> memref<125x32xf32, #tpu.memory_space<vmem_shared>>
      tpu.wait_dma2 semaphore(%run_scoped3A : memref<!tpu.dma_semaphore, #tpu.memory_space<semaphore_mem>>) src(%arg12 : memref<125x32xf32, #tpu.memory_space<vmem>>) dst(%dma_wait3A_387 : memref<125x32xf32, #tpu.memory_space<vmem_shared>>)
      tpu.yield
    }) : () -> ()
    %mul3A_22 = arith.constant 3125 : i32
    %mul3A_23 = arith.muli %arg1, %mul3A_22 : i32
    %add3A_24 = arith.constant 750 : i32
    %add3A_25 = arith.addi %mul3A_23, %add3A_24 : i32
    "tpu.region"() ({
      %run_scoped3A = tpu.sem_alloc : memref<!tpu.dma_semaphore, #tpu.memory_space<semaphore_mem>>
      %dma_start3A = arith.constant 0 : i32
      %dma_start3A_382 = tpu.memref_slice %arg13[%add3A_25, %dma_start3A] : memref<50000x32xf32, #tpu.memory_space<vmem_shared>> -> memref<125x32xf32, #tpu.memory_space<vmem_shared>>
      %dma_start3A_383 = arith.constant 0 : i32
      %dma_start3A_384 = tpu.memref_slice %arg13[%add3A_25, %dma_start3A_383] : memref<50000x32xf32, #tpu.memory_space<vmem_shared>> -> memref<125x32xf32, #tpu.memory_space<vmem_shared>>
      tpu.enqueue_dma source(%arg12 : memref<125x32xf32, #tpu.memory_space<vmem>>) target(%dma_start3A_384 : memref<125x32xf32, #tpu.memory_space<vmem_shared>>) target_semaphore(%run_scoped3A : memref<!tpu.dma_semaphore, #tpu.memory_space<semaphore_mem>>)
      %dma_wait3A = arith.constant 0 : i32
      %dma_wait3A_385 = tpu.memref_slice %arg13[%add3A_25, %dma_wait3A] : memref<50000x32xf32, #tpu.memory_space<vmem_shared>> -> memref<125x32xf32, #tpu.memory_space<vmem_shared>>
      %dma_wait3A_386 = arith.constant 0 : i32
      %dma_wait3A_387 = tpu.memref_slice %arg13[%add3A_25, %dma_wait3A_386] : memref<50000x32xf32, #tpu.memory_space<vmem_shared>> -> memref<125x32xf32, #tpu.memory_space<vmem_shared>>
      tpu.wait_dma2 semaphore(%run_scoped3A : memref<!tpu.dma_semaphore, #tpu.memory_space<semaphore_mem>>) src(%arg12 : memref<125x32xf32, #tpu.memory_space<vmem>>) dst(%dma_wait3A_387 : memref<125x32xf32, #tpu.memory_space<vmem_shared>>)
      tpu.yield
    }) : () -> ()
    %mul3A_26 = arith.constant 3125 : i32
    %mul3A_27 = arith.muli %arg1, %mul3A_26 : i32
    %add3A_28 = arith.constant 875 : i32
    %add3A_29 = arith.addi %mul3A_27, %add3A_28 : i32
    "tpu.region"() ({
      %run_scoped3A = tpu.sem_alloc : memref<!tpu.dma_semaphore, #tpu.memory_space<semaphore_mem>>
      %dma_start3A = arith.constant 0 : i32
      %dma_start3A_382 = tpu.memref_slice %arg13[%add3A_29, %dma_start3A] : memref<50000x32xf32, #tpu.memory_space<vmem_shared>> -> memref<125x32xf32, #tpu.memory_space<vmem_shared>>
      %dma_start3A_383 = arith.constant 0 : i32
      %dma_start3A_384 = tpu.memref_slice %arg13[%add3A_29, %dma_start3A_383] : memref<50000x32xf32, #tpu.memory_space<vmem_shared>> -> memref<125x32xf32, #tpu.memory_space<vmem_shared>>
      tpu.enqueue_dma source(%arg12 : memref<125x32xf32, #tpu.memory_space<vmem>>) target(%dma_start3A_384 : memref<125x32xf32, #tpu.memory_space<vmem_shared>>) target_semaphore(%run_scoped3A : memref<!tpu.dma_semaphore, #tpu.memory_space<semaphore_mem>>)
      %dma_wait3A = arith.constant 0 : i32
      %dma_wait3A_385 = tpu.memref_slice %arg13[%add3A_29, %dma_wait3A] : memref<50000x32xf32, #tpu.memory_space<vmem_shared>> -> memref<125x32xf32, #tpu.memory_space<vmem_shared>>
      %dma_wait3A_386 = arith.constant 0 : i32
      %dma_wait3A_387 = tpu.memref_slice %arg13[%add3A_29, %dma_wait3A_386] : memref<50000x32xf32, #tpu.memory_space<vmem_shared>> -> memref<125x32xf32, #tpu.memory_space<vmem_shared>>
      tpu.wait_dma2 semaphore(%run_scoped3A : memref<!tpu.dma_semaphore, #tpu.memory_space<semaphore_mem>>) src(%arg12 : memref<125x32xf32, #tpu.memory_space<vmem>>) dst(%dma_wait3A_387 : memref<125x32xf32, #tpu.memory_space<vmem_shared>>)
      tpu.yield
    }) : () -> ()
    %mul3A_30 = arith.constant 3125 : i32
    %mul3A_31 = arith.muli %arg1, %mul3A_30 : i32
    %add3A_32 = arith.constant 1000 : i32
    %add3A_33 = arith.addi %mul3A_31, %add3A_32 : i32
    "tpu.region"() ({
      %run_scoped3A = tpu.sem_alloc : memref<!tpu.dma_semaphore, #tpu.memory_space<semaphore_mem>>
      %dma_start3A = arith.constant 0 : i32
      %dma_start3A_382 = tpu.memref_slice %arg13[%add3A_33, %dma_start3A] : memref<50000x32xf32, #tpu.memory_space<vmem_shared>> -> memref<125x32xf32, #tpu.memory_space<vmem_shared>>
      %dma_start3A_383 = arith.constant 0 : i32
      %dma_start3A_384 = tpu.memref_slice %arg13[%add3A_33, %dma_start3A_383] : memref<50000x32xf32, #tpu.memory_space<vmem_shared>> -> memref<125x32xf32, #tpu.memory_space<vmem_shared>>
      tpu.enqueue_dma source(%arg12 : memref<125x32xf32, #tpu.memory_space<vmem>>) target(%dma_start3A_384 : memref<125x32xf32, #tpu.memory_space<vmem_shared>>) target_semaphore(%run_scoped3A : memref<!tpu.dma_semaphore, #tpu.memory_space<semaphore_mem>>)
      %dma_wait3A = arith.constant 0 : i32
      %dma_wait3A_385 = tpu.memref_slice %arg13[%add3A_33, %dma_wait3A] : memref<50000x32xf32, #tpu.memory_space<vmem_shared>> -> memref<125x32xf32, #tpu.memory_space<vmem_shared>>
      %dma_wait3A_386 = arith.constant 0 : i32
      %dma_wait3A_387 = tpu.memref_slice %arg13[%add3A_33, %dma_wait3A_386] : memref<50000x32xf32, #tpu.memory_space<vmem_shared>> -> memref<125x32xf32, #tpu.memory_space<vmem_shared>>
      tpu.wait_dma2 semaphore(%run_scoped3A : memref<!tpu.dma_semaphore, #tpu.memory_space<semaphore_mem>>) src(%arg12 : memref<125x32xf32, #tpu.memory_space<vmem>>) dst(%dma_wait3A_387 : memref<125x32xf32, #tpu.memory_space<vmem_shared>>)
      tpu.yield
    }) : () -> ()
    %mul3A_34 = arith.constant 3125 : i32
    %mul3A_35 = arith.muli %arg1, %mul3A_34 : i32
    %add3A_36 = arith.constant 1125 : i32
    %add3A_37 = arith.addi %mul3A_35, %add3A_36 : i32
    "tpu.region"() ({
      %run_scoped3A = tpu.sem_alloc : memref<!tpu.dma_semaphore, #tpu.memory_space<semaphore_mem>>
      %dma_start3A = arith.constant 0 : i32
      %dma_start3A_382 = tpu.memref_slice %arg13[%add3A_37, %dma_start3A] : memref<50000x32xf32, #tpu.memory_space<vmem_shared>> -> memref<125x32xf32, #tpu.memory_space<vmem_shared>>
      %dma_start3A_383 = arith.constant 0 : i32
      %dma_start3A_384 = tpu.memref_slice %arg13[%add3A_37, %dma_start3A_383] : memref<50000x32xf32, #tpu.memory_space<vmem_shared>> -> memref<125x32xf32, #tpu.memory_space<vmem_shared>>
      tpu.enqueue_dma source(%arg12 : memref<125x32xf32, #tpu.memory_space<vmem>>) target(%dma_start3A_384 : memref<125x32xf32, #tpu.memory_space<vmem_shared>>) target_semaphore(%run_scoped3A : memref<!tpu.dma_semaphore, #tpu.memory_space<semaphore_mem>>)
      %dma_wait3A = arith.constant 0 : i32
      %dma_wait3A_385 = tpu.memref_slice %arg13[%add3A_37, %dma_wait3A] : memref<50000x32xf32, #tpu.memory_space<vmem_shared>> -> memref<125x32xf32, #tpu.memory_space<vmem_shared>>
      %dma_wait3A_386 = arith.constant 0 : i32
      %dma_wait3A_387 = tpu.memref_slice %arg13[%add3A_37, %dma_wait3A_386] : memref<50000x32xf32, #tpu.memory_space<vmem_shared>> -> memref<125x32xf32, #tpu.memory_space<vmem_shared>>
      tpu.wait_dma2 semaphore(%run_scoped3A : memref<!tpu.dma_semaphore, #tpu.memory_space<semaphore_mem>>) src(%arg12 : memref<125x32xf32, #tpu.memory_space<vmem>>) dst(%dma_wait3A_387 : memref<125x32xf32, #tpu.memory_space<vmem_shared>>)
      tpu.yield
    }) : () -> ()
    %mul3A_38 = arith.constant 3125 : i32
    %mul3A_39 = arith.muli %arg1, %mul3A_38 : i32
    %add3A_40 = arith.constant 1250 : i32
    %add3A_41 = arith.addi %mul3A_39, %add3A_40 : i32
    "tpu.region"() ({
      %run_scoped3A = tpu.sem_alloc : memref<!tpu.dma_semaphore, #tpu.memory_space<semaphore_mem>>
      %dma_start3A = arith.constant 0 : i32
      %dma_start3A_382 = tpu.memref_slice %arg13[%add3A_41, %dma_start3A] : memref<50000x32xf32, #tpu.memory_space<vmem_shared>> -> memref<125x32xf32, #tpu.memory_space<vmem_shared>>
      %dma_start3A_383 = arith.constant 0 : i32
      %dma_start3A_384 = tpu.memref_slice %arg13[%add3A_41, %dma_start3A_383] : memref<50000x32xf32, #tpu.memory_space<vmem_shared>> -> memref<125x32xf32, #tpu.memory_space<vmem_shared>>
      tpu.enqueue_dma source(%arg12 : memref<125x32xf32, #tpu.memory_space<vmem>>) target(%dma_start3A_384 : memref<125x32xf32, #tpu.memory_space<vmem_shared>>) target_semaphore(%run_scoped3A : memref<!tpu.dma_semaphore, #tpu.memory_space<semaphore_mem>>)
      %dma_wait3A = arith.constant 0 : i32
      %dma_wait3A_385 = tpu.memref_slice %arg13[%add3A_41, %dma_wait3A] : memref<50000x32xf32, #tpu.memory_space<vmem_shared>> -> memref<125x32xf32, #tpu.memory_space<vmem_shared>>
      %dma_wait3A_386 = arith.constant 0 : i32
      %dma_wait3A_387 = tpu.memref_slice %arg13[%add3A_41, %dma_wait3A_386] : memref<50000x32xf32, #tpu.memory_space<vmem_shared>> -> memref<125x32xf32, #tpu.memory_space<vmem_shared>>
      tpu.wait_dma2 semaphore(%run_scoped3A : memref<!tpu.dma_semaphore, #tpu.memory_space<semaphore_mem>>) src(%arg12 : memref<125x32xf32, #tpu.memory_space<vmem>>) dst(%dma_wait3A_387 : memref<125x32xf32, #tpu.memory_space<vmem_shared>>)
      tpu.yield
    }) : () -> ()
    %mul3A_42 = arith.constant 3125 : i32
    %mul3A_43 = arith.muli %arg1, %mul3A_42 : i32
    %add3A_44 = arith.constant 1375 : i32
    %add3A_45 = arith.addi %mul3A_43, %add3A_44 : i32
    "tpu.region"() ({
      %run_scoped3A = tpu.sem_alloc : memref<!tpu.dma_semaphore, #tpu.memory_space<semaphore_mem>>
      %dma_start3A = arith.constant 0 : i32
      %dma_start3A_382 = tpu.memref_slice %arg13[%add3A_45, %dma_start3A] : memref<50000x32xf32, #tpu.memory_space<vmem_shared>> -> memref<125x32xf32, #tpu.memory_space<vmem_shared>>
      %dma_start3A_383 = arith.constant 0 : i32
      %dma_start3A_384 = tpu.memref_slice %arg13[%add3A_45, %dma_start3A_383] : memref<50000x32xf32, #tpu.memory_space<vmem_shared>> -> memref<125x32xf32, #tpu.memory_space<vmem_shared>>
      tpu.enqueue_dma source(%arg12 : memref<125x32xf32, #tpu.memory_space<vmem>>) target(%dma_start3A_384 : memref<125x32xf32, #tpu.memory_space<vmem_shared>>) target_semaphore(%run_scoped3A : memref<!tpu.dma_semaphore, #tpu.memory_space<semaphore_mem>>)
      %dma_wait3A = arith.constant 0 : i32
      %dma_wait3A_385 = tpu.memref_slice %arg13[%add3A_45, %dma_wait3A] : memref<50000x32xf32, #tpu.memory_space<vmem_shared>> -> memref<125x32xf32, #tpu.memory_space<vmem_shared>>
      %dma_wait3A_386 = arith.constant 0 : i32
      %dma_wait3A_387 = tpu.memref_slice %arg13[%add3A_45, %dma_wait3A_386] : memref<50000x32xf32, #tpu.memory_space<vmem_shared>> -> memref<125x32xf32, #tpu.memory_space<vmem_shared>>
      tpu.wait_dma2 semaphore(%run_scoped3A : memref<!tpu.dma_semaphore, #tpu.memory_space<semaphore_mem>>) src(%arg12 : memref<125x32xf32, #tpu.memory_space<vmem>>) dst(%dma_wait3A_387 : memref<125x32xf32, #tpu.memory_space<vmem_shared>>)
      tpu.yield
    }) : () -> ()
    %mul3A_46 = arith.constant 3125 : i32
    %mul3A_47 = arith.muli %arg1, %mul3A_46 : i32
    %add3A_48 = arith.constant 1500 : i32
    %add3A_49 = arith.addi %mul3A_47, %add3A_48 : i32
    "tpu.region"() ({
      %run_scoped3A = tpu.sem_alloc : memref<!tpu.dma_semaphore, #tpu.memory_space<semaphore_mem>>
      %dma_start3A = arith.constant 0 : i32
      %dma_start3A_382 = tpu.memref_slice %arg13[%add3A_49, %dma_start3A] : memref<50000x32xf32, #tpu.memory_space<vmem_shared>> -> memref<125x32xf32, #tpu.memory_space<vmem_shared>>
      %dma_start3A_383 = arith.constant 0 : i32
      %dma_start3A_384 = tpu.memref_slice %arg13[%add3A_49, %dma_start3A_383] : memref<50000x32xf32, #tpu.memory_space<vmem_shared>> -> memref<125x32xf32, #tpu.memory_space<vmem_shared>>
      tpu.enqueue_dma source(%arg12 : memref<125x32xf32, #tpu.memory_space<vmem>>) target(%dma_start3A_384 : memref<125x32xf32, #tpu.memory_space<vmem_shared>>) target_semaphore(%run_scoped3A : memref<!tpu.dma_semaphore, #tpu.memory_space<semaphore_mem>>)
      %dma_wait3A = arith.constant 0 : i32
      %dma_wait3A_385 = tpu.memref_slice %arg13[%add3A_49, %dma_wait3A] : memref<50000x32xf32, #tpu.memory_space<vmem_shared>> -> memref<125x32xf32, #tpu.memory_space<vmem_shared>>
      %dma_wait3A_386 = arith.constant 0 : i32
      %dma_wait3A_387 = tpu.memref_slice %arg13[%add3A_49, %dma_wait3A_386] : memref<50000x32xf32, #tpu.memory_space<vmem_shared>> -> memref<125x32xf32, #tpu.memory_space<vmem_shared>>
      tpu.wait_dma2 semaphore(%run_scoped3A : memref<!tpu.dma_semaphore, #tpu.memory_space<semaphore_mem>>) src(%arg12 : memref<125x32xf32, #tpu.memory_space<vmem>>) dst(%dma_wait3A_387 : memref<125x32xf32, #tpu.memory_space<vmem_shared>>)
      tpu.yield
    }) : () -> ()
    %mul3A_50 = arith.constant 3125 : i32
    %mul3A_51 = arith.muli %arg1, %mul3A_50 : i32
    %add3A_52 = arith.constant 1625 : i32
    %add3A_53 = arith.addi %mul3A_51, %add3A_52 : i32
    "tpu.region"() ({
      %run_scoped3A = tpu.sem_alloc : memref<!tpu.dma_semaphore, #tpu.memory_space<semaphore_mem>>
      %dma_start3A = arith.constant 0 : i32
      %dma_start3A_382 = tpu.memref_slice %arg13[%add3A_53, %dma_start3A] : memref<50000x32xf32, #tpu.memory_space<vmem_shared>> -> memref<125x32xf32, #tpu.memory_space<vmem_shared>>
      %dma_start3A_383 = arith.constant 0 : i32
      %dma_start3A_384 = tpu.memref_slice %arg13[%add3A_53, %dma_start3A_383] : memref<50000x32xf32, #tpu.memory_space<vmem_shared>> -> memref<125x32xf32, #tpu.memory_space<vmem_shared>>
      tpu.enqueue_dma source(%arg12 : memref<125x32xf32, #tpu.memory_space<vmem>>) target(%dma_start3A_384 : memref<125x32xf32, #tpu.memory_space<vmem_shared>>) target_semaphore(%run_scoped3A : memref<!tpu.dma_semaphore, #tpu.memory_space<semaphore_mem>>)
      %dma_wait3A = arith.constant 0 : i32
      %dma_wait3A_385 = tpu.memref_slice %arg13[%add3A_53, %dma_wait3A] : memref<50000x32xf32, #tpu.memory_space<vmem_shared>> -> memref<125x32xf32, #tpu.memory_space<vmem_shared>>
      %dma_wait3A_386 = arith.constant 0 : i32
      %dma_wait3A_387 = tpu.memref_slice %arg13[%add3A_53, %dma_wait3A_386] : memref<50000x32xf32, #tpu.memory_space<vmem_shared>> -> memref<125x32xf32, #tpu.memory_space<vmem_shared>>
      tpu.wait_dma2 semaphore(%run_scoped3A : memref<!tpu.dma_semaphore, #tpu.memory_space<semaphore_mem>>) src(%arg12 : memref<125x32xf32, #tpu.memory_space<vmem>>) dst(%dma_wait3A_387 : memref<125x32xf32, #tpu.memory_space<vmem_shared>>)
      tpu.yield
    }) : () -> ()
    %mul3A_54 = arith.constant 3125 : i32
    %mul3A_55 = arith.muli %arg1, %mul3A_54 : i32
    %add3A_56 = arith.constant 1750 : i32
    %add3A_57 = arith.addi %mul3A_55, %add3A_56 : i32
    "tpu.region"() ({
      %run_scoped3A = tpu.sem_alloc : memref<!tpu.dma_semaphore, #tpu.memory_space<semaphore_mem>>
      %dma_start3A = arith.constant 0 : i32
      %dma_start3A_382 = tpu.memref_slice %arg13[%add3A_57, %dma_start3A] : memref<50000x32xf32, #tpu.memory_space<vmem_shared>> -> memref<125x32xf32, #tpu.memory_space<vmem_shared>>
      %dma_start3A_383 = arith.constant 0 : i32
      %dma_start3A_384 = tpu.memref_slice %arg13[%add3A_57, %dma_start3A_383] : memref<50000x32xf32, #tpu.memory_space<vmem_shared>> -> memref<125x32xf32, #tpu.memory_space<vmem_shared>>
      tpu.enqueue_dma source(%arg12 : memref<125x32xf32, #tpu.memory_space<vmem>>) target(%dma_start3A_384 : memref<125x32xf32, #tpu.memory_space<vmem_shared>>) target_semaphore(%run_scoped3A : memref<!tpu.dma_semaphore, #tpu.memory_space<semaphore_mem>>)
      %dma_wait3A = arith.constant 0 : i32
      %dma_wait3A_385 = tpu.memref_slice %arg13[%add3A_57, %dma_wait3A] : memref<50000x32xf32, #tpu.memory_space<vmem_shared>> -> memref<125x32xf32, #tpu.memory_space<vmem_shared>>
      %dma_wait3A_386 = arith.constant 0 : i32
      %dma_wait3A_387 = tpu.memref_slice %arg13[%add3A_57, %dma_wait3A_386] : memref<50000x32xf32, #tpu.memory_space<vmem_shared>> -> memref<125x32xf32, #tpu.memory_space<vmem_shared>>
      tpu.wait_dma2 semaphore(%run_scoped3A : memref<!tpu.dma_semaphore, #tpu.memory_space<semaphore_mem>>) src(%arg12 : memref<125x32xf32, #tpu.memory_space<vmem>>) dst(%dma_wait3A_387 : memref<125x32xf32, #tpu.memory_space<vmem_shared>>)
      tpu.yield
    }) : () -> ()
    %mul3A_58 = arith.constant 3125 : i32
    %mul3A_59 = arith.muli %arg1, %mul3A_58 : i32
    %add3A_60 = arith.constant 1875 : i32
    %add3A_61 = arith.addi %mul3A_59, %add3A_60 : i32
    "tpu.region"() ({
      %run_scoped3A = tpu.sem_alloc : memref<!tpu.dma_semaphore, #tpu.memory_space<semaphore_mem>>
      %dma_start3A = arith.constant 0 : i32
      %dma_start3A_382 = tpu.memref_slice %arg13[%add3A_61, %dma_start3A] : memref<50000x32xf32, #tpu.memory_space<vmem_shared>> -> memref<125x32xf32, #tpu.memory_space<vmem_shared>>
      %dma_start3A_383 = arith.constant 0 : i32
      %dma_start3A_384 = tpu.memref_slice %arg13[%add3A_61, %dma_start3A_383] : memref<50000x32xf32, #tpu.memory_space<vmem_shared>> -> memref<125x32xf32, #tpu.memory_space<vmem_shared>>
      tpu.enqueue_dma source(%arg12 : memref<125x32xf32, #tpu.memory_space<vmem>>) target(%dma_start3A_384 : memref<125x32xf32, #tpu.memory_space<vmem_shared>>) target_semaphore(%run_scoped3A : memref<!tpu.dma_semaphore, #tpu.memory_space<semaphore_mem>>)
      %dma_wait3A = arith.constant 0 : i32
      %dma_wait3A_385 = tpu.memref_slice %arg13[%add3A_61, %dma_wait3A] : memref<50000x32xf32, #tpu.memory_space<vmem_shared>> -> memref<125x32xf32, #tpu.memory_space<vmem_shared>>
      %dma_wait3A_386 = arith.constant 0 : i32
      %dma_wait3A_387 = tpu.memref_slice %arg13[%add3A_61, %dma_wait3A_386] : memref<50000x32xf32, #tpu.memory_space<vmem_shared>> -> memref<125x32xf32, #tpu.memory_space<vmem_shared>>
      tpu.wait_dma2 semaphore(%run_scoped3A : memref<!tpu.dma_semaphore, #tpu.memory_space<semaphore_mem>>) src(%arg12 : memref<125x32xf32, #tpu.memory_space<vmem>>) dst(%dma_wait3A_387 : memref<125x32xf32, #tpu.memory_space<vmem_shared>>)
      tpu.yield
    }) : () -> ()
    %mul3A_62 = arith.constant 3125 : i32
    %mul3A_63 = arith.muli %arg1, %mul3A_62 : i32
    %add3A_64 = arith.constant 2000 : i32
    %add3A_65 = arith.addi %mul3A_63, %add3A_64 : i32
    "tpu.region"() ({
      %run_scoped3A = tpu.sem_alloc : memref<!tpu.dma_semaphore, #tpu.memory_space<semaphore_mem>>
      %dma_start3A = arith.constant 0 : i32
      %dma_start3A_382 = tpu.memref_slice %arg13[%add3A_65, %dma_start3A] : memref<50000x32xf32, #tpu.memory_space<vmem_shared>> -> memref<125x32xf32, #tpu.memory_space<vmem_shared>>
      %dma_start3A_383 = arith.constant 0 : i32
      %dma_start3A_384 = tpu.memref_slice %arg13[%add3A_65, %dma_start3A_383] : memref<50000x32xf32, #tpu.memory_space<vmem_shared>> -> memref<125x32xf32, #tpu.memory_space<vmem_shared>>
      tpu.enqueue_dma source(%arg12 : memref<125x32xf32, #tpu.memory_space<vmem>>) target(%dma_start3A_384 : memref<125x32xf32, #tpu.memory_space<vmem_shared>>) target_semaphore(%run_scoped3A : memref<!tpu.dma_semaphore, #tpu.memory_space<semaphore_mem>>)
      %dma_wait3A = arith.constant 0 : i32
      %dma_wait3A_385 = tpu.memref_slice %arg13[%add3A_65, %dma_wait3A] : memref<50000x32xf32, #tpu.memory_space<vmem_shared>> -> memref<125x32xf32, #tpu.memory_space<vmem_shared>>
      %dma_wait3A_386 = arith.constant 0 : i32
      %dma_wait3A_387 = tpu.memref_slice %arg13[%add3A_65, %dma_wait3A_386] : memref<50000x32xf32, #tpu.memory_space<vmem_shared>> -> memref<125x32xf32, #tpu.memory_space<vmem_shared>>
      tpu.wait_dma2 semaphore(%run_scoped3A : memref<!tpu.dma_semaphore, #tpu.memory_space<semaphore_mem>>) src(%arg12 : memref<125x32xf32, #tpu.memory_space<vmem>>) dst(%dma_wait3A_387 : memref<125x32xf32, #tpu.memory_space<vmem_shared>>)
      tpu.yield
    }) : () -> ()
    %mul3A_66 = arith.constant 3125 : i32
    %mul3A_67 = arith.muli %arg1, %mul3A_66 : i32
    %add3A_68 = arith.constant 2125 : i32
    %add3A_69 = arith.addi %mul3A_67, %add3A_68 : i32
    "tpu.region"() ({
      %run_scoped3A = tpu.sem_alloc : memref<!tpu.dma_semaphore, #tpu.memory_space<semaphore_mem>>
      %dma_start3A = arith.constant 0 : i32
      %dma_start3A_382 = tpu.memref_slice %arg13[%add3A_69, %dma_start3A] : memref<50000x32xf32, #tpu.memory_space<vmem_shared>> -> memref<125x32xf32, #tpu.memory_space<vmem_shared>>
      %dma_start3A_383 = arith.constant 0 : i32
      %dma_start3A_384 = tpu.memref_slice %arg13[%add3A_69, %dma_start3A_383] : memref<50000x32xf32, #tpu.memory_space<vmem_shared>> -> memref<125x32xf32, #tpu.memory_space<vmem_shared>>
      tpu.enqueue_dma source(%arg12 : memref<125x32xf32, #tpu.memory_space<vmem>>) target(%dma_start3A_384 : memref<125x32xf32, #tpu.memory_space<vmem_shared>>) target_semaphore(%run_scoped3A : memref<!tpu.dma_semaphore, #tpu.memory_space<semaphore_mem>>)
      %dma_wait3A = arith.constant 0 : i32
      %dma_wait3A_385 = tpu.memref_slice %arg13[%add3A_69, %dma_wait3A] : memref<50000x32xf32, #tpu.memory_space<vmem_shared>> -> memref<125x32xf32, #tpu.memory_space<vmem_shared>>
      %dma_wait3A_386 = arith.constant 0 : i32
      %dma_wait3A_387 = tpu.memref_slice %arg13[%add3A_69, %dma_wait3A_386] : memref<50000x32xf32, #tpu.memory_space<vmem_shared>> -> memref<125x32xf32, #tpu.memory_space<vmem_shared>>
      tpu.wait_dma2 semaphore(%run_scoped3A : memref<!tpu.dma_semaphore, #tpu.memory_space<semaphore_mem>>) src(%arg12 : memref<125x32xf32, #tpu.memory_space<vmem>>) dst(%dma_wait3A_387 : memref<125x32xf32, #tpu.memory_space<vmem_shared>>)
      tpu.yield
    }) : () -> ()
    %mul3A_70 = arith.constant 3125 : i32
    %mul3A_71 = arith.muli %arg1, %mul3A_70 : i32
    %add3A_72 = arith.constant 2250 : i32
    %add3A_73 = arith.addi %mul3A_71, %add3A_72 : i32
    "tpu.region"() ({
      %run_scoped3A = tpu.sem_alloc : memref<!tpu.dma_semaphore, #tpu.memory_space<semaphore_mem>>
      %dma_start3A = arith.constant 0 : i32
      %dma_start3A_382 = tpu.memref_slice %arg13[%add3A_73, %dma_start3A] : memref<50000x32xf32, #tpu.memory_space<vmem_shared>> -> memref<125x32xf32, #tpu.memory_space<vmem_shared>>
      %dma_start3A_383 = arith.constant 0 : i32
      %dma_start3A_384 = tpu.memref_slice %arg13[%add3A_73, %dma_start3A_383] : memref<50000x32xf32, #tpu.memory_space<vmem_shared>> -> memref<125x32xf32, #tpu.memory_space<vmem_shared>>
      tpu.enqueue_dma source(%arg12 : memref<125x32xf32, #tpu.memory_space<vmem>>) target(%dma_start3A_384 : memref<125x32xf32, #tpu.memory_space<vmem_shared>>) target_semaphore(%run_scoped3A : memref<!tpu.dma_semaphore, #tpu.memory_space<semaphore_mem>>)
      %dma_wait3A = arith.constant 0 : i32
      %dma_wait3A_385 = tpu.memref_slice %arg13[%add3A_73, %dma_wait3A] : memref<50000x32xf32, #tpu.memory_space<vmem_shared>> -> memref<125x32xf32, #tpu.memory_space<vmem_shared>>
      %dma_wait3A_386 = arith.constant 0 : i32
      %dma_wait3A_387 = tpu.memref_slice %arg13[%add3A_73, %dma_wait3A_386] : memref<50000x32xf32, #tpu.memory_space<vmem_shared>> -> memref<125x32xf32, #tpu.memory_space<vmem_shared>>
      tpu.wait_dma2 semaphore(%run_scoped3A : memref<!tpu.dma_semaphore, #tpu.memory_space<semaphore_mem>>) src(%arg12 : memref<125x32xf32, #tpu.memory_space<vmem>>) dst(%dma_wait3A_387 : memref<125x32xf32, #tpu.memory_space<vmem_shared>>)
      tpu.yield
    }) : () -> ()
    %mul3A_74 = arith.constant 3125 : i32
    %mul3A_75 = arith.muli %arg1, %mul3A_74 : i32
    %add3A_76 = arith.constant 2375 : i32
    %add3A_77 = arith.addi %mul3A_75, %add3A_76 : i32
    "tpu.region"() ({
      %run_scoped3A = tpu.sem_alloc : memref<!tpu.dma_semaphore, #tpu.memory_space<semaphore_mem>>
      %dma_start3A = arith.constant 0 : i32
      %dma_start3A_382 = tpu.memref_slice %arg13[%add3A_77, %dma_start3A] : memref<50000x32xf32, #tpu.memory_space<vmem_shared>> -> memref<125x32xf32, #tpu.memory_space<vmem_shared>>
      %dma_start3A_383 = arith.constant 0 : i32
      %dma_start3A_384 = tpu.memref_slice %arg13[%add3A_77, %dma_start3A_383] : memref<50000x32xf32, #tpu.memory_space<vmem_shared>> -> memref<125x32xf32, #tpu.memory_space<vmem_shared>>
      tpu.enqueue_dma source(%arg12 : memref<125x32xf32, #tpu.memory_space<vmem>>) target(%dma_start3A_384 : memref<125x32xf32, #tpu.memory_space<vmem_shared>>) target_semaphore(%run_scoped3A : memref<!tpu.dma_semaphore, #tpu.memory_space<semaphore_mem>>)
      %dma_wait3A = arith.constant 0 : i32
      %dma_wait3A_385 = tpu.memref_slice %arg13[%add3A_77, %dma_wait3A] : memref<50000x32xf32, #tpu.memory_space<vmem_shared>> -> memref<125x32xf32, #tpu.memory_space<vmem_shared>>
      %dma_wait3A_386 = arith.constant 0 : i32
      %dma_wait3A_387 = tpu.memref_slice %arg13[%add3A_77, %dma_wait3A_386] : memref<50000x32xf32, #tpu.memory_space<vmem_shared>> -> memref<125x32xf32, #tpu.memory_space<vmem_shared>>
      tpu.wait_dma2 semaphore(%run_scoped3A : memref<!tpu.dma_semaphore, #tpu.memory_space<semaphore_mem>>) src(%arg12 : memref<125x32xf32, #tpu.memory_space<vmem>>) dst(%dma_wait3A_387 : memref<125x32xf32, #tpu.memory_space<vmem_shared>>)
      tpu.yield
    }) : () -> ()
    %mul3A_78 = arith.constant 3125 : i32
    %mul3A_79 = arith.muli %arg1, %mul3A_78 : i32
    %add3A_80 = arith.constant 2500 : i32
    %add3A_81 = arith.addi %mul3A_79, %add3A_80 : i32
    "tpu.region"() ({
      %run_scoped3A = tpu.sem_alloc : memref<!tpu.dma_semaphore, #tpu.memory_space<semaphore_mem>>
      %dma_start3A = arith.constant 0 : i32
      %dma_start3A_382 = tpu.memref_slice %arg13[%add3A_81, %dma_start3A] : memref<50000x32xf32, #tpu.memory_space<vmem_shared>> -> memref<125x32xf32, #tpu.memory_space<vmem_shared>>
      %dma_start3A_383 = arith.constant 0 : i32
      %dma_start3A_384 = tpu.memref_slice %arg13[%add3A_81, %dma_start3A_383] : memref<50000x32xf32, #tpu.memory_space<vmem_shared>> -> memref<125x32xf32, #tpu.memory_space<vmem_shared>>
      tpu.enqueue_dma source(%arg12 : memref<125x32xf32, #tpu.memory_space<vmem>>) target(%dma_start3A_384 : memref<125x32xf32, #tpu.memory_space<vmem_shared>>) target_semaphore(%run_scoped3A : memref<!tpu.dma_semaphore, #tpu.memory_space<semaphore_mem>>)
      %dma_wait3A = arith.constant 0 : i32
      %dma_wait3A_385 = tpu.memref_slice %arg13[%add3A_81, %dma_wait3A] : memref<50000x32xf32, #tpu.memory_space<vmem_shared>> -> memref<125x32xf32, #tpu.memory_space<vmem_shared>>
      %dma_wait3A_386 = arith.constant 0 : i32
      %dma_wait3A_387 = tpu.memref_slice %arg13[%add3A_81, %dma_wait3A_386] : memref<50000x32xf32, #tpu.memory_space<vmem_shared>> -> memref<125x32xf32, #tpu.memory_space<vmem_shared>>
      tpu.wait_dma2 semaphore(%run_scoped3A : memref<!tpu.dma_semaphore, #tpu.memory_space<semaphore_mem>>) src(%arg12 : memref<125x32xf32, #tpu.memory_space<vmem>>) dst(%dma_wait3A_387 : memref<125x32xf32, #tpu.memory_space<vmem_shared>>)
      tpu.yield
    }) : () -> ()
    %mul3A_82 = arith.constant 3125 : i32
    %mul3A_83 = arith.muli %arg1, %mul3A_82 : i32
    %add3A_84 = arith.constant 2625 : i32
    %add3A_85 = arith.addi %mul3A_83, %add3A_84 : i32
    "tpu.region"() ({
      %run_scoped3A = tpu.sem_alloc : memref<!tpu.dma_semaphore, #tpu.memory_space<semaphore_mem>>
      %dma_start3A = arith.constant 0 : i32
      %dma_start3A_382 = tpu.memref_slice %arg13[%add3A_85, %dma_start3A] : memref<50000x32xf32, #tpu.memory_space<vmem_shared>> -> memref<125x32xf32, #tpu.memory_space<vmem_shared>>
      %dma_start3A_383 = arith.constant 0 : i32
      %dma_start3A_384 = tpu.memref_slice %arg13[%add3A_85, %dma_start3A_383] : memref<50000x32xf32, #tpu.memory_space<vmem_shared>> -> memref<125x32xf32, #tpu.memory_space<vmem_shared>>
      tpu.enqueue_dma source(%arg12 : memref<125x32xf32, #tpu.memory_space<vmem>>) target(%dma_start3A_384 : memref<125x32xf32, #tpu.memory_space<vmem_shared>>) target_semaphore(%run_scoped3A : memref<!tpu.dma_semaphore, #tpu.memory_space<semaphore_mem>>)
      %dma_wait3A = arith.constant 0 : i32
      %dma_wait3A_385 = tpu.memref_slice %arg13[%add3A_85, %dma_wait3A] : memref<50000x32xf32, #tpu.memory_space<vmem_shared>> -> memref<125x32xf32, #tpu.memory_space<vmem_shared>>
      %dma_wait3A_386 = arith.constant 0 : i32
      %dma_wait3A_387 = tpu.memref_slice %arg13[%add3A_85, %dma_wait3A_386] : memref<50000x32xf32, #tpu.memory_space<vmem_shared>> -> memref<125x32xf32, #tpu.memory_space<vmem_shared>>
      tpu.wait_dma2 semaphore(%run_scoped3A : memref<!tpu.dma_semaphore, #tpu.memory_space<semaphore_mem>>) src(%arg12 : memref<125x32xf32, #tpu.memory_space<vmem>>) dst(%dma_wait3A_387 : memref<125x32xf32, #tpu.memory_space<vmem_shared>>)
      tpu.yield
    }) : () -> ()
    %mul3A_86 = arith.constant 3125 : i32
    %mul3A_87 = arith.muli %arg1, %mul3A_86 : i32
    %add3A_88 = arith.constant 2750 : i32
    %add3A_89 = arith.addi %mul3A_87, %add3A_88 : i32
    "tpu.region"() ({
      %run_scoped3A = tpu.sem_alloc : memref<!tpu.dma_semaphore, #tpu.memory_space<semaphore_mem>>
      %dma_start3A = arith.constant 0 : i32
      %dma_start3A_382 = tpu.memref_slice %arg13[%add3A_89, %dma_start3A] : memref<50000x32xf32, #tpu.memory_space<vmem_shared>> -> memref<125x32xf32, #tpu.memory_space<vmem_shared>>
      %dma_start3A_383 = arith.constant 0 : i32
      %dma_start3A_384 = tpu.memref_slice %arg13[%add3A_89, %dma_start3A_383] : memref<50000x32xf32, #tpu.memory_space<vmem_shared>> -> memref<125x32xf32, #tpu.memory_space<vmem_shared>>
      tpu.enqueue_dma source(%arg12 : memref<125x32xf32, #tpu.memory_space<vmem>>) target(%dma_start3A_384 : memref<125x32xf32, #tpu.memory_space<vmem_shared>>) target_semaphore(%run_scoped3A : memref<!tpu.dma_semaphore, #tpu.memory_space<semaphore_mem>>)
      %dma_wait3A = arith.constant 0 : i32
      %dma_wait3A_385 = tpu.memref_slice %arg13[%add3A_89, %dma_wait3A] : memref<50000x32xf32, #tpu.memory_space<vmem_shared>> -> memref<125x32xf32, #tpu.memory_space<vmem_shared>>
      %dma_wait3A_386 = arith.constant 0 : i32
      %dma_wait3A_387 = tpu.memref_slice %arg13[%add3A_89, %dma_wait3A_386] : memref<50000x32xf32, #tpu.memory_space<vmem_shared>> -> memref<125x32xf32, #tpu.memory_space<vmem_shared>>
      tpu.wait_dma2 semaphore(%run_scoped3A : memref<!tpu.dma_semaphore, #tpu.memory_space<semaphore_mem>>) src(%arg12 : memref<125x32xf32, #tpu.memory_space<vmem>>) dst(%dma_wait3A_387 : memref<125x32xf32, #tpu.memory_space<vmem_shared>>)
      tpu.yield
    }) : () -> ()
    %mul3A_90 = arith.constant 3125 : i32
    %mul3A_91 = arith.muli %arg1, %mul3A_90 : i32
    %add3A_92 = arith.constant 2875 : i32
    %add3A_93 = arith.addi %mul3A_91, %add3A_92 : i32
    "tpu.region"() ({
      %run_scoped3A = tpu.sem_alloc : memref<!tpu.dma_semaphore, #tpu.memory_space<semaphore_mem>>
      %dma_start3A = arith.constant 0 : i32
      %dma_start3A_382 = tpu.memref_slice %arg13[%add3A_93, %dma_start3A] : memref<50000x32xf32, #tpu.memory_space<vmem_shared>> -> memref<125x32xf32, #tpu.memory_space<vmem_shared>>
      %dma_start3A_383 = arith.constant 0 : i32
      %dma_start3A_384 = tpu.memref_slice %arg13[%add3A_93, %dma_start3A_383] : memref<50000x32xf32, #tpu.memory_space<vmem_shared>> -> memref<125x32xf32, #tpu.memory_space<vmem_shared>>
      tpu.enqueue_dma source(%arg12 : memref<125x32xf32, #tpu.memory_space<vmem>>) target(%dma_start3A_384 : memref<125x32xf32, #tpu.memory_space<vmem_shared>>) target_semaphore(%run_scoped3A : memref<!tpu.dma_semaphore, #tpu.memory_space<semaphore_mem>>)
      %dma_wait3A = arith.constant 0 : i32
      %dma_wait3A_385 = tpu.memref_slice %arg13[%add3A_93, %dma_wait3A] : memref<50000x32xf32, #tpu.memory_space<vmem_shared>> -> memref<125x32xf32, #tpu.memory_space<vmem_shared>>
      %dma_wait3A_386 = arith.constant 0 : i32
      %dma_wait3A_387 = tpu.memref_slice %arg13[%add3A_93, %dma_wait3A_386] : memref<50000x32xf32, #tpu.memory_space<vmem_shared>> -> memref<125x32xf32, #tpu.memory_space<vmem_shared>>
      tpu.wait_dma2 semaphore(%run_scoped3A : memref<!tpu.dma_semaphore, #tpu.memory_space<semaphore_mem>>) src(%arg12 : memref<125x32xf32, #tpu.memory_space<vmem>>) dst(%dma_wait3A_387 : memref<125x32xf32, #tpu.memory_space<vmem_shared>>)
      tpu.yield
    }) : () -> ()
    %mul3A_94 = arith.constant 3125 : i32
    %mul3A_95 = arith.muli %arg1, %mul3A_94 : i32
    %add3A_96 = arith.constant 3000 : i32
    %add3A_97 = arith.addi %mul3A_95, %add3A_96 : i32
    "tpu.region"() ({
      %run_scoped3A = tpu.sem_alloc : memref<!tpu.dma_semaphore, #tpu.memory_space<semaphore_mem>>
      %dma_start3A = arith.constant 0 : i32
      %dma_start3A_382 = tpu.memref_slice %arg13[%add3A_97, %dma_start3A] : memref<50000x32xf32, #tpu.memory_space<vmem_shared>> -> memref<125x32xf32, #tpu.memory_space<vmem_shared>>
      %dma_start3A_383 = arith.constant 0 : i32
      %dma_start3A_384 = tpu.memref_slice %arg13[%add3A_97, %dma_start3A_383] : memref<50000x32xf32, #tpu.memory_space<vmem_shared>> -> memref<125x32xf32, #tpu.memory_space<vmem_shared>>
      tpu.enqueue_dma source(%arg12 : memref<125x32xf32, #tpu.memory_space<vmem>>) target(%dma_start3A_384 : memref<125x32xf32, #tpu.memory_space<vmem_shared>>) target_semaphore(%run_scoped3A : memref<!tpu.dma_semaphore, #tpu.memory_space<semaphore_mem>>)
      %dma_wait3A = arith.constant 0 : i32
      %dma_wait3A_385 = tpu.memref_slice %arg13[%add3A_97, %dma_wait3A] : memref<50000x32xf32, #tpu.memory_space<vmem_shared>> -> memref<125x32xf32, #tpu.memory_space<vmem_shared>>
      %dma_wait3A_386 = arith.constant 0 : i32
      %dma_wait3A_387 = tpu.memref_slice %arg13[%add3A_97, %dma_wait3A_386] : memref<50000x32xf32, #tpu.memory_space<vmem_shared>> -> memref<125x32xf32, #tpu.memory_space<vmem_shared>>
      tpu.wait_dma2 semaphore(%run_scoped3A : memref<!tpu.dma_semaphore, #tpu.memory_space<semaphore_mem>>) src(%arg12 : memref<125x32xf32, #tpu.memory_space<vmem>>) dst(%dma_wait3A_387 : memref<125x32xf32, #tpu.memory_space<vmem_shared>>)
      tpu.yield
    }) : () -> ()
    %barrier3A = arith.constant 0 : index
    tpu.barrier barrier_id(%barrier3A)
    %mul3A_98 = arith.constant 50000 : i32
    %mul3A_99 = arith.muli %arg0, %mul3A_98 : i32
    %scan3A = arith.constant 0 : i32
    %scan3A_100 = arith.constant 0 : i32
    %scan3A_101 = arith.constant 100 : i32
    %scan3A_102 = arith.addi %scan3A_100, %scan3A_101 : i32
    %scan3A_103 = arith.constant 1 : i32
    %scan3A_104 = scf.for %scan3A_382 = %scan3A_100 to %scan3A_102 step %scan3A_103 iter_args(%scan3A_383 = %scan3A) -> (i32)  : i32 {
      %mul3A_384 = arith.constant 100 : i32
      %mul3A_385 = arith.muli %arg1, %mul3A_384 : i32
      %add3A_386 = arith.addi %mul3A_385, %scan3A_382 : i32
      %mul3A_387 = arith.constant 4 : i32
      %mul3A_388 = arith.muli %add3A_386, %mul3A_387 : i32
      %multiple_of3A = tpu.assume_multiple %mul3A_388, 4 : i32
      %run_scoped3A = arith.constant 0 : i32
      "tpu.region"() ({
        %run_scoped3A_886 = tpu.sem_alloc : memref<!tpu.dma_semaphore, #tpu.memory_space<semaphore_mem>>
        %dma_start3A_887 = arith.constant 0 : i32
        %dma_start3A_888 = tpu.memref_slice %arg2[%run_scoped3A, %multiple_of3A, %dma_start3A_887] : memref<2x6400x125xi32, #tpu.memory_space<hbm>> -> memref<1x4x125xi32, #tpu.memory_space<hbm>>
        %dma_start3A_889 = tpu.memref_squeeze %dma_start3A_888 : memref<1x4x125xi32, #tpu.memory_space<hbm>> -> memref<4x125xi32, #tpu.memory_space<hbm>>
        %dma_start3A_890 = arith.constant 0 : i32
        %dma_start3A_891 = tpu.memref_slice %arg2[%run_scoped3A, %multiple_of3A, %dma_start3A_890] : memref<2x6400x125xi32, #tpu.memory_space<hbm>> -> memref<1x4x125xi32, #tpu.memory_space<hbm>>
        %dma_start3A_892 = tpu.memref_squeeze %dma_start3A_891 : memref<1x4x125xi32, #tpu.memory_space<hbm>> -> memref<4x125xi32, #tpu.memory_space<hbm>>
        tpu.enqueue_dma source(%dma_start3A_892 : memref<4x125xi32, #tpu.memory_space<hbm>>) target(%arg6 : memref<4x125xi32, #tpu.memory_space<vmem>>) target_semaphore(%run_scoped3A_886 : memref<!tpu.dma_semaphore, #tpu.memory_space<semaphore_mem>>)
        %dma_wait3A_893 = arith.constant 0 : i32
        %dma_wait3A_894 = tpu.memref_slice %arg2[%run_scoped3A, %multiple_of3A, %dma_wait3A_893] : memref<2x6400x125xi32, #tpu.memory_space<hbm>> -> memref<1x4x125xi32, #tpu.memory_space<hbm>>
        %dma_wait3A_895 = tpu.memref_squeeze %dma_wait3A_894 : memref<1x4x125xi32, #tpu.memory_space<hbm>> -> memref<4x125xi32, #tpu.memory_space<hbm>>
        %dma_wait3A_896 = arith.constant 0 : i32
        %dma_wait3A_897 = tpu.memref_slice %arg2[%run_scoped3A, %multiple_of3A, %dma_wait3A_896] : memref<2x6400x125xi32, #tpu.memory_space<hbm>> -> memref<1x4x125xi32, #tpu.memory_space<hbm>>
        %dma_wait3A_898 = tpu.memref_squeeze %dma_wait3A_897 : memref<1x4x125xi32, #tpu.memory_space<hbm>> -> memref<4x125xi32, #tpu.memory_space<hbm>>
        tpu.wait_dma2 semaphore(%run_scoped3A_886 : memref<!tpu.dma_semaphore, #tpu.memory_space<semaphore_mem>>) src(%dma_wait3A_898 : memref<4x125xi32, #tpu.memory_space<hbm>>) dst(%arg6 : memref<4x125xi32, #tpu.memory_space<vmem>>)
        tpu.yield
      }) : () -> ()
      %run_scoped3A_389 = arith.constant 1 : i32
      "tpu.region"() ({
        %run_scoped3A_886 = tpu.sem_alloc : memref<!tpu.dma_semaphore, #tpu.memory_space<semaphore_mem>>
        %dma_start3A_887 = arith.constant 0 : i32
        %dma_start3A_888 = tpu.memref_slice %arg2[%run_scoped3A_389, %multiple_of3A, %dma_start3A_887] : memref<2x6400x125xi32, #tpu.memory_space<hbm>> -> memref<1x4x125xi32, #tpu.memory_space<hbm>>
        %dma_start3A_889 = tpu.memref_squeeze %dma_start3A_888 : memref<1x4x125xi32, #tpu.memory_space<hbm>> -> memref<4x125xi32, #tpu.memory_space<hbm>>
        %dma_start3A_890 = arith.constant 0 : i32
        %dma_start3A_891 = tpu.memref_slice %arg2[%run_scoped3A_389, %multiple_of3A, %dma_start3A_890] : memref<2x6400x125xi32, #tpu.memory_space<hbm>> -> memref<1x4x125xi32, #tpu.memory_space<hbm>>
        %dma_start3A_892 = tpu.memref_squeeze %dma_start3A_891 : memref<1x4x125xi32, #tpu.memory_space<hbm>> -> memref<4x125xi32, #tpu.memory_space<hbm>>
        tpu.enqueue_dma source(%dma_start3A_892 : memref<4x125xi32, #tpu.memory_space<hbm>>) target(%arg7 : memref<4x125xi32, #tpu.memory_space<vmem>>) target_semaphore(%run_scoped3A_886 : memref<!tpu.dma_semaphore, #tpu.memory_space<semaphore_mem>>)
        %dma_wait3A_893 = arith.constant 0 : i32
        %dma_wait3A_894 = tpu.memref_slice %arg2[%run_scoped3A_389, %multiple_of3A, %dma_wait3A_893] : memref<2x6400x125xi32, #tpu.memory_space<hbm>> -> memref<1x4x125xi32, #tpu.memory_space<hbm>>
        %dma_wait3A_895 = tpu.memref_squeeze %dma_wait3A_894 : memref<1x4x125xi32, #tpu.memory_space<hbm>> -> memref<4x125xi32, #tpu.memory_space<hbm>>
        %dma_wait3A_896 = arith.constant 0 : i32
        %dma_wait3A_897 = tpu.memref_slice %arg2[%run_scoped3A_389, %multiple_of3A, %dma_wait3A_896] : memref<2x6400x125xi32, #tpu.memory_space<hbm>> -> memref<1x4x125xi32, #tpu.memory_space<hbm>>
        %dma_wait3A_898 = tpu.memref_squeeze %dma_wait3A_897 : memref<1x4x125xi32, #tpu.memory_space<hbm>> -> memref<4x125xi32, #tpu.memory_space<hbm>>
        tpu.wait_dma2 semaphore(%run_scoped3A_886 : memref<!tpu.dma_semaphore, #tpu.memory_space<semaphore_mem>>) src(%dma_wait3A_898 : memref<4x125xi32, #tpu.memory_space<hbm>>) dst(%arg7 : memref<4x125xi32, #tpu.memory_space<vmem>>)
        tpu.yield
      }) : () -> ()
      %get3A = arith.constant 0 : i32
      %get3A_390 = arith.index_cast %get3A : i32 to index
      %get3A_391 = arith.constant 0 : index
      %get3A_392 = tpu.vector_load %arg6[%get3A_390, %get3A_391] {strides = array<i32>} : memref<4x125xi32, #tpu.memory_space<vmem>>, vector<1x16xi32>,
      %get3A_393 = vector.shape_cast %get3A_392 : vector<1x16xi32> to vector<16xi32>
      %add3A_394 = vector.broadcast %mul3A_99 : i32 to vector<16xi32>
      %add3A_395 = arith.addi %get3A_393, %add3A_394 : vector<16xi32>
      %swap3A = arith.constant 0 : i32
      %swap3A_396 = arith.index_cast %swap3A : i32 to index
      %swap3A_397 = arith.constant 0 : index
      %swap3A_398 = tpu.vector_load %arg6[%swap3A_396, %swap3A_397] {strides = array<i32>} : memref<4x125xi32, #tpu.memory_space<vmem>>, vector<1x16xi32>,
      %swap3A_399 = vector.shape_cast %swap3A_398 : vector<1x16xi32> to vector<16xi32>
      %swap3A_400 = vector.shape_cast %add3A_395 : vector<16xi32> to vector<1x16xi32>
      tpu.vector_store %arg6[%swap3A_396, %swap3A_397], %swap3A_400 {strides = array<i32>} : memref<4x125xi32, #tpu.memory_space<vmem>>, vector<1x16xi32>,
      %get3A_401 = arith.constant 0 : i32
      %get3A_402 = arith.index_cast %get3A_401 : i32 to index
      %get3A_403 = arith.constant 16 : index
      %get3A_404 = tpu.vector_load %arg6[%get3A_402, %get3A_403] {strides = array<i32>} : memref<4x125xi32, #tpu.memory_space<vmem>>, vector<1x16xi32>,
      %get3A_405 = vector.shape_cast %get3A_404 : vector<1x16xi32> to vector<16xi32>
      %add3A_406 = vector.broadcast %mul3A_99 : i32 to vector<16xi32>
      %add3A_407 = arith.addi %get3A_405, %add3A_406 : vector<16xi32>
      %swap3A_408 = arith.constant 0 : i32
      %swap3A_409 = arith.index_cast %swap3A_408 : i32 to index
      %swap3A_410 = arith.constant 16 : index
      %swap3A_411 = tpu.vector_load %arg6[%swap3A_409, %swap3A_410] {strides = array<i32>} : memref<4x125xi32, #tpu.memory_space<vmem>>, vector<1x16xi32>,
      %swap3A_412 = vector.shape_cast %swap3A_411 : vector<1x16xi32> to vector<16xi32>
      %swap3A_413 = vector.shape_cast %add3A_407 : vector<16xi32> to vector<1x16xi32>
      tpu.vector_store %arg6[%swap3A_409, %swap3A_410], %swap3A_413 {strides = array<i32>} : memref<4x125xi32, #tpu.memory_space<vmem>>, vector<1x16xi32>,
      %get3A_414 = arith.constant 0 : i32
      %get3A_415 = arith.index_cast %get3A_414 : i32 to index
      %get3A_416 = arith.constant 32 : index
      %get3A_417 = tpu.vector_load %arg6[%get3A_415, %get3A_416] {strides = array<i32>} : memref<4x125xi32, #tpu.memory_space<vmem>>, vector<1x16xi32>,
      %get3A_418 = vector.shape_cast %get3A_417 : vector<1x16xi32> to vector<16xi32>
      %add3A_419 = vector.broadcast %mul3A_99 : i32 to vector<16xi32>
      %add3A_420 = arith.addi %get3A_418, %add3A_419 : vector<16xi32>
      %swap3A_421 = arith.constant 0 : i32
      %swap3A_422 = arith.index_cast %swap3A_421 : i32 to index
      %swap3A_423 = arith.constant 32 : index
      %swap3A_424 = tpu.vector_load %arg6[%swap3A_422, %swap3A_423] {strides = array<i32>} : memref<4x125xi32, #tpu.memory_space<vmem>>, vector<1x16xi32>,
      %swap3A_425 = vector.shape_cast %swap3A_424 : vector<1x16xi32> to vector<16xi32>
      %swap3A_426 = vector.shape_cast %add3A_420 : vector<16xi32> to vector<1x16xi32>
      tpu.vector_store %arg6[%swap3A_422, %swap3A_423], %swap3A_426 {strides = array<i32>} : memref<4x125xi32, #tpu.memory_space<vmem>>, vector<1x16xi32>,
      %get3A_427 = arith.constant 0 : i32
      %get3A_428 = arith.index_cast %get3A_427 : i32 to index
      %get3A_429 = arith.constant 48 : index
      %get3A_430 = tpu.vector_load %arg6[%get3A_428, %get3A_429] {strides = array<i32>} : memref<4x125xi32, #tpu.memory_space<vmem>>, vector<1x16xi32>,
      %get3A_431 = vector.shape_cast %get3A_430 : vector<1x16xi32> to vector<16xi32>
      %add3A_432 = vector.broadcast %mul3A_99 : i32 to vector<16xi32>
      %add3A_433 = arith.addi %get3A_431, %add3A_432 : vector<16xi32>
      %swap3A_434 = arith.constant 0 : i32
      %swap3A_435 = arith.index_cast %swap3A_434 : i32 to index
      %swap3A_436 = arith.constant 48 : index
      %swap3A_437 = tpu.vector_load %arg6[%swap3A_435, %swap3A_436] {strides = array<i32>} : memref<4x125xi32, #tpu.memory_space<vmem>>, vector<1x16xi32>,
      %swap3A_438 = vector.shape_cast %swap3A_437 : vector<1x16xi32> to vector<16xi32>
      %swap3A_439 = vector.shape_cast %add3A_433 : vector<16xi32> to vector<1x16xi32>
      tpu.vector_store %arg6[%swap3A_435, %swap3A_436], %swap3A_439 {strides = array<i32>} : memref<4x125xi32, #tpu.memory_space<vmem>>, vector<1x16xi32>,
      %get3A_440 = arith.constant 0 : i32
      %get3A_441 = arith.index_cast %get3A_440 : i32 to index
      %get3A_442 = arith.constant 64 : index
      %get3A_443 = tpu.vector_load %arg6[%get3A_441, %get3A_442] {strides = array<i32>} : memref<4x125xi32, #tpu.memory_space<vmem>>, vector<1x16xi32>,
      %get3A_444 = vector.shape_cast %get3A_443 : vector<1x16xi32> to vector<16xi32>
      %add3A_445 = vector.broadcast %mul3A_99 : i32 to vector<16xi32>
      %add3A_446 = arith.addi %get3A_444, %add3A_445 : vector<16xi32>
      %swap3A_447 = arith.constant 0 : i32
      %swap3A_448 = arith.index_cast %swap3A_447 : i32 to index
      %swap3A_449 = arith.constant 64 : index
      %swap3A_450 = tpu.vector_load %arg6[%swap3A_448, %swap3A_449] {strides = array<i32>} : memref<4x125xi32, #tpu.memory_space<vmem>>, vector<1x16xi32>,
      %swap3A_451 = vector.shape_cast %swap3A_450 : vector<1x16xi32> to vector<16xi32>
      %swap3A_452 = vector.shape_cast %add3A_446 : vector<16xi32> to vector<1x16xi32>
      tpu.vector_store %arg6[%swap3A_448, %swap3A_449], %swap3A_452 {strides = array<i32>} : memref<4x125xi32, #tpu.memory_space<vmem>>, vector<1x16xi32>,
      %get3A_453 = arith.constant 0 : i32
      %get3A_454 = arith.index_cast %get3A_453 : i32 to index
      %get3A_455 = arith.constant 80 : index
      %get3A_456 = tpu.vector_load %arg6[%get3A_454, %get3A_455] {strides = array<i32>} : memref<4x125xi32, #tpu.memory_space<vmem>>, vector<1x16xi32>,
      %get3A_457 = vector.shape_cast %get3A_456 : vector<1x16xi32> to vector<16xi32>
      %add3A_458 = vector.broadcast %mul3A_99 : i32 to vector<16xi32>
      %add3A_459 = arith.addi %get3A_457, %add3A_458 : vector<16xi32>
      %swap3A_460 = arith.constant 0 : i32
      %swap3A_461 = arith.index_cast %swap3A_460 : i32 to index
      %swap3A_462 = arith.constant 80 : index
      %swap3A_463 = tpu.vector_load %arg6[%swap3A_461, %swap3A_462] {strides = array<i32>} : memref<4x125xi32, #tpu.memory_space<vmem>>, vector<1x16xi32>,
      %swap3A_464 = vector.shape_cast %swap3A_463 : vector<1x16xi32> to vector<16xi32>
      %swap3A_465 = vector.shape_cast %add3A_459 : vector<16xi32> to vector<1x16xi32>
      tpu.vector_store %arg6[%swap3A_461, %swap3A_462], %swap3A_465 {strides = array<i32>} : memref<4x125xi32, #tpu.memory_space<vmem>>, vector<1x16xi32>,
      %get3A_466 = arith.constant 0 : i32
      %get3A_467 = arith.index_cast %get3A_466 : i32 to index
      %get3A_468 = arith.constant 96 : index
      %get3A_469 = tpu.vector_load %arg6[%get3A_467, %get3A_468] {strides = array<i32>} : memref<4x125xi32, #tpu.memory_space<vmem>>, vector<1x16xi32>,
      %get3A_470 = vector.shape_cast %get3A_469 : vector<1x16xi32> to vector<16xi32>
      %add3A_471 = vector.broadcast %mul3A_99 : i32 to vector<16xi32>
      %add3A_472 = arith.addi %get3A_470, %add3A_471 : vector<16xi32>
      %swap3A_473 = arith.constant 0 : i32
      %swap3A_474 = arith.index_cast %swap3A_473 : i32 to index
      %swap3A_475 = arith.constant 96 : index
      %swap3A_476 = tpu.vector_load %arg6[%swap3A_474, %swap3A_475] {strides = array<i32>} : memref<4x125xi32, #tpu.memory_space<vmem>>, vector<1x16xi32>,
      %swap3A_477 = vector.shape_cast %swap3A_476 : vector<1x16xi32> to vector<16xi32>
      %swap3A_478 = vector.shape_cast %add3A_472 : vector<16xi32> to vector<1x16xi32>
      tpu.vector_store %arg6[%swap3A_474, %swap3A_475], %swap3A_478 {strides = array<i32>} : memref<4x125xi32, #tpu.memory_space<vmem>>, vector<1x16xi32>,
      %get3A_479 = arith.constant 0 : i32
      %get3A_480 = arith.index_cast %get3A_479 : i32 to index
      %get3A_481 = arith.constant 109 : index
      %get3A_482 = tpu.vector_load %arg6[%get3A_480, %get3A_481] {strides = array<i32>} : memref<4x125xi32, #tpu.memory_space<vmem>>, vector<1x16xi32>,
      %get3A_483 = vector.shape_cast %get3A_482 : vector<1x16xi32> to vector<16xi32>
      %iota3A = tpu.iota {dimensions = array<i32: 0>} : vector<16xi32>
      %ge3A = arith.constant 3 : i32
      %ge3A_484 = vector.broadcast %ge3A : i32 to vector<16xi32>
      %ge3A_485 = arith.cmpi sge, %iota3A, %ge3A_484 : vector<16xi32>
      %jit3A = arith.constant 0 : i32
      %broadcast_in_dim3A = vector.broadcast %mul3A_99 : i32 to vector<16xi32>
      %broadcast_in_dim3A_486 = vector.broadcast %jit3A : i32 to vector<16xi32>
      %select_n3A = arith.select %ge3A_485, %broadcast_in_dim3A, %broadcast_in_dim3A_486 : vector<16xi1>, vector<16xi32>
      %add3A_487 = arith.addi %get3A_483, %select_n3A : vector<16xi32>
      %swap3A_488 = arith.constant 0 : i32
      %swap3A_489 = arith.index_cast %swap3A_488 : i32 to index
      %swap3A_490 = arith.constant 109 : index
      %swap3A_491 = tpu.vector_load %arg6[%swap3A_489, %swap3A_490] {strides = array<i32>} : memref<4x125xi32, #tpu.memory_space<vmem>>, vector<1x16xi32>,
      %swap3A_492 = vector.shape_cast %swap3A_491 : vector<1x16xi32> to vector<16xi32>
      %swap3A_493 = vector.shape_cast %add3A_487 : vector<16xi32> to vector<1x16xi32>
      tpu.vector_store %arg6[%swap3A_489, %swap3A_490], %swap3A_493 {strides = array<i32>} : memref<4x125xi32, #tpu.memory_space<vmem>>, vector<1x16xi32>,
      %get3A_494 = arith.constant 1 : i32
      %get3A_495 = arith.index_cast %get3A_494 : i32 to index
      %get3A_496 = arith.constant 0 : index
      %get3A_497 = tpu.vector_load %arg6[%get3A_495, %get3A_496] {strides = array<i32>} : memref<4x125xi32, #tpu.memory_space<vmem>>, vector<1x16xi32>,
      %get3A_498 = vector.shape_cast %get3A_497 : vector<1x16xi32> to vector<16xi32>
      %add3A_499 = vector.broadcast %mul3A_99 : i32 to vector<16xi32>
      %add3A_500 = arith.addi %get3A_498, %add3A_499 : vector<16xi32>
      %swap3A_501 = arith.constant 1 : i32
      %swap3A_502 = arith.index_cast %swap3A_501 : i32 to index
      %swap3A_503 = arith.constant 0 : index
      %swap3A_504 = tpu.vector_load %arg6[%swap3A_502, %swap3A_503] {strides = array<i32>} : memref<4x125xi32, #tpu.memory_space<vmem>>, vector<1x16xi32>,
      %swap3A_505 = vector.shape_cast %swap3A_504 : vector<1x16xi32> to vector<16xi32>
      %swap3A_506 = vector.shape_cast %add3A_500 : vector<16xi32> to vector<1x16xi32>
      tpu.vector_store %arg6[%swap3A_502, %swap3A_503], %swap3A_506 {strides = array<i32>} : memref<4x125xi32, #tpu.memory_space<vmem>>, vector<1x16xi32>,
      %get3A_507 = arith.constant 1 : i32
      %get3A_508 = arith.index_cast %get3A_507 : i32 to index
      %get3A_509 = arith.constant 16 : index
      %get3A_510 = tpu.vector_load %arg6[%get3A_508, %get3A_509] {strides = array<i32>} : memref<4x125xi32, #tpu.memory_space<vmem>>, vector<1x16xi32>,
      %get3A_511 = vector.shape_cast %get3A_510 : vector<1x16xi32> to vector<16xi32>
      %add3A_512 = vector.broadcast %mul3A_99 : i32 to vector<16xi32>
      %add3A_513 = arith.addi %get3A_511, %add3A_512 : vector<16xi32>
      %swap3A_514 = arith.constant 1 : i32
      %swap3A_515 = arith.index_cast %swap3A_514 : i32 to index
      %swap3A_516 = arith.constant 16 : index
      %swap3A_517 = tpu.vector_load %arg6[%swap3A_515, %swap3A_516] {strides = array<i32>} : memref<4x125xi32, #tpu.memory_space<vmem>>, vector<1x16xi32>,
      %swap3A_518 = vector.shape_cast %swap3A_517 : vector<1x16xi32> to vector<16xi32>
      %swap3A_519 = vector.shape_cast %add3A_513 : vector<16xi32> to vector<1x16xi32>
      tpu.vector_store %arg6[%swap3A_515, %swap3A_516], %swap3A_519 {strides = array<i32>} : memref<4x125xi32, #tpu.memory_space<vmem>>, vector<1x16xi32>,
      %get3A_520 = arith.constant 1 : i32
      %get3A_521 = arith.index_cast %get3A_520 : i32 to index
      %get3A_522 = arith.constant 32 : index
      %get3A_523 = tpu.vector_load %arg6[%get3A_521, %get3A_522] {strides = array<i32>} : memref<4x125xi32, #tpu.memory_space<vmem>>, vector<1x16xi32>,
      %get3A_524 = vector.shape_cast %get3A_523 : vector<1x16xi32> to vector<16xi32>
      %add3A_525 = vector.broadcast %mul3A_99 : i32 to vector<16xi32>
      %add3A_526 = arith.addi %get3A_524, %add3A_525 : vector<16xi32>
      %swap3A_527 = arith.constant 1 : i32
      %swap3A_528 = arith.index_cast %swap3A_527 : i32 to index
      %swap3A_529 = arith.constant 32 : index
      %swap3A_530 = tpu.vector_load %arg6[%swap3A_528, %swap3A_529] {strides = array<i32>} : memref<4x125xi32, #tpu.memory_space<vmem>>, vector<1x16xi32>,
      %swap3A_531 = vector.shape_cast %swap3A_530 : vector<1x16xi32> to vector<16xi32>
      %swap3A_532 = vector.shape_cast %add3A_526 : vector<16xi32> to vector<1x16xi32>
      tpu.vector_store %arg6[%swap3A_528, %swap3A_529], %swap3A_532 {strides = array<i32>} : memref<4x125xi32, #tpu.memory_space<vmem>>, vector<1x16xi32>,
      %get3A_533 = arith.constant 1 : i32
      %get3A_534 = arith.index_cast %get3A_533 : i32 to index
      %get3A_535 = arith.constant 48 : index
      %get3A_536 = tpu.vector_load %arg6[%get3A_534, %get3A_535] {strides = array<i32>} : memref<4x125xi32, #tpu.memory_space<vmem>>, vector<1x16xi32>,
      %get3A_537 = vector.shape_cast %get3A_536 : vector<1x16xi32> to vector<16xi32>
      %add3A_538 = vector.broadcast %mul3A_99 : i32 to vector<16xi32>
      %add3A_539 = arith.addi %get3A_537, %add3A_538 : vector<16xi32>
      %swap3A_540 = arith.constant 1 : i32
      %swap3A_541 = arith.index_cast %swap3A_540 : i32 to index
      %swap3A_542 = arith.constant 48 : index
      %swap3A_543 = tpu.vector_load %arg6[%swap3A_541, %swap3A_542] {strides = array<i32>} : memref<4x125xi32, #tpu.memory_space<vmem>>, vector<1x16xi32>,
      %swap3A_544 = vector.shape_cast %swap3A_543 : vector<1x16xi32> to vector<16xi32>
      %swap3A_545 = vector.shape_cast %add3A_539 : vector<16xi32> to vector<1x16xi32>
      tpu.vector_store %arg6[%swap3A_541, %swap3A_542], %swap3A_545 {strides = array<i32>} : memref<4x125xi32, #tpu.memory_space<vmem>>, vector<1x16xi32>,
      %get3A_546 = arith.constant 1 : i32
      %get3A_547 = arith.index_cast %get3A_546 : i32 to index
      %get3A_548 = arith.constant 64 : index
      %get3A_549 = tpu.vector_load %arg6[%get3A_547, %get3A_548] {strides = array<i32>} : memref<4x125xi32, #tpu.memory_space<vmem>>, vector<1x16xi32>,
      %get3A_550 = vector.shape_cast %get3A_549 : vector<1x16xi32> to vector<16xi32>
      %add3A_551 = vector.broadcast %mul3A_99 : i32 to vector<16xi32>
      %add3A_552 = arith.addi %get3A_550, %add3A_551 : vector<16xi32>
      %swap3A_553 = arith.constant 1 : i32
      %swap3A_554 = arith.index_cast %swap3A_553 : i32 to index
      %swap3A_555 = arith.constant 64 : index
      %swap3A_556 = tpu.vector_load %arg6[%swap3A_554, %swap3A_555] {strides = array<i32>} : memref<4x125xi32, #tpu.memory_space<vmem>>, vector<1x16xi32>,
      %swap3A_557 = vector.shape_cast %swap3A_556 : vector<1x16xi32> to vector<16xi32>
      %swap3A_558 = vector.shape_cast %add3A_552 : vector<16xi32> to vector<1x16xi32>
      tpu.vector_store %arg6[%swap3A_554, %swap3A_555], %swap3A_558 {strides = array<i32>} : memref<4x125xi32, #tpu.memory_space<vmem>>, vector<1x16xi32>,
      %get3A_559 = arith.constant 1 : i32
      %get3A_560 = arith.index_cast %get3A_559 : i32 to index
      %get3A_561 = arith.constant 80 : index
      %get3A_562 = tpu.vector_load %arg6[%get3A_560, %get3A_561] {strides = array<i32>} : memref<4x125xi32, #tpu.memory_space<vmem>>, vector<1x16xi32>,
      %get3A_563 = vector.shape_cast %get3A_562 : vector<1x16xi32> to vector<16xi32>
      %add3A_564 = vector.broadcast %mul3A_99 : i32 to vector<16xi32>
      %add3A_565 = arith.addi %get3A_563, %add3A_564 : vector<16xi32>
      %swap3A_566 = arith.constant 1 : i32
      %swap3A_567 = arith.index_cast %swap3A_566 : i32 to index
      %swap3A_568 = arith.constant 80 : index
      %swap3A_569 = tpu.vector_load %arg6[%swap3A_567, %swap3A_568] {strides = array<i32>} : memref<4x125xi32, #tpu.memory_space<vmem>>, vector<1x16xi32>,
      %swap3A_570 = vector.shape_cast %swap3A_569 : vector<1x16xi32> to vector<16xi32>
      %swap3A_571 = vector.shape_cast %add3A_565 : vector<16xi32> to vector<1x16xi32>
      tpu.vector_store %arg6[%swap3A_567, %swap3A_568], %swap3A_571 {strides = array<i32>} : memref<4x125xi32, #tpu.memory_space<vmem>>, vector<1x16xi32>,
      %get3A_572 = arith.constant 1 : i32
      %get3A_573 = arith.index_cast %get3A_572 : i32 to index
      %get3A_574 = arith.constant 96 : index
      %get3A_575 = tpu.vector_load %arg6[%get3A_573, %get3A_574] {strides = array<i32>} : memref<4x125xi32, #tpu.memory_space<vmem>>, vector<1x16xi32>,
      %get3A_576 = vector.shape_cast %get3A_575 : vector<1x16xi32> to vector<16xi32>
      %add3A_577 = vector.broadcast %mul3A_99 : i32 to vector<16xi32>
      %add3A_578 = arith.addi %get3A_576, %add3A_577 : vector<16xi32>
      %swap3A_579 = arith.constant 1 : i32
      %swap3A_580 = arith.index_cast %swap3A_579 : i32 to index
      %swap3A_581 = arith.constant 96 : index
      %swap3A_582 = tpu.vector_load %arg6[%swap3A_580, %swap3A_581] {strides = array<i32>} : memref<4x125xi32, #tpu.memory_space<vmem>>, vector<1x16xi32>,
      %swap3A_583 = vector.shape_cast %swap3A_582 : vector<1x16xi32> to vector<16xi32>
      %swap3A_584 = vector.shape_cast %add3A_578 : vector<16xi32> to vector<1x16xi32>
      tpu.vector_store %arg6[%swap3A_580, %swap3A_581], %swap3A_584 {strides = array<i32>} : memref<4x125xi32, #tpu.memory_space<vmem>>, vector<1x16xi32>,
      %get3A_585 = arith.constant 1 : i32
      %get3A_586 = arith.index_cast %get3A_585 : i32 to index
      %get3A_587 = arith.constant 109 : index
      %get3A_588 = tpu.vector_load %arg6[%get3A_586, %get3A_587] {strides = array<i32>} : memref<4x125xi32, #tpu.memory_space<vmem>>, vector<1x16xi32>,
      %get3A_589 = vector.shape_cast %get3A_588 : vector<1x16xi32> to vector<16xi32>
      %iota3A_590 = tpu.iota {dimensions = array<i32: 0>} : vector<16xi32>
      %ge3A_591 = arith.constant 3 : i32
      %ge3A_592 = vector.broadcast %ge3A_591 : i32 to vector<16xi32>
      %ge3A_593 = arith.cmpi sge, %iota3A_590, %ge3A_592 : vector<16xi32>
      %jit3A_594 = arith.constant 0 : i32
      %broadcast_in_dim3A_595 = vector.broadcast %mul3A_99 : i32 to vector<16xi32>
      %broadcast_in_dim3A_596 = vector.broadcast %jit3A_594 : i32 to vector<16xi32>
      %select_n3A_597 = arith.select %ge3A_593, %broadcast_in_dim3A_595, %broadcast_in_dim3A_596 : vector<16xi1>, vector<16xi32>
      %add3A_598 = arith.addi %get3A_589, %select_n3A_597 : vector<16xi32>
      %swap3A_599 = arith.constant 1 : i32
      %swap3A_600 = arith.index_cast %swap3A_599 : i32 to index
      %swap3A_601 = arith.constant 109 : index
      %swap3A_602 = tpu.vector_load %arg6[%swap3A_600, %swap3A_601] {strides = array<i32>} : memref<4x125xi32, #tpu.memory_space<vmem>>, vector<1x16xi32>,
      %swap3A_603 = vector.shape_cast %swap3A_602 : vector<1x16xi32> to vector<16xi32>
      %swap3A_604 = vector.shape_cast %add3A_598 : vector<16xi32> to vector<1x16xi32>
      tpu.vector_store %arg6[%swap3A_600, %swap3A_601], %swap3A_604 {strides = array<i32>} : memref<4x125xi32, #tpu.memory_space<vmem>>, vector<1x16xi32>,
      %get3A_605 = arith.constant 2 : i32
      %get3A_606 = arith.index_cast %get3A_605 : i32 to index
      %get3A_607 = arith.constant 0 : index
      %get3A_608 = tpu.vector_load %arg6[%get3A_606, %get3A_607] {strides = array<i32>} : memref<4x125xi32, #tpu.memory_space<vmem>>, vector<1x16xi32>,
      %get3A_609 = vector.shape_cast %get3A_608 : vector<1x16xi32> to vector<16xi32>
      %add3A_610 = vector.broadcast %mul3A_99 : i32 to vector<16xi32>
      %add3A_611 = arith.addi %get3A_609, %add3A_610 : vector<16xi32>
      %swap3A_612 = arith.constant 2 : i32
      %swap3A_613 = arith.index_cast %swap3A_612 : i32 to index
      %swap3A_614 = arith.constant 0 : index
      %swap3A_615 = tpu.vector_load %arg6[%swap3A_613, %swap3A_614] {strides = array<i32>} : memref<4x125xi32, #tpu.memory_space<vmem>>, vector<1x16xi32>,
      %swap3A_616 = vector.shape_cast %swap3A_615 : vector<1x16xi32> to vector<16xi32>
      %swap3A_617 = vector.shape_cast %add3A_611 : vector<16xi32> to vector<1x16xi32>
      tpu.vector_store %arg6[%swap3A_613, %swap3A_614], %swap3A_617 {strides = array<i32>} : memref<4x125xi32, #tpu.memory_space<vmem>>, vector<1x16xi32>,
      %get3A_618 = arith.constant 2 : i32
      %get3A_619 = arith.index_cast %get3A_618 : i32 to index
      %get3A_620 = arith.constant 16 : index
      %get3A_621 = tpu.vector_load %arg6[%get3A_619, %get3A_620] {strides = array<i32>} : memref<4x125xi32, #tpu.memory_space<vmem>>, vector<1x16xi32>,
      %get3A_622 = vector.shape_cast %get3A_621 : vector<1x16xi32> to vector<16xi32>
      %add3A_623 = vector.broadcast %mul3A_99 : i32 to vector<16xi32>
      %add3A_624 = arith.addi %get3A_622, %add3A_623 : vector<16xi32>
      %swap3A_625 = arith.constant 2 : i32
      %swap3A_626 = arith.index_cast %swap3A_625 : i32 to index
      %swap3A_627 = arith.constant 16 : index
      %swap3A_628 = tpu.vector_load %arg6[%swap3A_626, %swap3A_627] {strides = array<i32>} : memref<4x125xi32, #tpu.memory_space<vmem>>, vector<1x16xi32>,
      %swap3A_629 = vector.shape_cast %swap3A_628 : vector<1x16xi32> to vector<16xi32>
      %swap3A_630 = vector.shape_cast %add3A_624 : vector<16xi32> to vector<1x16xi32>
      tpu.vector_store %arg6[%swap3A_626, %swap3A_627], %swap3A_630 {strides = array<i32>} : memref<4x125xi32, #tpu.memory_space<vmem>>, vector<1x16xi32>,
      %get3A_631 = arith.constant 2 : i32
      %get3A_632 = arith.index_cast %get3A_631 : i32 to index
      %get3A_633 = arith.constant 32 : index
      %get3A_634 = tpu.vector_load %arg6[%get3A_632, %get3A_633] {strides = array<i32>} : memref<4x125xi32, #tpu.memory_space<vmem>>, vector<1x16xi32>,
      %get3A_635 = vector.shape_cast %get3A_634 : vector<1x16xi32> to vector<16xi32>
      %add3A_636 = vector.broadcast %mul3A_99 : i32 to vector<16xi32>
      %add3A_637 = arith.addi %get3A_635, %add3A_636 : vector<16xi32>
      %swap3A_638 = arith.constant 2 : i32
      %swap3A_639 = arith.index_cast %swap3A_638 : i32 to index
      %swap3A_640 = arith.constant 32 : index
      %swap3A_641 = tpu.vector_load %arg6[%swap3A_639, %swap3A_640] {strides = array<i32>} : memref<4x125xi32, #tpu.memory_space<vmem>>, vector<1x16xi32>,
      %swap3A_642 = vector.shape_cast %swap3A_641 : vector<1x16xi32> to vector<16xi32>
      %swap3A_643 = vector.shape_cast %add3A_637 : vector<16xi32> to vector<1x16xi32>
      tpu.vector_store %arg6[%swap3A_639, %swap3A_640], %swap3A_643 {strides = array<i32>} : memref<4x125xi32, #tpu.memory_space<vmem>>, vector<1x16xi32>,
      %get3A_644 = arith.constant 2 : i32
      %get3A_645 = arith.index_cast %get3A_644 : i32 to index
      %get3A_646 = arith.constant 48 : index
      %get3A_647 = tpu.vector_load %arg6[%get3A_645, %get3A_646] {strides = array<i32>} : memref<4x125xi32, #tpu.memory_space<vmem>>, vector<1x16xi32>,
      %get3A_648 = vector.shape_cast %get3A_647 : vector<1x16xi32> to vector<16xi32>
      %add3A_649 = vector.broadcast %mul3A_99 : i32 to vector<16xi32>
      %add3A_650 = arith.addi %get3A_648, %add3A_649 : vector<16xi32>
      %swap3A_651 = arith.constant 2 : i32
      %swap3A_652 = arith.index_cast %swap3A_651 : i32 to index
      %swap3A_653 = arith.constant 48 : index
      %swap3A_654 = tpu.vector_load %arg6[%swap3A_652, %swap3A_653] {strides = array<i32>} : memref<4x125xi32, #tpu.memory_space<vmem>>, vector<1x16xi32>,
      %swap3A_655 = vector.shape_cast %swap3A_654 : vector<1x16xi32> to vector<16xi32>
      %swap3A_656 = vector.shape_cast %add3A_650 : vector<16xi32> to vector<1x16xi32>
      tpu.vector_store %arg6[%swap3A_652, %swap3A_653], %swap3A_656 {strides = array<i32>} : memref<4x125xi32, #tpu.memory_space<vmem>>, vector<1x16xi32>,
      %get3A_657 = arith.constant 2 : i32
      %get3A_658 = arith.index_cast %get3A_657 : i32 to index
      %get3A_659 = arith.constant 64 : index
      %get3A_660 = tpu.vector_load %arg6[%get3A_658, %get3A_659] {strides = array<i32>} : memref<4x125xi32, #tpu.memory_space<vmem>>, vector<1x16xi32>,
      %get3A_661 = vector.shape_cast %get3A_660 : vector<1x16xi32> to vector<16xi32>
      %add3A_662 = vector.broadcast %mul3A_99 : i32 to vector<16xi32>
      %add3A_663 = arith.addi %get3A_661, %add3A_662 : vector<16xi32>
      %swap3A_664 = arith.constant 2 : i32
      %swap3A_665 = arith.index_cast %swap3A_664 : i32 to index
      %swap3A_666 = arith.constant 64 : index
      %swap3A_667 = tpu.vector_load %arg6[%swap3A_665, %swap3A_666] {strides = array<i32>} : memref<4x125xi32, #tpu.memory_space<vmem>>, vector<1x16xi32>,
      %swap3A_668 = vector.shape_cast %swap3A_667 : vector<1x16xi32> to vector<16xi32>
      %swap3A_669 = vector.shape_cast %add3A_663 : vector<16xi32> to vector<1x16xi32>
      tpu.vector_store %arg6[%swap3A_665, %swap3A_666], %swap3A_669 {strides = array<i32>} : memref<4x125xi32, #tpu.memory_space<vmem>>, vector<1x16xi32>,
      %get3A_670 = arith.constant 2 : i32
      %get3A_671 = arith.index_cast %get3A_670 : i32 to index
      %get3A_672 = arith.constant 80 : index
      %get3A_673 = tpu.vector_load %arg6[%get3A_671, %get3A_672] {strides = array<i32>} : memref<4x125xi32, #tpu.memory_space<vmem>>, vector<1x16xi32>,
      %get3A_674 = vector.shape_cast %get3A_673 : vector<1x16xi32> to vector<16xi32>
      %add3A_675 = vector.broadcast %mul3A_99 : i32 to vector<16xi32>
      %add3A_676 = arith.addi %get3A_674, %add3A_675 : vector<16xi32>
      %swap3A_677 = arith.constant 2 : i32
      %swap3A_678 = arith.index_cast %swap3A_677 : i32 to index
      %swap3A_679 = arith.constant 80 : index
      %swap3A_680 = tpu.vector_load %arg6[%swap3A_678, %swap3A_679] {strides = array<i32>} : memref<4x125xi32, #tpu.memory_space<vmem>>, vector<1x16xi32>,
      %swap3A_681 = vector.shape_cast %swap3A_680 : vector<1x16xi32> to vector<16xi32>
      %swap3A_682 = vector.shape_cast %add3A_676 : vector<16xi32> to vector<1x16xi32>
      tpu.vector_store %arg6[%swap3A_678, %swap3A_679], %swap3A_682 {strides = array<i32>} : memref<4x125xi32, #tpu.memory_space<vmem>>, vector<1x16xi32>,
      %get3A_683 = arith.constant 2 : i32
      %get3A_684 = arith.index_cast %get3A_683 : i32 to index
      %get3A_685 = arith.constant 96 : index
      %get3A_686 = tpu.vector_load %arg6[%get3A_684, %get3A_685] {strides = array<i32>} : memref<4x125xi32, #tpu.memory_space<vmem>>, vector<1x16xi32>,
      %get3A_687 = vector.shape_cast %get3A_686 : vector<1x16xi32> to vector<16xi32>
      %add3A_688 = vector.broadcast %mul3A_99 : i32 to vector<16xi32>
      %add3A_689 = arith.addi %get3A_687, %add3A_688 : vector<16xi32>
      %swap3A_690 = arith.constant 2 : i32
      %swap3A_691 = arith.index_cast %swap3A_690 : i32 to index
      %swap3A_692 = arith.constant 96 : index
      %swap3A_693 = tpu.vector_load %arg6[%swap3A_691, %swap3A_692] {strides = array<i32>} : memref<4x125xi32, #tpu.memory_space<vmem>>, vector<1x16xi32>,
      %swap3A_694 = vector.shape_cast %swap3A_693 : vector<1x16xi32> to vector<16xi32>
      %swap3A_695 = vector.shape_cast %add3A_689 : vector<16xi32> to vector<1x16xi32>
      tpu.vector_store %arg6[%swap3A_691, %swap3A_692], %swap3A_695 {strides = array<i32>} : memref<4x125xi32, #tpu.memory_space<vmem>>, vector<1x16xi32>,
      %get3A_696 = arith.constant 2 : i32
      %get3A_697 = arith.index_cast %get3A_696 : i32 to index
      %get3A_698 = arith.constant 109 : index
      %get3A_699 = tpu.vector_load %arg6[%get3A_697, %get3A_698] {strides = array<i32>} : memref<4x125xi32, #tpu.memory_space<vmem>>, vector<1x16xi32>,
      %get3A_700 = vector.shape_cast %get3A_699 : vector<1x16xi32> to vector<16xi32>
      %iota3A_701 = tpu.iota {dimensions = array<i32: 0>} : vector<16xi32>
      %ge3A_702 = arith.constant 3 : i32
      %ge3A_703 = vector.broadcast %ge3A_702 : i32 to vector<16xi32>
      %ge3A_704 = arith.cmpi sge, %iota3A_701, %ge3A_703 : vector<16xi32>
      %jit3A_705 = arith.constant 0 : i32
      %broadcast_in_dim3A_706 = vector.broadcast %mul3A_99 : i32 to vector<16xi32>
      %broadcast_in_dim3A_707 = vector.broadcast %jit3A_705 : i32 to vector<16xi32>
      %select_n3A_708 = arith.select %ge3A_704, %broadcast_in_dim3A_706, %broadcast_in_dim3A_707 : vector<16xi1>, vector<16xi32>
      %add3A_709 = arith.addi %get3A_700, %select_n3A_708 : vector<16xi32>
      %swap3A_710 = arith.constant 2 : i32
      %swap3A_711 = arith.index_cast %swap3A_710 : i32 to index
      %swap3A_712 = arith.constant 109 : index
      %swap3A_713 = tpu.vector_load %arg6[%swap3A_711, %swap3A_712] {strides = array<i32>} : memref<4x125xi32, #tpu.memory_space<vmem>>, vector<1x16xi32>,
      %swap3A_714 = vector.shape_cast %swap3A_713 : vector<1x16xi32> to vector<16xi32>
      %swap3A_715 = vector.shape_cast %add3A_709 : vector<16xi32> to vector<1x16xi32>
      tpu.vector_store %arg6[%swap3A_711, %swap3A_712], %swap3A_715 {strides = array<i32>} : memref<4x125xi32, #tpu.memory_space<vmem>>, vector<1x16xi32>,
      %get3A_716 = arith.constant 3 : i32
      %get3A_717 = arith.index_cast %get3A_716 : i32 to index
      %get3A_718 = arith.constant 0 : index
      %get3A_719 = tpu.vector_load %arg6[%get3A_717, %get3A_718] {strides = array<i32>} : memref<4x125xi32, #tpu.memory_space<vmem>>, vector<1x16xi32>,
      %get3A_720 = vector.shape_cast %get3A_719 : vector<1x16xi32> to vector<16xi32>
      %add3A_721 = vector.broadcast %mul3A_99 : i32 to vector<16xi32>
      %add3A_722 = arith.addi %get3A_720, %add3A_721 : vector<16xi32>
      %swap3A_723 = arith.constant 3 : i32
      %swap3A_724 = arith.index_cast %swap3A_723 : i32 to index
      %swap3A_725 = arith.constant 0 : index
      %swap3A_726 = tpu.vector_load %arg6[%swap3A_724, %swap3A_725] {strides = array<i32>} : memref<4x125xi32, #tpu.memory_space<vmem>>, vector<1x16xi32>,
      %swap3A_727 = vector.shape_cast %swap3A_726 : vector<1x16xi32> to vector<16xi32>
      %swap3A_728 = vector.shape_cast %add3A_722 : vector<16xi32> to vector<1x16xi32>
      tpu.vector_store %arg6[%swap3A_724, %swap3A_725], %swap3A_728 {strides = array<i32>} : memref<4x125xi32, #tpu.memory_space<vmem>>, vector<1x16xi32>,
      %get3A_729 = arith.constant 3 : i32
      %get3A_730 = arith.index_cast %get3A_729 : i32 to index
      %get3A_731 = arith.constant 16 : index
      %get3A_732 = tpu.vector_load %arg6[%get3A_730, %get3A_731] {strides = array<i32>} : memref<4x125xi32, #tpu.memory_space<vmem>>, vector<1x16xi32>,
      %get3A_733 = vector.shape_cast %get3A_732 : vector<1x16xi32> to vector<16xi32>
      %add3A_734 = vector.broadcast %mul3A_99 : i32 to vector<16xi32>
      %add3A_735 = arith.addi %get3A_733, %add3A_734 : vector<16xi32>
      %swap3A_736 = arith.constant 3 : i32
      %swap3A_737 = arith.index_cast %swap3A_736 : i32 to index
      %swap3A_738 = arith.constant 16 : index
      %swap3A_739 = tpu.vector_load %arg6[%swap3A_737, %swap3A_738] {strides = array<i32>} : memref<4x125xi32, #tpu.memory_space<vmem>>, vector<1x16xi32>,
      %swap3A_740 = vector.shape_cast %swap3A_739 : vector<1x16xi32> to vector<16xi32>
      %swap3A_741 = vector.shape_cast %add3A_735 : vector<16xi32> to vector<1x16xi32>
      tpu.vector_store %arg6[%swap3A_737, %swap3A_738], %swap3A_741 {strides = array<i32>} : memref<4x125xi32, #tpu.memory_space<vmem>>, vector<1x16xi32>,
      %get3A_742 = arith.constant 3 : i32
      %get3A_743 = arith.index_cast %get3A_742 : i32 to index
      %get3A_744 = arith.constant 32 : index
      %get3A_745 = tpu.vector_load %arg6[%get3A_743, %get3A_744] {strides = array<i32>} : memref<4x125xi32, #tpu.memory_space<vmem>>, vector<1x16xi32>,
      %get3A_746 = vector.shape_cast %get3A_745 : vector<1x16xi32> to vector<16xi32>
      %add3A_747 = vector.broadcast %mul3A_99 : i32 to vector<16xi32>
      %add3A_748 = arith.addi %get3A_746, %add3A_747 : vector<16xi32>
      %swap3A_749 = arith.constant 3 : i32
      %swap3A_750 = arith.index_cast %swap3A_749 : i32 to index
      %swap3A_751 = arith.constant 32 : index
      %swap3A_752 = tpu.vector_load %arg6[%swap3A_750, %swap3A_751] {strides = array<i32>} : memref<4x125xi32, #tpu.memory_space<vmem>>, vector<1x16xi32>,
      %swap3A_753 = vector.shape_cast %swap3A_752 : vector<1x16xi32> to vector<16xi32>
      %swap3A_754 = vector.shape_cast %add3A_748 : vector<16xi32> to vector<1x16xi32>
      tpu.vector_store %arg6[%swap3A_750, %swap3A_751], %swap3A_754 {strides = array<i32>} : memref<4x125xi32, #tpu.memory_space<vmem>>, vector<1x16xi32>,
      %get3A_755 = arith.constant 3 : i32
      %get3A_756 = arith.index_cast %get3A_755 : i32 to index
      %get3A_757 = arith.constant 48 : index
      %get3A_758 = tpu.vector_load %arg6[%get3A_756, %get3A_757] {strides = array<i32>} : memref<4x125xi32, #tpu.memory_space<vmem>>, vector<1x16xi32>,
      %get3A_759 = vector.shape_cast %get3A_758 : vector<1x16xi32> to vector<16xi32>
      %add3A_760 = vector.broadcast %mul3A_99 : i32 to vector<16xi32>
      %add3A_761 = arith.addi %get3A_759, %add3A_760 : vector<16xi32>
      %swap3A_762 = arith.constant 3 : i32
      %swap3A_763 = arith.index_cast %swap3A_762 : i32 to index
      %swap3A_764 = arith.constant 48 : index
      %swap3A_765 = tpu.vector_load %arg6[%swap3A_763, %swap3A_764] {strides = array<i32>} : memref<4x125xi32, #tpu.memory_space<vmem>>, vector<1x16xi32>,
      %swap3A_766 = vector.shape_cast %swap3A_765 : vector<1x16xi32> to vector<16xi32>
      %swap3A_767 = vector.shape_cast %add3A_761 : vector<16xi32> to vector<1x16xi32>
      tpu.vector_store %arg6[%swap3A_763, %swap3A_764], %swap3A_767 {strides = array<i32>} : memref<4x125xi32, #tpu.memory_space<vmem>>, vector<1x16xi32>,
      %get3A_768 = arith.constant 3 : i32
      %get3A_769 = arith.index_cast %get3A_768 : i32 to index
      %get3A_770 = arith.constant 64 : index
      %get3A_771 = tpu.vector_load %arg6[%get3A_769, %get3A_770] {strides = array<i32>} : memref<4x125xi32, #tpu.memory_space<vmem>>, vector<1x16xi32>,
      %get3A_772 = vector.shape_cast %get3A_771 : vector<1x16xi32> to vector<16xi32>
      %add3A_773 = vector.broadcast %mul3A_99 : i32 to vector<16xi32>
      %add3A_774 = arith.addi %get3A_772, %add3A_773 : vector<16xi32>
      %swap3A_775 = arith.constant 3 : i32
      %swap3A_776 = arith.index_cast %swap3A_775 : i32 to index
      %swap3A_777 = arith.constant 64 : index
      %swap3A_778 = tpu.vector_load %arg6[%swap3A_776, %swap3A_777] {strides = array<i32>} : memref<4x125xi32, #tpu.memory_space<vmem>>, vector<1x16xi32>,
      %swap3A_779 = vector.shape_cast %swap3A_778 : vector<1x16xi32> to vector<16xi32>
      %swap3A_780 = vector.shape_cast %add3A_774 : vector<16xi32> to vector<1x16xi32>
      tpu.vector_store %arg6[%swap3A_776, %swap3A_777], %swap3A_780 {strides = array<i32>} : memref<4x125xi32, #tpu.memory_space<vmem>>, vector<1x16xi32>,
      %get3A_781 = arith.constant 3 : i32
      %get3A_782 = arith.index_cast %get3A_781 : i32 to index
      %get3A_783 = arith.constant 80 : index
      %get3A_784 = tpu.vector_load %arg6[%get3A_782, %get3A_783] {strides = array<i32>} : memref<4x125xi32, #tpu.memory_space<vmem>>, vector<1x16xi32>,
      %get3A_785 = vector.shape_cast %get3A_784 : vector<1x16xi32> to vector<16xi32>
      %add3A_786 = vector.broadcast %mul3A_99 : i32 to vector<16xi32>
      %add3A_787 = arith.addi %get3A_785, %add3A_786 : vector<16xi32>
      %swap3A_788 = arith.constant 3 : i32
      %swap3A_789 = arith.index_cast %swap3A_788 : i32 to index
      %swap3A_790 = arith.constant 80 : index
      %swap3A_791 = tpu.vector_load %arg6[%swap3A_789, %swap3A_790] {strides = array<i32>} : memref<4x125xi32, #tpu.memory_space<vmem>>, vector<1x16xi32>,
      %swap3A_792 = vector.shape_cast %swap3A_791 : vector<1x16xi32> to vector<16xi32>
      %swap3A_793 = vector.shape_cast %add3A_787 : vector<16xi32> to vector<1x16xi32>
      tpu.vector_store %arg6[%swap3A_789, %swap3A_790], %swap3A_793 {strides = array<i32>} : memref<4x125xi32, #tpu.memory_space<vmem>>, vector<1x16xi32>,
      %get3A_794 = arith.constant 3 : i32
      %get3A_795 = arith.index_cast %get3A_794 : i32 to index
      %get3A_796 = arith.constant 96 : index
      %get3A_797 = tpu.vector_load %arg6[%get3A_795, %get3A_796] {strides = array<i32>} : memref<4x125xi32, #tpu.memory_space<vmem>>, vector<1x16xi32>,
      %get3A_798 = vector.shape_cast %get3A_797 : vector<1x16xi32> to vector<16xi32>
      %add3A_799 = vector.broadcast %mul3A_99 : i32 to vector<16xi32>
      %add3A_800 = arith.addi %get3A_798, %add3A_799 : vector<16xi32>
      %swap3A_801 = arith.constant 3 : i32
      %swap3A_802 = arith.index_cast %swap3A_801 : i32 to index
      %swap3A_803 = arith.constant 96 : index
      %swap3A_804 = tpu.vector_load %arg6[%swap3A_802, %swap3A_803] {strides = array<i32>} : memref<4x125xi32, #tpu.memory_space<vmem>>, vector<1x16xi32>,
      %swap3A_805 = vector.shape_cast %swap3A_804 : vector<1x16xi32> to vector<16xi32>
      %swap3A_806 = vector.shape_cast %add3A_800 : vector<16xi32> to vector<1x16xi32>
      tpu.vector_store %arg6[%swap3A_802, %swap3A_803], %swap3A_806 {strides = array<i32>} : memref<4x125xi32, #tpu.memory_space<vmem>>, vector<1x16xi32>,
      %get3A_807 = arith.constant 3 : i32
      %get3A_808 = arith.index_cast %get3A_807 : i32 to index
      %get3A_809 = arith.constant 109 : index
      %get3A_810 = tpu.vector_load %arg6[%get3A_808, %get3A_809] {strides = array<i32>} : memref<4x125xi32, #tpu.memory_space<vmem>>, vector<1x16xi32>,
      %get3A_811 = vector.shape_cast %get3A_810 : vector<1x16xi32> to vector<16xi32>
      %iota3A_812 = tpu.iota {dimensions = array<i32: 0>} : vector<16xi32>
      %ge3A_813 = arith.constant 3 : i32
      %ge3A_814 = vector.broadcast %ge3A_813 : i32 to vector<16xi32>
      %ge3A_815 = arith.cmpi sge, %iota3A_812, %ge3A_814 : vector<16xi32>
      %jit3A_816 = arith.constant 0 : i32
      %broadcast_in_dim3A_817 = vector.broadcast %mul3A_99 : i32 to vector<16xi32>
      %broadcast_in_dim3A_818 = vector.broadcast %jit3A_816 : i32 to vector<16xi32>
      %select_n3A_819 = arith.select %ge3A_815, %broadcast_in_dim3A_817, %broadcast_in_dim3A_818 : vector<16xi1>, vector<16xi32>
      %add3A_820 = arith.addi %get3A_811, %select_n3A_819 : vector<16xi32>
      %swap3A_821 = arith.constant 3 : i32
      %swap3A_822 = arith.index_cast %swap3A_821 : i32 to index
      %swap3A_823 = arith.constant 109 : index
      %swap3A_824 = tpu.vector_load %arg6[%swap3A_822, %swap3A_823] {strides = array<i32>} : memref<4x125xi32, #tpu.memory_space<vmem>>, vector<1x16xi32>,
      %swap3A_825 = vector.shape_cast %swap3A_824 : vector<1x16xi32> to vector<16xi32>
      %swap3A_826 = vector.shape_cast %add3A_820 : vector<16xi32> to vector<1x16xi32>
      tpu.vector_store %arg6[%swap3A_822, %swap3A_823], %swap3A_826 {strides = array<i32>} : memref<4x125xi32, #tpu.memory_space<vmem>>, vector<1x16xi32>,
      %dma_start3A = arith.constant 0 : i32
      %dma_start3A_827 = arith.constant 0 : i32
      %dma_start3A_828 = tpu.memref_slice %arg6[%dma_start3A, %dma_start3A_827] : memref<4x125xi32, #tpu.memory_space<vmem>> -> memref<1x125xi32, #tpu.memory_space<vmem>>
      %dma_start3A_829 = tpu.memref_squeeze %dma_start3A_828 : memref<1x125xi32, #tpu.memory_space<vmem>> -> memref<125xi32, #tpu.memory_space<vmem>>
      %dma_start3A_830 = arith.constant 0 : i32
      %dma_start3A_831 = arith.constant 0 : i32
      %dma_start3A_832 = tpu.memref_slice %arg3[%dma_start3A_830, %dma_start3A_831] : memref<100000x32xf32, #tpu.memory_space<hbm>> -> memref<100000x32xf32, #tpu.memory_space<hbm>>
      tpu.enqueue_indirect_dma source(%dma_start3A_832 : memref<100000x32xf32, #tpu.memory_space<hbm>>) target(%arg8 : memref<125x32xf32, #tpu.memory_space<vmem>>) offsets(%dma_start3A_829 : memref<125xi32, #tpu.memory_space<vmem>>) semaphore(%arg14 : memref<!tpu.dma_semaphore, #tpu.memory_space<semaphore_mem>>)
      %dma_start3A_833 = arith.constant 1 : i32
      %dma_start3A_834 = arith.constant 0 : i32
      %dma_start3A_835 = tpu.memref_slice %arg6[%dma_start3A_833, %dma_start3A_834] : memref<4x125xi32, #tpu.memory_space<vmem>> -> memref<1x125xi32, #tpu.memory_space<vmem>>
      %dma_start3A_836 = tpu.memref_squeeze %dma_start3A_835 : memref<1x125xi32, #tpu.memory_space<vmem>> -> memref<125xi32, #tpu.memory_space<vmem>>
      %dma_start3A_837 = arith.constant 0 : i32
      %dma_start3A_838 = arith.constant 0 : i32
      %dma_start3A_839 = tpu.memref_slice %arg3[%dma_start3A_837, %dma_start3A_838] : memref<100000x32xf32, #tpu.memory_space<hbm>> -> memref<100000x32xf32, #tpu.memory_space<hbm>>
      tpu.enqueue_indirect_dma source(%dma_start3A_839 : memref<100000x32xf32, #tpu.memory_space<hbm>>) target(%arg9 : memref<125x32xf32, #tpu.memory_space<vmem>>) offsets(%dma_start3A_836 : memref<125xi32, #tpu.memory_space<vmem>>) semaphore(%arg15 : memref<!tpu.dma_semaphore, #tpu.memory_space<semaphore_mem>>)
      %dma_start3A_840 = arith.constant 2 : i32
      %dma_start3A_841 = arith.constant 0 : i32
      %dma_start3A_842 = tpu.memref_slice %arg6[%dma_start3A_840, %dma_start3A_841] : memref<4x125xi32, #tpu.memory_space<vmem>> -> memref<1x125xi32, #tpu.memory_space<vmem>>
      %dma_start3A_843 = tpu.memref_squeeze %dma_start3A_842 : memref<1x125xi32, #tpu.memory_space<vmem>> -> memref<125xi32, #tpu.memory_space<vmem>>
      %dma_start3A_844 = arith.constant 0 : i32
      %dma_start3A_845 = arith.constant 0 : i32
      %dma_start3A_846 = tpu.memref_slice %arg3[%dma_start3A_844, %dma_start3A_845] : memref<100000x32xf32, #tpu.memory_space<hbm>> -> memref<100000x32xf32, #tpu.memory_space<hbm>>
      tpu.enqueue_indirect_dma source(%dma_start3A_846 : memref<100000x32xf32, #tpu.memory_space<hbm>>) target(%arg10 : memref<125x32xf32, #tpu.memory_space<vmem>>) offsets(%dma_start3A_843 : memref<125xi32, #tpu.memory_space<vmem>>) semaphore(%arg16 : memref<!tpu.dma_semaphore, #tpu.memory_space<semaphore_mem>>)
      %dma_start3A_847 = arith.constant 3 : i32
      %dma_start3A_848 = arith.constant 0 : i32
      %dma_start3A_849 = tpu.memref_slice %arg6[%dma_start3A_847, %dma_start3A_848] : memref<4x125xi32, #tpu.memory_space<vmem>> -> memref<1x125xi32, #tpu.memory_space<vmem>>
      %dma_start3A_850 = tpu.memref_squeeze %dma_start3A_849 : memref<1x125xi32, #tpu.memory_space<vmem>> -> memref<125xi32, #tpu.memory_space<vmem>>
      %dma_start3A_851 = arith.constant 0 : i32
      %dma_start3A_852 = arith.constant 0 : i32
      %dma_start3A_853 = tpu.memref_slice %arg3[%dma_start3A_851, %dma_start3A_852] : memref<100000x32xf32, #tpu.memory_space<hbm>> -> memref<100000x32xf32, #tpu.memory_space<hbm>>
      tpu.enqueue_indirect_dma source(%dma_start3A_853 : memref<100000x32xf32, #tpu.memory_space<hbm>>) target(%arg11 : memref<125x32xf32, #tpu.memory_space<vmem>>) offsets(%dma_start3A_850 : memref<125xi32, #tpu.memory_space<vmem>>) semaphore(%arg17 : memref<!tpu.dma_semaphore, #tpu.memory_space<semaphore_mem>>)
      %dma_wait3A = arith.constant 0 : i32
      %dma_wait3A_854 = arith.constant 0 : i32
      %dma_wait3A_855 = tpu.memref_slice %arg6[%dma_wait3A, %dma_wait3A_854] : memref<4x125xi32, #tpu.memory_space<vmem>> -> memref<1x125xi32, #tpu.memory_space<vmem>>
      %dma_wait3A_856 = tpu.memref_squeeze %dma_wait3A_855 : memref<1x125xi32, #tpu.memory_space<vmem>> -> memref<125xi32, #tpu.memory_space<vmem>>
      %dma_wait3A_857 = arith.constant 0 : i32
      %dma_wait3A_858 = arith.constant 0 : i32
      %dma_wait3A_859 = tpu.memref_slice %arg3[%dma_wait3A_857, %dma_wait3A_858] : memref<100000x32xf32, #tpu.memory_space<hbm>> -> memref<100000x32xf32, #tpu.memory_space<hbm>>
      tpu.wait_indirect_dma semaphore(%arg14 : memref<!tpu.dma_semaphore, #tpu.memory_space<semaphore_mem>>) src(%dma_wait3A_859 : memref<100000x32xf32, #tpu.memory_space<hbm>>) dst(%arg8 : memref<125x32xf32, #tpu.memory_space<vmem>>)
      %run_scoped3A_860 = arith.constant 0 : i32
      "tpu.region"() ({
        %run_scoped3A_886 = tpu.sem_alloc : memref<!tpu.dma_semaphore, #tpu.memory_space<semaphore_mem>>
        %dma_start3A_887 = arith.constant 0 : i32
        %dma_start3A_888 = tpu.memref_slice %arg7[%run_scoped3A_860, %dma_start3A_887] : memref<4x125xi32, #tpu.memory_space<vmem>> -> memref<1x125xi32, #tpu.memory_space<vmem>>
        %dma_start3A_889 = tpu.memref_squeeze %dma_start3A_888 : memref<1x125xi32, #tpu.memory_space<vmem>> -> memref<125xi32, #tpu.memory_space<vmem>>
        %dma_start3A_890 = arith.constant 0 : i32
        %dma_start3A_891 = arith.constant 0 : i32
        %dma_start3A_892 = tpu.memref_slice %arg13[%dma_start3A_890, %dma_start3A_891] : memref<50000x32xf32, #tpu.memory_space<vmem_shared>> -> memref<50000x32xf32, #tpu.memory_space<vmem_shared>>
        tpu.enqueue_indirect_dma source(%arg8 : memref<125x32xf32, #tpu.memory_space<vmem>>) target(%dma_start3A_892 : memref<50000x32xf32, #tpu.memory_space<vmem_shared>>) offsets(%dma_start3A_889 : memref<125xi32, #tpu.memory_space<vmem>>) semaphore(%run_scoped3A_886 : memref<!tpu.dma_semaphore, #tpu.memory_space<semaphore_mem>>) {add = true}
        %dma_wait3A_893 = arith.constant 0 : i32
        %dma_wait3A_894 = tpu.memref_slice %arg7[%run_scoped3A_860, %dma_wait3A_893] : memref<4x125xi32, #tpu.memory_space<vmem>> -> memref<1x125xi32, #tpu.memory_space<vmem>>
        %dma_wait3A_895 = tpu.memref_squeeze %dma_wait3A_894 : memref<1x125xi32, #tpu.memory_space<vmem>> -> memref<125xi32, #tpu.memory_space<vmem>>
        %dma_wait3A_896 = arith.constant 0 : i32
        %dma_wait3A_897 = arith.constant 0 : i32
        %dma_wait3A_898 = tpu.memref_slice %arg13[%dma_wait3A_896, %dma_wait3A_897] : memref<50000x32xf32, #tpu.memory_space<vmem_shared>> -> memref<50000x32xf32, #tpu.memory_space<vmem_shared>>
        tpu.wait_indirect_dma semaphore(%run_scoped3A_886 : memref<!tpu.dma_semaphore, #tpu.memory_space<semaphore_mem>>) src(%arg8 : memref<125x32xf32, #tpu.memory_space<vmem>>) dst(%dma_wait3A_898 : memref<50000x32xf32, #tpu.memory_space<vmem_shared>>)
        tpu.yield
      }) : () -> ()
      %dma_wait3A_861 = arith.constant 1 : i32
      %dma_wait3A_862 = arith.constant 0 : i32
      %dma_wait3A_863 = tpu.memref_slice %arg6[%dma_wait3A_861, %dma_wait3A_862] : memref<4x125xi32, #tpu.memory_space<vmem>> -> memref<1x125xi32, #tpu.memory_space<vmem>>
      %dma_wait3A_864 = tpu.memref_squeeze %dma_wait3A_863 : memref<1x125xi32, #tpu.memory_space<vmem>> -> memref<125xi32, #tpu.memory_space<vmem>>
      %dma_wait3A_865 = arith.constant 0 : i32
      %dma_wait3A_866 = arith.constant 0 : i32
      %dma_wait3A_867 = tpu.memref_slice %arg3[%dma_wait3A_865, %dma_wait3A_866] : memref<100000x32xf32, #tpu.memory_space<hbm>> -> memref<100000x32xf32, #tpu.memory_space<hbm>>
      tpu.wait_indirect_dma semaphore(%arg15 : memref<!tpu.dma_semaphore, #tpu.memory_space<semaphore_mem>>) src(%dma_wait3A_867 : memref<100000x32xf32, #tpu.memory_space<hbm>>) dst(%arg9 : memref<125x32xf32, #tpu.memory_space<vmem>>)
      %run_scoped3A_868 = arith.constant 1 : i32
      "tpu.region"() ({
        %run_scoped3A_886 = tpu.sem_alloc : memref<!tpu.dma_semaphore, #tpu.memory_space<semaphore_mem>>
        %dma_start3A_887 = arith.constant 0 : i32
        %dma_start3A_888 = tpu.memref_slice %arg7[%run_scoped3A_868, %dma_start3A_887] : memref<4x125xi32, #tpu.memory_space<vmem>> -> memref<1x125xi32, #tpu.memory_space<vmem>>
        %dma_start3A_889 = tpu.memref_squeeze %dma_start3A_888 : memref<1x125xi32, #tpu.memory_space<vmem>> -> memref<125xi32, #tpu.memory_space<vmem>>
        %dma_start3A_890 = arith.constant 0 : i32
        %dma_start3A_891 = arith.constant 0 : i32
        %dma_start3A_892 = tpu.memref_slice %arg13[%dma_start3A_890, %dma_start3A_891] : memref<50000x32xf32, #tpu.memory_space<vmem_shared>> -> memref<50000x32xf32, #tpu.memory_space<vmem_shared>>
        tpu.enqueue_indirect_dma source(%arg9 : memref<125x32xf32, #tpu.memory_space<vmem>>) target(%dma_start3A_892 : memref<50000x32xf32, #tpu.memory_space<vmem_shared>>) offsets(%dma_start3A_889 : memref<125xi32, #tpu.memory_space<vmem>>) semaphore(%run_scoped3A_886 : memref<!tpu.dma_semaphore, #tpu.memory_space<semaphore_mem>>) {add = true}
        %dma_wait3A_893 = arith.constant 0 : i32
        %dma_wait3A_894 = tpu.memref_slice %arg7[%run_scoped3A_868, %dma_wait3A_893] : memref<4x125xi32, #tpu.memory_space<vmem>> -> memref<1x125xi32, #tpu.memory_space<vmem>>
        %dma_wait3A_895 = tpu.memref_squeeze %dma_wait3A_894 : memref<1x125xi32, #tpu.memory_space<vmem>> -> memref<125xi32, #tpu.memory_space<vmem>>
        %dma_wait3A_896 = arith.constant 0 : i32
        %dma_wait3A_897 = arith.constant 0 : i32
        %dma_wait3A_898 = tpu.memref_slice %arg13[%dma_wait3A_896, %dma_wait3A_897] : memref<50000x32xf32, #tpu.memory_space<vmem_shared>> -> memref<50000x32xf32, #tpu.memory_space<vmem_shared>>
        tpu.wait_indirect_dma semaphore(%run_scoped3A_886 : memref<!tpu.dma_semaphore, #tpu.memory_space<semaphore_mem>>) src(%arg9 : memref<125x32xf32, #tpu.memory_space<vmem>>) dst(%dma_wait3A_898 : memref<50000x32xf32, #tpu.memory_space<vmem_shared>>)
        tpu.yield
      }) : () -> ()
      %dma_wait3A_869 = arith.constant 2 : i32
      %dma_wait3A_870 = arith.constant 0 : i32
      %dma_wait3A_871 = tpu.memref_slice %arg6[%dma_wait3A_869, %dma_wait3A_870] : memref<4x125xi32, #tpu.memory_space<vmem>> -> memref<1x125xi32, #tpu.memory_space<vmem>>
      %dma_wait3A_872 = tpu.memref_squeeze %dma_wait3A_871 : memref<1x125xi32, #tpu.memory_space<vmem>> -> memref<125xi32, #tpu.memory_space<vmem>>
      %dma_wait3A_873 = arith.constant 0 : i32
      %dma_wait3A_874 = arith.constant 0 : i32
      %dma_wait3A_875 = tpu.memref_slice %arg3[%dma_wait3A_873, %dma_wait3A_874] : memref<100000x32xf32, #tpu.memory_space<hbm>> -> memref<100000x32xf32, #tpu.memory_space<hbm>>
      tpu.wait_indirect_dma semaphore(%arg16 : memref<!tpu.dma_semaphore, #tpu.memory_space<semaphore_mem>>) src(%dma_wait3A_875 : memref<100000x32xf32, #tpu.memory_space<hbm>>) dst(%arg10 : memref<125x32xf32, #tpu.memory_space<vmem>>)
      %run_scoped3A_876 = arith.constant 2 : i32
      "tpu.region"() ({
        %run_scoped3A_886 = tpu.sem_alloc : memref<!tpu.dma_semaphore, #tpu.memory_space<semaphore_mem>>
        %dma_start3A_887 = arith.constant 0 : i32
        %dma_start3A_888 = tpu.memref_slice %arg7[%run_scoped3A_876, %dma_start3A_887] : memref<4x125xi32, #tpu.memory_space<vmem>> -> memref<1x125xi32, #tpu.memory_space<vmem>>
        %dma_start3A_889 = tpu.memref_squeeze %dma_start3A_888 : memref<1x125xi32, #tpu.memory_space<vmem>> -> memref<125xi32, #tpu.memory_space<vmem>>
        %dma_start3A_890 = arith.constant 0 : i32
        %dma_start3A_891 = arith.constant 0 : i32
        %dma_start3A_892 = tpu.memref_slice %arg13[%dma_start3A_890, %dma_start3A_891] : memref<50000x32xf32, #tpu.memory_space<vmem_shared>> -> memref<50000x32xf32, #tpu.memory_space<vmem_shared>>
        tpu.enqueue_indirect_dma source(%arg10 : memref<125x32xf32, #tpu.memory_space<vmem>>) target(%dma_start3A_892 : memref<50000x32xf32, #tpu.memory_space<vmem_shared>>) offsets(%dma_start3A_889 : memref<125xi32, #tpu.memory_space<vmem>>) semaphore(%run_scoped3A_886 : memref<!tpu.dma_semaphore, #tpu.memory_space<semaphore_mem>>) {add = true}
        %dma_wait3A_893 = arith.constant 0 : i32
        %dma_wait3A_894 = tpu.memref_slice %arg7[%run_scoped3A_876, %dma_wait3A_893] : memref<4x125xi32, #tpu.memory_space<vmem>> -> memref<1x125xi32, #tpu.memory_space<vmem>>
        %dma_wait3A_895 = tpu.memref_squeeze %dma_wait3A_894 : memref<1x125xi32, #tpu.memory_space<vmem>> -> memref<125xi32, #tpu.memory_space<vmem>>
        %dma_wait3A_896 = arith.constant 0 : i32
        %dma_wait3A_897 = arith.constant 0 : i32
        %dma_wait3A_898 = tpu.memref_slice %arg13[%dma_wait3A_896, %dma_wait3A_897] : memref<50000x32xf32, #tpu.memory_space<vmem_shared>> -> memref<50000x32xf32, #tpu.memory_space<vmem_shared>>
        tpu.wait_indirect_dma semaphore(%run_scoped3A_886 : memref<!tpu.dma_semaphore, #tpu.memory_space<semaphore_mem>>) src(%arg10 : memref<125x32xf32, #tpu.memory_space<vmem>>) dst(%dma_wait3A_898 : memref<50000x32xf32, #tpu.memory_space<vmem_shared>>)
        tpu.yield
      }) : () -> ()
      %dma_wait3A_877 = arith.constant 3 : i32
      %dma_wait3A_878 = arith.constant 0 : i32
      %dma_wait3A_879 = tpu.memref_slice %arg6[%dma_wait3A_877, %dma_wait3A_878] : memref<4x125xi32, #tpu.memory_space<vmem>> -> memref<1x125xi32, #tpu.memory_space<vmem>>
      %dma_wait3A_880 = tpu.memref_squeeze %dma_wait3A_879 : memref<1x125xi32, #tpu.memory_space<vmem>> -> memref<125xi32, #tpu.memory_space<vmem>>
      %dma_wait3A_881 = arith.constant 0 : i32
      %dma_wait3A_882 = arith.constant 0 : i32
      %dma_wait3A_883 = tpu.memref_slice %arg3[%dma_wait3A_881, %dma_wait3A_882] : memref<100000x32xf32, #tpu.memory_space<hbm>> -> memref<100000x32xf32, #tpu.memory_space<hbm>>
      tpu.wait_indirect_dma semaphore(%arg17 : memref<!tpu.dma_semaphore, #tpu.memory_space<semaphore_mem>>) src(%dma_wait3A_883 : memref<100000x32xf32, #tpu.memory_space<hbm>>) dst(%arg11 : memref<125x32xf32, #tpu.memory_space<vmem>>)
      %run_scoped3A_884 = arith.constant 3 : i32
      "tpu.region"() ({
        %run_scoped3A_886 = tpu.sem_alloc : memref<!tpu.dma_semaphore, #tpu.memory_space<semaphore_mem>>
        %dma_start3A_887 = arith.constant 0 : i32
        %dma_start3A_888 = tpu.memref_slice %arg7[%run_scoped3A_884, %dma_start3A_887] : memref<4x125xi32, #tpu.memory_space<vmem>> -> memref<1x125xi32, #tpu.memory_space<vmem>>
        %dma_start3A_889 = tpu.memref_squeeze %dma_start3A_888 : memref<1x125xi32, #tpu.memory_space<vmem>> -> memref<125xi32, #tpu.memory_space<vmem>>
        %dma_start3A_890 = arith.constant 0 : i32
        %dma_start3A_891 = arith.constant 0 : i32
        %dma_start3A_892 = tpu.memref_slice %arg13[%dma_start3A_890, %dma_start3A_891] : memref<50000x32xf32, #tpu.memory_space<vmem_shared>> -> memref<50000x32xf32, #tpu.memory_space<vmem_shared>>
        tpu.enqueue_indirect_dma source(%arg11 : memref<125x32xf32, #tpu.memory_space<vmem>>) target(%dma_start3A_892 : memref<50000x32xf32, #tpu.memory_space<vmem_shared>>) offsets(%dma_start3A_889 : memref<125xi32, #tpu.memory_space<vmem>>) semaphore(%run_scoped3A_886 : memref<!tpu.dma_semaphore, #tpu.memory_space<semaphore_mem>>) {add = true}
        %dma_wait3A_893 = arith.constant 0 : i32
        %dma_wait3A_894 = tpu.memref_slice %arg7[%run_scoped3A_884, %dma_wait3A_893] : memref<4x125xi32, #tpu.memory_space<vmem>> -> memref<1x125xi32, #tpu.memory_space<vmem>>
        %dma_wait3A_895 = tpu.memref_squeeze %dma_wait3A_894 : memref<1x125xi32, #tpu.memory_space<vmem>> -> memref<125xi32, #tpu.memory_space<vmem>>
        %dma_wait3A_896 = arith.constant 0 : i32
        %dma_wait3A_897 = arith.constant 0 : i32
        %dma_wait3A_898 = tpu.memref_slice %arg13[%dma_wait3A_896, %dma_wait3A_897] : memref<50000x32xf32, #tpu.memory_space<vmem_shared>> -> memref<50000x32xf32, #tpu.memory_space<vmem_shared>>
        tpu.wait_indirect_dma semaphore(%run_scoped3A_886 : memref<!tpu.dma_semaphore, #tpu.memory_space<semaphore_mem>>) src(%arg11 : memref<125x32xf32, #tpu.memory_space<vmem>>) dst(%dma_wait3A_898 : memref<50000x32xf32, #tpu.memory_space<vmem_shared>>)
        tpu.yield
      }) : () -> ()
      %scan3A_885 = arith.constant 0 : i32
      scf.yield %scan3A_885 : i32
    }
    %scan3A_105 = arith.constant 100 : i32
    %barrier3A_106 = arith.constant 0 : index
    tpu.barrier barrier_id(%barrier3A_106)
    %mul3A_107 = arith.constant 3125 : i32
    %mul3A_108 = arith.muli %arg1, %mul3A_107 : i32
    %add3A_109 = arith.constant 0 : i32
    %add3A_110 = arith.addi %mul3A_108, %add3A_109 : i32
    "tpu.region"() ({
      %run_scoped3A = tpu.sem_alloc : memref<!tpu.dma_semaphore, #tpu.memory_space<semaphore_mem>>
      %dma_start3A = arith.constant 0 : i32
      %dma_start3A_382 = tpu.memref_slice %arg13[%add3A_110, %dma_start3A] : memref<50000x32xf32, #tpu.memory_space<vmem_shared>> -> memref<125x32xf32, #tpu.memory_space<vmem_shared>>
      %dma_start3A_383 = arith.constant 0 : i32
      %dma_start3A_384 = tpu.memref_slice %arg13[%add3A_110, %dma_start3A_383] : memref<50000x32xf32, #tpu.memory_space<vmem_shared>> -> memref<125x32xf32, #tpu.memory_space<vmem_shared>>
      tpu.enqueue_dma source(%dma_start3A_384 : memref<125x32xf32, #tpu.memory_space<vmem_shared>>) target(%arg12 : memref<125x32xf32, #tpu.memory_space<vmem>>) target_semaphore(%run_scoped3A : memref<!tpu.dma_semaphore, #tpu.memory_space<semaphore_mem>>)
      %dma_wait3A = arith.constant 0 : i32
      %dma_wait3A_385 = tpu.memref_slice %arg13[%add3A_110, %dma_wait3A] : memref<50000x32xf32, #tpu.memory_space<vmem_shared>> -> memref<125x32xf32, #tpu.memory_space<vmem_shared>>
      %dma_wait3A_386 = arith.constant 0 : i32
      %dma_wait3A_387 = tpu.memref_slice %arg13[%add3A_110, %dma_wait3A_386] : memref<50000x32xf32, #tpu.memory_space<vmem_shared>> -> memref<125x32xf32, #tpu.memory_space<vmem_shared>>
      tpu.wait_dma2 semaphore(%run_scoped3A : memref<!tpu.dma_semaphore, #tpu.memory_space<semaphore_mem>>) src(%dma_wait3A_387 : memref<125x32xf32, #tpu.memory_space<vmem_shared>>) dst(%arg12 : memref<125x32xf32, #tpu.memory_space<vmem>>)
      tpu.yield
    }) : () -> ()
    %mul3A_111 = arith.constant 50000 : i32
    %mul3A_112 = arith.muli %arg0, %mul3A_111 : i32
    %mul3A_113 = arith.constant 3125 : i32
    %mul3A_114 = arith.muli %arg1, %mul3A_113 : i32
    %add3A_115 = arith.addi %mul3A_112, %mul3A_114 : i32
    %add3A_116 = arith.constant 0 : i32
    %add3A_117 = arith.addi %add3A_115, %add3A_116 : i32
    "tpu.region"() ({
      %run_scoped3A = tpu.sem_alloc : memref<!tpu.dma_semaphore, #tpu.memory_space<semaphore_mem>>
      %dma_start3A = arith.constant 0 : i32
      %dma_start3A_382 = tpu.memref_slice %arg5[%add3A_117, %dma_start3A] : memref<100000x32xf32, #tpu.memory_space<hbm>> -> memref<125x32xf32, #tpu.memory_space<hbm>>
      %dma_start3A_383 = arith.constant 0 : i32
      %dma_start3A_384 = tpu.memref_slice %arg5[%add3A_117, %dma_start3A_383] : memref<100000x32xf32, #tpu.memory_space<hbm>> -> memref<125x32xf32, #tpu.memory_space<hbm>>
      tpu.enqueue_dma source(%arg12 : memref<125x32xf32, #tpu.memory_space<vmem>>) target(%dma_start3A_384 : memref<125x32xf32, #tpu.memory_space<hbm>>) target_semaphore(%run_scoped3A : memref<!tpu.dma_semaphore, #tpu.memory_space<semaphore_mem>>)
      %dma_wait3A = arith.constant 0 : i32
      %dma_wait3A_385 = tpu.memref_slice %arg5[%add3A_117, %dma_wait3A] : memref<100000x32xf32, #tpu.memory_space<hbm>> -> memref<125x32xf32, #tpu.memory_space<hbm>>
      %dma_wait3A_386 = arith.constant 0 : i32
      %dma_wait3A_387 = tpu.memref_slice %arg5[%add3A_117, %dma_wait3A_386] : memref<100000x32xf32, #tpu.memory_space<hbm>> -> memref<125x32xf32, #tpu.memory_space<hbm>>
      tpu.wait_dma2 semaphore(%run_scoped3A : memref<!tpu.dma_semaphore, #tpu.memory_space<semaphore_mem>>) src(%arg12 : memref<125x32xf32, #tpu.memory_space<vmem>>) dst(%dma_wait3A_387 : memref<125x32xf32, #tpu.memory_space<hbm>>)
      tpu.yield
    }) : () -> ()
    %mul3A_118 = arith.constant 3125 : i32
    %mul3A_119 = arith.muli %arg1, %mul3A_118 : i32
    %add3A_120 = arith.constant 125 : i32
    %add3A_121 = arith.addi %mul3A_119, %add3A_120 : i32
    "tpu.region"() ({
      %run_scoped3A = tpu.sem_alloc : memref<!tpu.dma_semaphore, #tpu.memory_space<semaphore_mem>>
      %dma_start3A = arith.constant 0 : i32
      %dma_start3A_382 = tpu.memref_slice %arg13[%add3A_121, %dma_start3A] : memref<50000x32xf32, #tpu.memory_space<vmem_shared>> -> memref<125x32xf32, #tpu.memory_space<vmem_shared>>
      %dma_start3A_383 = arith.constant 0 : i32
      %dma_start3A_384 = tpu.memref_slice %arg13[%add3A_121, %dma_start3A_383] : memref<50000x32xf32, #tpu.memory_space<vmem_shared>> -> memref<125x32xf32, #tpu.memory_space<vmem_shared>>
      tpu.enqueue_dma source(%dma_start3A_384 : memref<125x32xf32, #tpu.memory_space<vmem_shared>>) target(%arg12 : memref<125x32xf32, #tpu.memory_space<vmem>>) target_semaphore(%run_scoped3A : memref<!tpu.dma_semaphore, #tpu.memory_space<semaphore_mem>>)
      %dma_wait3A = arith.constant 0 : i32
      %dma_wait3A_385 = tpu.memref_slice %arg13[%add3A_121, %dma_wait3A] : memref<50000x32xf32, #tpu.memory_space<vmem_shared>> -> memref<125x32xf32, #tpu.memory_space<vmem_shared>>
      %dma_wait3A_386 = arith.constant 0 : i32
      %dma_wait3A_387 = tpu.memref_slice %arg13[%add3A_121, %dma_wait3A_386] : memref<50000x32xf32, #tpu.memory_space<vmem_shared>> -> memref<125x32xf32, #tpu.memory_space<vmem_shared>>
      tpu.wait_dma2 semaphore(%run_scoped3A : memref<!tpu.dma_semaphore, #tpu.memory_space<semaphore_mem>>) src(%dma_wait3A_387 : memref<125x32xf32, #tpu.memory_space<vmem_shared>>) dst(%arg12 : memref<125x32xf32, #tpu.memory_space<vmem>>)
      tpu.yield
    }) : () -> ()
    %mul3A_122 = arith.constant 50000 : i32
    %mul3A_123 = arith.muli %arg0, %mul3A_122 : i32
    %mul3A_124 = arith.constant 3125 : i32
    %mul3A_125 = arith.muli %arg1, %mul3A_124 : i32
    %add3A_126 = arith.addi %mul3A_123, %mul3A_125 : i32
    %add3A_127 = arith.constant 125 : i32
    %add3A_128 = arith.addi %add3A_126, %add3A_127 : i32
    "tpu.region"() ({
      %run_scoped3A = tpu.sem_alloc : memref<!tpu.dma_semaphore, #tpu.memory_space<semaphore_mem>>
      %dma_start3A = arith.constant 0 : i32
      %dma_start3A_382 = tpu.memref_slice %arg5[%add3A_128, %dma_start3A] : memref<100000x32xf32, #tpu.memory_space<hbm>> -> memref<125x32xf32, #tpu.memory_space<hbm>>
      %dma_start3A_383 = arith.constant 0 : i32
      %dma_start3A_384 = tpu.memref_slice %arg5[%add3A_128, %dma_start3A_383] : memref<100000x32xf32, #tpu.memory_space<hbm>> -> memref<125x32xf32, #tpu.memory_space<hbm>>
      tpu.enqueue_dma source(%arg12 : memref<125x32xf32, #tpu.memory_space<vmem>>) target(%dma_start3A_384 : memref<125x32xf32, #tpu.memory_space<hbm>>) target_semaphore(%run_scoped3A : memref<!tpu.dma_semaphore, #tpu.memory_space<semaphore_mem>>)
      %dma_wait3A = arith.constant 0 : i32
      %dma_wait3A_385 = tpu.memref_slice %arg5[%add3A_128, %dma_wait3A] : memref<100000x32xf32, #tpu.memory_space<hbm>> -> memref<125x32xf32, #tpu.memory_space<hbm>>
      %dma_wait3A_386 = arith.constant 0 : i32
      %dma_wait3A_387 = tpu.memref_slice %arg5[%add3A_128, %dma_wait3A_386] : memref<100000x32xf32, #tpu.memory_space<hbm>> -> memref<125x32xf32, #tpu.memory_space<hbm>>
      tpu.wait_dma2 semaphore(%run_scoped3A : memref<!tpu.dma_semaphore, #tpu.memory_space<semaphore_mem>>) src(%arg12 : memref<125x32xf32, #tpu.memory_space<vmem>>) dst(%dma_wait3A_387 : memref<125x32xf32, #tpu.memory_space<hbm>>)
      tpu.yield
    }) : () -> ()
    %mul3A_129 = arith.constant 3125 : i32
    %mul3A_130 = arith.muli %arg1, %mul3A_129 : i32
    %add3A_131 = arith.constant 250 : i32
    %add3A_132 = arith.addi %mul3A_130, %add3A_131 : i32
    "tpu.region"() ({
      %run_scoped3A = tpu.sem_alloc : memref<!tpu.dma_semaphore, #tpu.memory_space<semaphore_mem>>
      %dma_start3A = arith.constant 0 : i32
      %dma_start3A_382 = tpu.memref_slice %arg13[%add3A_132, %dma_start3A] : memref<50000x32xf32, #tpu.memory_space<vmem_shared>> -> memref<125x32xf32, #tpu.memory_space<vmem_shared>>
      %dma_start3A_383 = arith.constant 0 : i32
      %dma_start3A_384 = tpu.memref_slice %arg13[%add3A_132, %dma_start3A_383] : memref<50000x32xf32, #tpu.memory_space<vmem_shared>> -> memref<125x32xf32, #tpu.memory_space<vmem_shared>>
      tpu.enqueue_dma source(%dma_start3A_384 : memref<125x32xf32, #tpu.memory_space<vmem_shared>>) target(%arg12 : memref<125x32xf32, #tpu.memory_space<vmem>>) target_semaphore(%run_scoped3A : memref<!tpu.dma_semaphore, #tpu.memory_space<semaphore_mem>>)
      %dma_wait3A = arith.constant 0 : i32
      %dma_wait3A_385 = tpu.memref_slice %arg13[%add3A_132, %dma_wait3A] : memref<50000x32xf32, #tpu.memory_space<vmem_shared>> -> memref<125x32xf32, #tpu.memory_space<vmem_shared>>
      %dma_wait3A_386 = arith.constant 0 : i32
      %dma_wait3A_387 = tpu.memref_slice %arg13[%add3A_132, %dma_wait3A_386] : memref<50000x32xf32, #tpu.memory_space<vmem_shared>> -> memref<125x32xf32, #tpu.memory_space<vmem_shared>>
      tpu.wait_dma2 semaphore(%run_scoped3A : memref<!tpu.dma_semaphore, #tpu.memory_space<semaphore_mem>>) src(%dma_wait3A_387 : memref<125x32xf32, #tpu.memory_space<vmem_shared>>) dst(%arg12 : memref<125x32xf32, #tpu.memory_space<vmem>>)
      tpu.yield
    }) : () -> ()
    %mul3A_133 = arith.constant 50000 : i32
    %mul3A_134 = arith.muli %arg0, %mul3A_133 : i32
    %mul3A_135 = arith.constant 3125 : i32
    %mul3A_136 = arith.muli %arg1, %mul3A_135 : i32
    %add3A_137 = arith.addi %mul3A_134, %mul3A_136 : i32
    %add3A_138 = arith.constant 250 : i32
    %add3A_139 = arith.addi %add3A_137, %add3A_138 : i32
    "tpu.region"() ({
      %run_scoped3A = tpu.sem_alloc : memref<!tpu.dma_semaphore, #tpu.memory_space<semaphore_mem>>
      %dma_start3A = arith.constant 0 : i32
      %dma_start3A_382 = tpu.memref_slice %arg5[%add3A_139, %dma_start3A] : memref<100000x32xf32, #tpu.memory_space<hbm>> -> memref<125x32xf32, #tpu.memory_space<hbm>>
      %dma_start3A_383 = arith.constant 0 : i32
      %dma_start3A_384 = tpu.memref_slice %arg5[%add3A_139, %dma_start3A_383] : memref<100000x32xf32, #tpu.memory_space<hbm>> -> memref<125x32xf32, #tpu.memory_space<hbm>>
      tpu.enqueue_dma source(%arg12 : memref<125x32xf32, #tpu.memory_space<vmem>>) target(%dma_start3A_384 : memref<125x32xf32, #tpu.memory_space<hbm>>) target_semaphore(%run_scoped3A : memref<!tpu.dma_semaphore, #tpu.memory_space<semaphore_mem>>)
      %dma_wait3A = arith.constant 0 : i32
      %dma_wait3A_385 = tpu.memref_slice %arg5[%add3A_139, %dma_wait3A] : memref<100000x32xf32, #tpu.memory_space<hbm>> -> memref<125x32xf32, #tpu.memory_space<hbm>>
      %dma_wait3A_386 = arith.constant 0 : i32
      %dma_wait3A_387 = tpu.memref_slice %arg5[%add3A_139, %dma_wait3A_386] : memref<100000x32xf32, #tpu.memory_space<hbm>> -> memref<125x32xf32, #tpu.memory_space<hbm>>
      tpu.wait_dma2 semaphore(%run_scoped3A : memref<!tpu.dma_semaphore, #tpu.memory_space<semaphore_mem>>) src(%arg12 : memref<125x32xf32, #tpu.memory_space<vmem>>) dst(%dma_wait3A_387 : memref<125x32xf32, #tpu.memory_space<hbm>>)
      tpu.yield
    }) : () -> ()
    %mul3A_140 = arith.constant 3125 : i32
    %mul3A_141 = arith.muli %arg1, %mul3A_140 : i32
    %add3A_142 = arith.constant 375 : i32
    %add3A_143 = arith.addi %mul3A_141, %add3A_142 : i32
    "tpu.region"() ({
      %run_scoped3A = tpu.sem_alloc : memref<!tpu.dma_semaphore, #tpu.memory_space<semaphore_mem>>
      %dma_start3A = arith.constant 0 : i32
      %dma_start3A_382 = tpu.memref_slice %arg13[%add3A_143, %dma_start3A] : memref<50000x32xf32, #tpu.memory_space<vmem_shared>> -> memref<125x32xf32, #tpu.memory_space<vmem_shared>>
      %dma_start3A_383 = arith.constant 0 : i32
      %dma_start3A_384 = tpu.memref_slice %arg13[%add3A_143, %dma_start3A_383] : memref<50000x32xf32, #tpu.memory_space<vmem_shared>> -> memref<125x32xf32, #tpu.memory_space<vmem_shared>>
      tpu.enqueue_dma source(%dma_start3A_384 : memref<125x32xf32, #tpu.memory_space<vmem_shared>>) target(%arg12 : memref<125x32xf32, #tpu.memory_space<vmem>>) target_semaphore(%run_scoped3A : memref<!tpu.dma_semaphore, #tpu.memory_space<semaphore_mem>>)
      %dma_wait3A = arith.constant 0 : i32
      %dma_wait3A_385 = tpu.memref_slice %arg13[%add3A_143, %dma_wait3A] : memref<50000x32xf32, #tpu.memory_space<vmem_shared>> -> memref<125x32xf32, #tpu.memory_space<vmem_shared>>
      %dma_wait3A_386 = arith.constant 0 : i32
      %dma_wait3A_387 = tpu.memref_slice %arg13[%add3A_143, %dma_wait3A_386] : memref<50000x32xf32, #tpu.memory_space<vmem_shared>> -> memref<125x32xf32, #tpu.memory_space<vmem_shared>>
      tpu.wait_dma2 semaphore(%run_scoped3A : memref<!tpu.dma_semaphore, #tpu.memory_space<semaphore_mem>>) src(%dma_wait3A_387 : memref<125x32xf32, #tpu.memory_space<vmem_shared>>) dst(%arg12 : memref<125x32xf32, #tpu.memory_space<vmem>>)
      tpu.yield
    }) : () -> ()
    %mul3A_144 = arith.constant 50000 : i32
    %mul3A_145 = arith.muli %arg0, %mul3A_144 : i32
    %mul3A_146 = arith.constant 3125 : i32
    %mul3A_147 = arith.muli %arg1, %mul3A_146 : i32
    %add3A_148 = arith.addi %mul3A_145, %mul3A_147 : i32
    %add3A_149 = arith.constant 375 : i32
    %add3A_150 = arith.addi %add3A_148, %add3A_149 : i32
    "tpu.region"() ({
      %run_scoped3A = tpu.sem_alloc : memref<!tpu.dma_semaphore, #tpu.memory_space<semaphore_mem>>
      %dma_start3A = arith.constant 0 : i32
      %dma_start3A_382 = tpu.memref_slice %arg5[%add3A_150, %dma_start3A] : memref<100000x32xf32, #tpu.memory_space<hbm>> -> memref<125x32xf32, #tpu.memory_space<hbm>>
      %dma_start3A_383 = arith.constant 0 : i32
      %dma_start3A_384 = tpu.memref_slice %arg5[%add3A_150, %dma_start3A_383] : memref<100000x32xf32, #tpu.memory_space<hbm>> -> memref<125x32xf32, #tpu.memory_space<hbm>>
      tpu.enqueue_dma source(%arg12 : memref<125x32xf32, #tpu.memory_space<vmem>>) target(%dma_start3A_384 : memref<125x32xf32, #tpu.memory_space<hbm>>) target_semaphore(%run_scoped3A : memref<!tpu.dma_semaphore, #tpu.memory_space<semaphore_mem>>)
      %dma_wait3A = arith.constant 0 : i32
      %dma_wait3A_385 = tpu.memref_slice %arg5[%add3A_150, %dma_wait3A] : memref<100000x32xf32, #tpu.memory_space<hbm>> -> memref<125x32xf32, #tpu.memory_space<hbm>>
      %dma_wait3A_386 = arith.constant 0 : i32
      %dma_wait3A_387 = tpu.memref_slice %arg5[%add3A_150, %dma_wait3A_386] : memref<100000x32xf32, #tpu.memory_space<hbm>> -> memref<125x32xf32, #tpu.memory_space<hbm>>
      tpu.wait_dma2 semaphore(%run_scoped3A : memref<!tpu.dma_semaphore, #tpu.memory_space<semaphore_mem>>) src(%arg12 : memref<125x32xf32, #tpu.memory_space<vmem>>) dst(%dma_wait3A_387 : memref<125x32xf32, #tpu.memory_space<hbm>>)
      tpu.yield
    }) : () -> ()
    %mul3A_151 = arith.constant 3125 : i32
    %mul3A_152 = arith.muli %arg1, %mul3A_151 : i32
    %add3A_153 = arith.constant 500 : i32
    %add3A_154 = arith.addi %mul3A_152, %add3A_153 : i32
    "tpu.region"() ({
      %run_scoped3A = tpu.sem_alloc : memref<!tpu.dma_semaphore, #tpu.memory_space<semaphore_mem>>
      %dma_start3A = arith.constant 0 : i32
      %dma_start3A_382 = tpu.memref_slice %arg13[%add3A_154, %dma_start3A] : memref<50000x32xf32, #tpu.memory_space<vmem_shared>> -> memref<125x32xf32, #tpu.memory_space<vmem_shared>>
      %dma_start3A_383 = arith.constant 0 : i32
      %dma_start3A_384 = tpu.memref_slice %arg13[%add3A_154, %dma_start3A_383] : memref<50000x32xf32, #tpu.memory_space<vmem_shared>> -> memref<125x32xf32, #tpu.memory_space<vmem_shared>>
      tpu.enqueue_dma source(%dma_start3A_384 : memref<125x32xf32, #tpu.memory_space<vmem_shared>>) target(%arg12 : memref<125x32xf32, #tpu.memory_space<vmem>>) target_semaphore(%run_scoped3A : memref<!tpu.dma_semaphore, #tpu.memory_space<semaphore_mem>>)
      %dma_wait3A = arith.constant 0 : i32
      %dma_wait3A_385 = tpu.memref_slice %arg13[%add3A_154, %dma_wait3A] : memref<50000x32xf32, #tpu.memory_space<vmem_shared>> -> memref<125x32xf32, #tpu.memory_space<vmem_shared>>
      %dma_wait3A_386 = arith.constant 0 : i32
      %dma_wait3A_387 = tpu.memref_slice %arg13[%add3A_154, %dma_wait3A_386] : memref<50000x32xf32, #tpu.memory_space<vmem_shared>> -> memref<125x32xf32, #tpu.memory_space<vmem_shared>>
      tpu.wait_dma2 semaphore(%run_scoped3A : memref<!tpu.dma_semaphore, #tpu.memory_space<semaphore_mem>>) src(%dma_wait3A_387 : memref<125x32xf32, #tpu.memory_space<vmem_shared>>) dst(%arg12 : memref<125x32xf32, #tpu.memory_space<vmem>>)
      tpu.yield
    }) : () -> ()
    %mul3A_155 = arith.constant 50000 : i32
    %mul3A_156 = arith.muli %arg0, %mul3A_155 : i32
    %mul3A_157 = arith.constant 3125 : i32
    %mul3A_158 = arith.muli %arg1, %mul3A_157 : i32
    %add3A_159 = arith.addi %mul3A_156, %mul3A_158 : i32
    %add3A_160 = arith.constant 500 : i32
    %add3A_161 = arith.addi %add3A_159, %add3A_160 : i32
    "tpu.region"() ({
      %run_scoped3A = tpu.sem_alloc : memref<!tpu.dma_semaphore, #tpu.memory_space<semaphore_mem>>
      %dma_start3A = arith.constant 0 : i32
      %dma_start3A_382 = tpu.memref_slice %arg5[%add3A_161, %dma_start3A] : memref<100000x32xf32, #tpu.memory_space<hbm>> -> memref<125x32xf32, #tpu.memory_space<hbm>>
      %dma_start3A_383 = arith.constant 0 : i32
      %dma_start3A_384 = tpu.memref_slice %arg5[%add3A_161, %dma_start3A_383] : memref<100000x32xf32, #tpu.memory_space<hbm>> -> memref<125x32xf32, #tpu.memory_space<hbm>>
      tpu.enqueue_dma source(%arg12 : memref<125x32xf32, #tpu.memory_space<vmem>>) target(%dma_start3A_384 : memref<125x32xf32, #tpu.memory_space<hbm>>) target_semaphore(%run_scoped3A : memref<!tpu.dma_semaphore, #tpu.memory_space<semaphore_mem>>)
      %dma_wait3A = arith.constant 0 : i32
      %dma_wait3A_385 = tpu.memref_slice %arg5[%add3A_161, %dma_wait3A] : memref<100000x32xf32, #tpu.memory_space<hbm>> -> memref<125x32xf32, #tpu.memory_space<hbm>>
      %dma_wait3A_386 = arith.constant 0 : i32
      %dma_wait3A_387 = tpu.memref_slice %arg5[%add3A_161, %dma_wait3A_386] : memref<100000x32xf32, #tpu.memory_space<hbm>> -> memref<125x32xf32, #tpu.memory_space<hbm>>
      tpu.wait_dma2 semaphore(%run_scoped3A : memref<!tpu.dma_semaphore, #tpu.memory_space<semaphore_mem>>) src(%arg12 : memref<125x32xf32, #tpu.memory_space<vmem>>) dst(%dma_wait3A_387 : memref<125x32xf32, #tpu.memory_space<hbm>>)
      tpu.yield
    }) : () -> ()
    %mul3A_162 = arith.constant 3125 : i32
    %mul3A_163 = arith.muli %arg1, %mul3A_162 : i32
    %add3A_164 = arith.constant 625 : i32
    %add3A_165 = arith.addi %mul3A_163, %add3A_164 : i32
    "tpu.region"() ({
      %run_scoped3A = tpu.sem_alloc : memref<!tpu.dma_semaphore, #tpu.memory_space<semaphore_mem>>
      %dma_start3A = arith.constant 0 : i32
      %dma_start3A_382 = tpu.memref_slice %arg13[%add3A_165, %dma_start3A] : memref<50000x32xf32, #tpu.memory_space<vmem_shared>> -> memref<125x32xf32, #tpu.memory_space<vmem_shared>>
      %dma_start3A_383 = arith.constant 0 : i32
      %dma_start3A_384 = tpu.memref_slice %arg13[%add3A_165, %dma_start3A_383] : memref<50000x32xf32, #tpu.memory_space<vmem_shared>> -> memref<125x32xf32, #tpu.memory_space<vmem_shared>>
      tpu.enqueue_dma source(%dma_start3A_384 : memref<125x32xf32, #tpu.memory_space<vmem_shared>>) target(%arg12 : memref<125x32xf32, #tpu.memory_space<vmem>>) target_semaphore(%run_scoped3A : memref<!tpu.dma_semaphore, #tpu.memory_space<semaphore_mem>>)
      %dma_wait3A = arith.constant 0 : i32
      %dma_wait3A_385 = tpu.memref_slice %arg13[%add3A_165, %dma_wait3A] : memref<50000x32xf32, #tpu.memory_space<vmem_shared>> -> memref<125x32xf32, #tpu.memory_space<vmem_shared>>
      %dma_wait3A_386 = arith.constant 0 : i32
      %dma_wait3A_387 = tpu.memref_slice %arg13[%add3A_165, %dma_wait3A_386] : memref<50000x32xf32, #tpu.memory_space<vmem_shared>> -> memref<125x32xf32, #tpu.memory_space<vmem_shared>>
      tpu.wait_dma2 semaphore(%run_scoped3A : memref<!tpu.dma_semaphore, #tpu.memory_space<semaphore_mem>>) src(%dma_wait3A_387 : memref<125x32xf32, #tpu.memory_space<vmem_shared>>) dst(%arg12 : memref<125x32xf32, #tpu.memory_space<vmem>>)
      tpu.yield
    }) : () -> ()
    %mul3A_166 = arith.constant 50000 : i32
    %mul3A_167 = arith.muli %arg0, %mul3A_166 : i32
    %mul3A_168 = arith.constant 3125 : i32
    %mul3A_169 = arith.muli %arg1, %mul3A_168 : i32
    %add3A_170 = arith.addi %mul3A_167, %mul3A_169 : i32
    %add3A_171 = arith.constant 625 : i32
    %add3A_172 = arith.addi %add3A_170, %add3A_171 : i32
    "tpu.region"() ({
      %run_scoped3A = tpu.sem_alloc : memref<!tpu.dma_semaphore, #tpu.memory_space<semaphore_mem>>
      %dma_start3A = arith.constant 0 : i32
      %dma_start3A_382 = tpu.memref_slice %arg5[%add3A_172, %dma_start3A] : memref<100000x32xf32, #tpu.memory_space<hbm>> -> memref<125x32xf32, #tpu.memory_space<hbm>>
      %dma_start3A_383 = arith.constant 0 : i32
      %dma_start3A_384 = tpu.memref_slice %arg5[%add3A_172, %dma_start3A_383] : memref<100000x32xf32, #tpu.memory_space<hbm>> -> memref<125x32xf32, #tpu.memory_space<hbm>>
      tpu.enqueue_dma source(%arg12 : memref<125x32xf32, #tpu.memory_space<vmem>>) target(%dma_start3A_384 : memref<125x32xf32, #tpu.memory_space<hbm>>) target_semaphore(%run_scoped3A : memref<!tpu.dma_semaphore, #tpu.memory_space<semaphore_mem>>)
      %dma_wait3A = arith.constant 0 : i32
      %dma_wait3A_385 = tpu.memref_slice %arg5[%add3A_172, %dma_wait3A] : memref<100000x32xf32, #tpu.memory_space<hbm>> -> memref<125x32xf32, #tpu.memory_space<hbm>>
      %dma_wait3A_386 = arith.constant 0 : i32
      %dma_wait3A_387 = tpu.memref_slice %arg5[%add3A_172, %dma_wait3A_386] : memref<100000x32xf32, #tpu.memory_space<hbm>> -> memref<125x32xf32, #tpu.memory_space<hbm>>
      tpu.wait_dma2 semaphore(%run_scoped3A : memref<!tpu.dma_semaphore, #tpu.memory_space<semaphore_mem>>) src(%arg12 : memref<125x32xf32, #tpu.memory_space<vmem>>) dst(%dma_wait3A_387 : memref<125x32xf32, #tpu.memory_space<hbm>>)
      tpu.yield
    }) : () -> ()
    %mul3A_173 = arith.constant 3125 : i32
    %mul3A_174 = arith.muli %arg1, %mul3A_173 : i32
    %add3A_175 = arith.constant 750 : i32
    %add3A_176 = arith.addi %mul3A_174, %add3A_175 : i32
    "tpu.region"() ({
      %run_scoped3A = tpu.sem_alloc : memref<!tpu.dma_semaphore, #tpu.memory_space<semaphore_mem>>
      %dma_start3A = arith.constant 0 : i32
      %dma_start3A_382 = tpu.memref_slice %arg13[%add3A_176, %dma_start3A] : memref<50000x32xf32, #tpu.memory_space<vmem_shared>> -> memref<125x32xf32, #tpu.memory_space<vmem_shared>>
      %dma_start3A_383 = arith.constant 0 : i32
      %dma_start3A_384 = tpu.memref_slice %arg13[%add3A_176, %dma_start3A_383] : memref<50000x32xf32, #tpu.memory_space<vmem_shared>> -> memref<125x32xf32, #tpu.memory_space<vmem_shared>>
      tpu.enqueue_dma source(%dma_start3A_384 : memref<125x32xf32, #tpu.memory_space<vmem_shared>>) target(%arg12 : memref<125x32xf32, #tpu.memory_space<vmem>>) target_semaphore(%run_scoped3A : memref<!tpu.dma_semaphore, #tpu.memory_space<semaphore_mem>>)
      %dma_wait3A = arith.constant 0 : i32
      %dma_wait3A_385 = tpu.memref_slice %arg13[%add3A_176, %dma_wait3A] : memref<50000x32xf32, #tpu.memory_space<vmem_shared>> -> memref<125x32xf32, #tpu.memory_space<vmem_shared>>
      %dma_wait3A_386 = arith.constant 0 : i32
      %dma_wait3A_387 = tpu.memref_slice %arg13[%add3A_176, %dma_wait3A_386] : memref<50000x32xf32, #tpu.memory_space<vmem_shared>> -> memref<125x32xf32, #tpu.memory_space<vmem_shared>>
      tpu.wait_dma2 semaphore(%run_scoped3A : memref<!tpu.dma_semaphore, #tpu.memory_space<semaphore_mem>>) src(%dma_wait3A_387 : memref<125x32xf32, #tpu.memory_space<vmem_shared>>) dst(%arg12 : memref<125x32xf32, #tpu.memory_space<vmem>>)
      tpu.yield
    }) : () -> ()
    %mul3A_177 = arith.constant 50000 : i32
    %mul3A_178 = arith.muli %arg0, %mul3A_177 : i32
    %mul3A_179 = arith.constant 3125 : i32
    %mul3A_180 = arith.muli %arg1, %mul3A_179 : i32
    %add3A_181 = arith.addi %mul3A_178, %mul3A_180 : i32
    %add3A_182 = arith.constant 750 : i32
    %add3A_183 = arith.addi %add3A_181, %add3A_182 : i32
    "tpu.region"() ({
      %run_scoped3A = tpu.sem_alloc : memref<!tpu.dma_semaphore, #tpu.memory_space<semaphore_mem>>
      %dma_start3A = arith.constant 0 : i32
      %dma_start3A_382 = tpu.memref_slice %arg5[%add3A_183, %dma_start3A] : memref<100000x32xf32, #tpu.memory_space<hbm>> -> memref<125x32xf32, #tpu.memory_space<hbm>>
      %dma_start3A_383 = arith.constant 0 : i32
      %dma_start3A_384 = tpu.memref_slice %arg5[%add3A_183, %dma_start3A_383] : memref<100000x32xf32, #tpu.memory_space<hbm>> -> memref<125x32xf32, #tpu.memory_space<hbm>>
      tpu.enqueue_dma source(%arg12 : memref<125x32xf32, #tpu.memory_space<vmem>>) target(%dma_start3A_384 : memref<125x32xf32, #tpu.memory_space<hbm>>) target_semaphore(%run_scoped3A : memref<!tpu.dma_semaphore, #tpu.memory_space<semaphore_mem>>)
      %dma_wait3A = arith.constant 0 : i32
      %dma_wait3A_385 = tpu.memref_slice %arg5[%add3A_183, %dma_wait3A] : memref<100000x32xf32, #tpu.memory_space<hbm>> -> memref<125x32xf32, #tpu.memory_space<hbm>>
      %dma_wait3A_386 = arith.constant 0 : i32
      %dma_wait3A_387 = tpu.memref_slice %arg5[%add3A_183, %dma_wait3A_386] : memref<100000x32xf32, #tpu.memory_space<hbm>> -> memref<125x32xf32, #tpu.memory_space<hbm>>
      tpu.wait_dma2 semaphore(%run_scoped3A : memref<!tpu.dma_semaphore, #tpu.memory_space<semaphore_mem>>) src(%arg12 : memref<125x32xf32, #tpu.memory_space<vmem>>) dst(%dma_wait3A_387 : memref<125x32xf32, #tpu.memory_space<hbm>>)
      tpu.yield
    }) : () -> ()
    %mul3A_184 = arith.constant 3125 : i32
    %mul3A_185 = arith.muli %arg1, %mul3A_184 : i32
    %add3A_186 = arith.constant 875 : i32
    %add3A_187 = arith.addi %mul3A_185, %add3A_186 : i32
    "tpu.region"() ({
      %run_scoped3A = tpu.sem_alloc : memref<!tpu.dma_semaphore, #tpu.memory_space<semaphore_mem>>
      %dma_start3A = arith.constant 0 : i32
      %dma_start3A_382 = tpu.memref_slice %arg13[%add3A_187, %dma_start3A] : memref<50000x32xf32, #tpu.memory_space<vmem_shared>> -> memref<125x32xf32, #tpu.memory_space<vmem_shared>>
      %dma_start3A_383 = arith.constant 0 : i32
      %dma_start3A_384 = tpu.memref_slice %arg13[%add3A_187, %dma_start3A_383] : memref<50000x32xf32, #tpu.memory_space<vmem_shared>> -> memref<125x32xf32, #tpu.memory_space<vmem_shared>>
      tpu.enqueue_dma source(%dma_start3A_384 : memref<125x32xf32, #tpu.memory_space<vmem_shared>>) target(%arg12 : memref<125x32xf32, #tpu.memory_space<vmem>>) target_semaphore(%run_scoped3A : memref<!tpu.dma_semaphore, #tpu.memory_space<semaphore_mem>>)
      %dma_wait3A = arith.constant 0 : i32
      %dma_wait3A_385 = tpu.memref_slice %arg13[%add3A_187, %dma_wait3A] : memref<50000x32xf32, #tpu.memory_space<vmem_shared>> -> memref<125x32xf32, #tpu.memory_space<vmem_shared>>
      %dma_wait3A_386 = arith.constant 0 : i32
      %dma_wait3A_387 = tpu.memref_slice %arg13[%add3A_187, %dma_wait3A_386] : memref<50000x32xf32, #tpu.memory_space<vmem_shared>> -> memref<125x32xf32, #tpu.memory_space<vmem_shared>>
      tpu.wait_dma2 semaphore(%run_scoped3A : memref<!tpu.dma_semaphore, #tpu.memory_space<semaphore_mem>>) src(%dma_wait3A_387 : memref<125x32xf32, #tpu.memory_space<vmem_shared>>) dst(%arg12 : memref<125x32xf32, #tpu.memory_space<vmem>>)
      tpu.yield
    }) : () -> ()
    %mul3A_188 = arith.constant 50000 : i32
    %mul3A_189 = arith.muli %arg0, %mul3A_188 : i32
    %mul3A_190 = arith.constant 3125 : i32
    %mul3A_191 = arith.muli %arg1, %mul3A_190 : i32
    %add3A_192 = arith.addi %mul3A_189, %mul3A_191 : i32
    %add3A_193 = arith.constant 875 : i32
    %add3A_194 = arith.addi %add3A_192, %add3A_193 : i32
    "tpu.region"() ({
      %run_scoped3A = tpu.sem_alloc : memref<!tpu.dma_semaphore, #tpu.memory_space<semaphore_mem>>
      %dma_start3A = arith.constant 0 : i32
      %dma_start3A_382 = tpu.memref_slice %arg5[%add3A_194, %dma_start3A] : memref<100000x32xf32, #tpu.memory_space<hbm>> -> memref<125x32xf32, #tpu.memory_space<hbm>>
      %dma_start3A_383 = arith.constant 0 : i32
      %dma_start3A_384 = tpu.memref_slice %arg5[%add3A_194, %dma_start3A_383] : memref<100000x32xf32, #tpu.memory_space<hbm>> -> memref<125x32xf32, #tpu.memory_space<hbm>>
      tpu.enqueue_dma source(%arg12 : memref<125x32xf32, #tpu.memory_space<vmem>>) target(%dma_start3A_384 : memref<125x32xf32, #tpu.memory_space<hbm>>) target_semaphore(%run_scoped3A : memref<!tpu.dma_semaphore, #tpu.memory_space<semaphore_mem>>)
      %dma_wait3A = arith.constant 0 : i32
      %dma_wait3A_385 = tpu.memref_slice %arg5[%add3A_194, %dma_wait3A] : memref<100000x32xf32, #tpu.memory_space<hbm>> -> memref<125x32xf32, #tpu.memory_space<hbm>>
      %dma_wait3A_386 = arith.constant 0 : i32
      %dma_wait3A_387 = tpu.memref_slice %arg5[%add3A_194, %dma_wait3A_386] : memref<100000x32xf32, #tpu.memory_space<hbm>> -> memref<125x32xf32, #tpu.memory_space<hbm>>
      tpu.wait_dma2 semaphore(%run_scoped3A : memref<!tpu.dma_semaphore, #tpu.memory_space<semaphore_mem>>) src(%arg12 : memref<125x32xf32, #tpu.memory_space<vmem>>) dst(%dma_wait3A_387 : memref<125x32xf32, #tpu.memory_space<hbm>>)
      tpu.yield
    }) : () -> ()
    %mul3A_195 = arith.constant 3125 : i32
    %mul3A_196 = arith.muli %arg1, %mul3A_195 : i32
    %add3A_197 = arith.constant 1000 : i32
    %add3A_198 = arith.addi %mul3A_196, %add3A_197 : i32
    "tpu.region"() ({
      %run_scoped3A = tpu.sem_alloc : memref<!tpu.dma_semaphore, #tpu.memory_space<semaphore_mem>>
      %dma_start3A = arith.constant 0 : i32
      %dma_start3A_382 = tpu.memref_slice %arg13[%add3A_198, %dma_start3A] : memref<50000x32xf32, #tpu.memory_space<vmem_shared>> -> memref<125x32xf32, #tpu.memory_space<vmem_shared>>
      %dma_start3A_383 = arith.constant 0 : i32
      %dma_start3A_384 = tpu.memref_slice %arg13[%add3A_198, %dma_start3A_383] : memref<50000x32xf32, #tpu.memory_space<vmem_shared>> -> memref<125x32xf32, #tpu.memory_space<vmem_shared>>
      tpu.enqueue_dma source(%dma_start3A_384 : memref<125x32xf32, #tpu.memory_space<vmem_shared>>) target(%arg12 : memref<125x32xf32, #tpu.memory_space<vmem>>) target_semaphore(%run_scoped3A : memref<!tpu.dma_semaphore, #tpu.memory_space<semaphore_mem>>)
      %dma_wait3A = arith.constant 0 : i32
      %dma_wait3A_385 = tpu.memref_slice %arg13[%add3A_198, %dma_wait3A] : memref<50000x32xf32, #tpu.memory_space<vmem_shared>> -> memref<125x32xf32, #tpu.memory_space<vmem_shared>>
      %dma_wait3A_386 = arith.constant 0 : i32
      %dma_wait3A_387 = tpu.memref_slice %arg13[%add3A_198, %dma_wait3A_386] : memref<50000x32xf32, #tpu.memory_space<vmem_shared>> -> memref<125x32xf32, #tpu.memory_space<vmem_shared>>
      tpu.wait_dma2 semaphore(%run_scoped3A : memref<!tpu.dma_semaphore, #tpu.memory_space<semaphore_mem>>) src(%dma_wait3A_387 : memref<125x32xf32, #tpu.memory_space<vmem_shared>>) dst(%arg12 : memref<125x32xf32, #tpu.memory_space<vmem>>)
      tpu.yield
    }) : () -> ()
    %mul3A_199 = arith.constant 50000 : i32
    %mul3A_200 = arith.muli %arg0, %mul3A_199 : i32
    %mul3A_201 = arith.constant 3125 : i32
    %mul3A_202 = arith.muli %arg1, %mul3A_201 : i32
    %add3A_203 = arith.addi %mul3A_200, %mul3A_202 : i32
    %add3A_204 = arith.constant 1000 : i32
    %add3A_205 = arith.addi %add3A_203, %add3A_204 : i32
    "tpu.region"() ({
      %run_scoped3A = tpu.sem_alloc : memref<!tpu.dma_semaphore, #tpu.memory_space<semaphore_mem>>
      %dma_start3A = arith.constant 0 : i32
      %dma_start3A_382 = tpu.memref_slice %arg5[%add3A_205, %dma_start3A] : memref<100000x32xf32, #tpu.memory_space<hbm>> -> memref<125x32xf32, #tpu.memory_space<hbm>>
      %dma_start3A_383 = arith.constant 0 : i32
      %dma_start3A_384 = tpu.memref_slice %arg5[%add3A_205, %dma_start3A_383] : memref<100000x32xf32, #tpu.memory_space<hbm>> -> memref<125x32xf32, #tpu.memory_space<hbm>>
      tpu.enqueue_dma source(%arg12 : memref<125x32xf32, #tpu.memory_space<vmem>>) target(%dma_start3A_384 : memref<125x32xf32, #tpu.memory_space<hbm>>) target_semaphore(%run_scoped3A : memref<!tpu.dma_semaphore, #tpu.memory_space<semaphore_mem>>)
      %dma_wait3A = arith.constant 0 : i32
      %dma_wait3A_385 = tpu.memref_slice %arg5[%add3A_205, %dma_wait3A] : memref<100000x32xf32, #tpu.memory_space<hbm>> -> memref<125x32xf32, #tpu.memory_space<hbm>>
      %dma_wait3A_386 = arith.constant 0 : i32
      %dma_wait3A_387 = tpu.memref_slice %arg5[%add3A_205, %dma_wait3A_386] : memref<100000x32xf32, #tpu.memory_space<hbm>> -> memref<125x32xf32, #tpu.memory_space<hbm>>
      tpu.wait_dma2 semaphore(%run_scoped3A : memref<!tpu.dma_semaphore, #tpu.memory_space<semaphore_mem>>) src(%arg12 : memref<125x32xf32, #tpu.memory_space<vmem>>) dst(%dma_wait3A_387 : memref<125x32xf32, #tpu.memory_space<hbm>>)
      tpu.yield
    }) : () -> ()
    %mul3A_206 = arith.constant 3125 : i32
    %mul3A_207 = arith.muli %arg1, %mul3A_206 : i32
    %add3A_208 = arith.constant 1125 : i32
    %add3A_209 = arith.addi %mul3A_207, %add3A_208 : i32
    "tpu.region"() ({
      %run_scoped3A = tpu.sem_alloc : memref<!tpu.dma_semaphore, #tpu.memory_space<semaphore_mem>>
      %dma_start3A = arith.constant 0 : i32
      %dma_start3A_382 = tpu.memref_slice %arg13[%add3A_209, %dma_start3A] : memref<50000x32xf32, #tpu.memory_space<vmem_shared>> -> memref<125x32xf32, #tpu.memory_space<vmem_shared>>
      %dma_start3A_383 = arith.constant 0 : i32
      %dma_start3A_384 = tpu.memref_slice %arg13[%add3A_209, %dma_start3A_383] : memref<50000x32xf32, #tpu.memory_space<vmem_shared>> -> memref<125x32xf32, #tpu.memory_space<vmem_shared>>
      tpu.enqueue_dma source(%dma_start3A_384 : memref<125x32xf32, #tpu.memory_space<vmem_shared>>) target(%arg12 : memref<125x32xf32, #tpu.memory_space<vmem>>) target_semaphore(%run_scoped3A : memref<!tpu.dma_semaphore, #tpu.memory_space<semaphore_mem>>)
      %dma_wait3A = arith.constant 0 : i32
      %dma_wait3A_385 = tpu.memref_slice %arg13[%add3A_209, %dma_wait3A] : memref<50000x32xf32, #tpu.memory_space<vmem_shared>> -> memref<125x32xf32, #tpu.memory_space<vmem_shared>>
      %dma_wait3A_386 = arith.constant 0 : i32
      %dma_wait3A_387 = tpu.memref_slice %arg13[%add3A_209, %dma_wait3A_386] : memref<50000x32xf32, #tpu.memory_space<vmem_shared>> -> memref<125x32xf32, #tpu.memory_space<vmem_shared>>
      tpu.wait_dma2 semaphore(%run_scoped3A : memref<!tpu.dma_semaphore, #tpu.memory_space<semaphore_mem>>) src(%dma_wait3A_387 : memref<125x32xf32, #tpu.memory_space<vmem_shared>>) dst(%arg12 : memref<125x32xf32, #tpu.memory_space<vmem>>)
      tpu.yield
    }) : () -> ()
    %mul3A_210 = arith.constant 50000 : i32
    %mul3A_211 = arith.muli %arg0, %mul3A_210 : i32
    %mul3A_212 = arith.constant 3125 : i32
    %mul3A_213 = arith.muli %arg1, %mul3A_212 : i32
    %add3A_214 = arith.addi %mul3A_211, %mul3A_213 : i32
    %add3A_215 = arith.constant 1125 : i32
    %add3A_216 = arith.addi %add3A_214, %add3A_215 : i32
    "tpu.region"() ({
      %run_scoped3A = tpu.sem_alloc : memref<!tpu.dma_semaphore, #tpu.memory_space<semaphore_mem>>
      %dma_start3A = arith.constant 0 : i32
      %dma_start3A_382 = tpu.memref_slice %arg5[%add3A_216, %dma_start3A] : memref<100000x32xf32, #tpu.memory_space<hbm>> -> memref<125x32xf32, #tpu.memory_space<hbm>>
      %dma_start3A_383 = arith.constant 0 : i32
      %dma_start3A_384 = tpu.memref_slice %arg5[%add3A_216, %dma_start3A_383] : memref<100000x32xf32, #tpu.memory_space<hbm>> -> memref<125x32xf32, #tpu.memory_space<hbm>>
      tpu.enqueue_dma source(%arg12 : memref<125x32xf32, #tpu.memory_space<vmem>>) target(%dma_start3A_384 : memref<125x32xf32, #tpu.memory_space<hbm>>) target_semaphore(%run_scoped3A : memref<!tpu.dma_semaphore, #tpu.memory_space<semaphore_mem>>)
      %dma_wait3A = arith.constant 0 : i32
      %dma_wait3A_385 = tpu.memref_slice %arg5[%add3A_216, %dma_wait3A] : memref<100000x32xf32, #tpu.memory_space<hbm>> -> memref<125x32xf32, #tpu.memory_space<hbm>>
      %dma_wait3A_386 = arith.constant 0 : i32
      %dma_wait3A_387 = tpu.memref_slice %arg5[%add3A_216, %dma_wait3A_386] : memref<100000x32xf32, #tpu.memory_space<hbm>> -> memref<125x32xf32, #tpu.memory_space<hbm>>
      tpu.wait_dma2 semaphore(%run_scoped3A : memref<!tpu.dma_semaphore, #tpu.memory_space<semaphore_mem>>) src(%arg12 : memref<125x32xf32, #tpu.memory_space<vmem>>) dst(%dma_wait3A_387 : memref<125x32xf32, #tpu.memory_space<hbm>>)
      tpu.yield
    }) : () -> ()
    %mul3A_217 = arith.constant 3125 : i32
    %mul3A_218 = arith.muli %arg1, %mul3A_217 : i32
    %add3A_219 = arith.constant 1250 : i32
    %add3A_220 = arith.addi %mul3A_218, %add3A_219 : i32
    "tpu.region"() ({
      %run_scoped3A = tpu.sem_alloc : memref<!tpu.dma_semaphore, #tpu.memory_space<semaphore_mem>>
      %dma_start3A = arith.constant 0 : i32
      %dma_start3A_382 = tpu.memref_slice %arg13[%add3A_220, %dma_start3A] : memref<50000x32xf32, #tpu.memory_space<vmem_shared>> -> memref<125x32xf32, #tpu.memory_space<vmem_shared>>
      %dma_start3A_383 = arith.constant 0 : i32
      %dma_start3A_384 = tpu.memref_slice %arg13[%add3A_220, %dma_start3A_383] : memref<50000x32xf32, #tpu.memory_space<vmem_shared>> -> memref<125x32xf32, #tpu.memory_space<vmem_shared>>
      tpu.enqueue_dma source(%dma_start3A_384 : memref<125x32xf32, #tpu.memory_space<vmem_shared>>) target(%arg12 : memref<125x32xf32, #tpu.memory_space<vmem>>) target_semaphore(%run_scoped3A : memref<!tpu.dma_semaphore, #tpu.memory_space<semaphore_mem>>)
      %dma_wait3A = arith.constant 0 : i32
      %dma_wait3A_385 = tpu.memref_slice %arg13[%add3A_220, %dma_wait3A] : memref<50000x32xf32, #tpu.memory_space<vmem_shared>> -> memref<125x32xf32, #tpu.memory_space<vmem_shared>>
      %dma_wait3A_386 = arith.constant 0 : i32
      %dma_wait3A_387 = tpu.memref_slice %arg13[%add3A_220, %dma_wait3A_386] : memref<50000x32xf32, #tpu.memory_space<vmem_shared>> -> memref<125x32xf32, #tpu.memory_space<vmem_shared>>
      tpu.wait_dma2 semaphore(%run_scoped3A : memref<!tpu.dma_semaphore, #tpu.memory_space<semaphore_mem>>) src(%dma_wait3A_387 : memref<125x32xf32, #tpu.memory_space<vmem_shared>>) dst(%arg12 : memref<125x32xf32, #tpu.memory_space<vmem>>)
      tpu.yield
    }) : () -> ()
    %mul3A_221 = arith.constant 50000 : i32
    %mul3A_222 = arith.muli %arg0, %mul3A_221 : i32
    %mul3A_223 = arith.constant 3125 : i32
    %mul3A_224 = arith.muli %arg1, %mul3A_223 : i32
    %add3A_225 = arith.addi %mul3A_222, %mul3A_224 : i32
    %add3A_226 = arith.constant 1250 : i32
    %add3A_227 = arith.addi %add3A_225, %add3A_226 : i32
    "tpu.region"() ({
      %run_scoped3A = tpu.sem_alloc : memref<!tpu.dma_semaphore, #tpu.memory_space<semaphore_mem>>
      %dma_start3A = arith.constant 0 : i32
      %dma_start3A_382 = tpu.memref_slice %arg5[%add3A_227, %dma_start3A] : memref<100000x32xf32, #tpu.memory_space<hbm>> -> memref<125x32xf32, #tpu.memory_space<hbm>>
      %dma_start3A_383 = arith.constant 0 : i32
      %dma_start3A_384 = tpu.memref_slice %arg5[%add3A_227, %dma_start3A_383] : memref<100000x32xf32, #tpu.memory_space<hbm>> -> memref<125x32xf32, #tpu.memory_space<hbm>>
      tpu.enqueue_dma source(%arg12 : memref<125x32xf32, #tpu.memory_space<vmem>>) target(%dma_start3A_384 : memref<125x32xf32, #tpu.memory_space<hbm>>) target_semaphore(%run_scoped3A : memref<!tpu.dma_semaphore, #tpu.memory_space<semaphore_mem>>)
      %dma_wait3A = arith.constant 0 : i32
      %dma_wait3A_385 = tpu.memref_slice %arg5[%add3A_227, %dma_wait3A] : memref<100000x32xf32, #tpu.memory_space<hbm>> -> memref<125x32xf32, #tpu.memory_space<hbm>>
      %dma_wait3A_386 = arith.constant 0 : i32
      %dma_wait3A_387 = tpu.memref_slice %arg5[%add3A_227, %dma_wait3A_386] : memref<100000x32xf32, #tpu.memory_space<hbm>> -> memref<125x32xf32, #tpu.memory_space<hbm>>
      tpu.wait_dma2 semaphore(%run_scoped3A : memref<!tpu.dma_semaphore, #tpu.memory_space<semaphore_mem>>) src(%arg12 : memref<125x32xf32, #tpu.memory_space<vmem>>) dst(%dma_wait3A_387 : memref<125x32xf32, #tpu.memory_space<hbm>>)
      tpu.yield
    }) : () -> ()
    %mul3A_228 = arith.constant 3125 : i32
    %mul3A_229 = arith.muli %arg1, %mul3A_228 : i32
    %add3A_230 = arith.constant 1375 : i32
    %add3A_231 = arith.addi %mul3A_229, %add3A_230 : i32
    "tpu.region"() ({
      %run_scoped3A = tpu.sem_alloc : memref<!tpu.dma_semaphore, #tpu.memory_space<semaphore_mem>>
      %dma_start3A = arith.constant 0 : i32
      %dma_start3A_382 = tpu.memref_slice %arg13[%add3A_231, %dma_start3A] : memref<50000x32xf32, #tpu.memory_space<vmem_shared>> -> memref<125x32xf32, #tpu.memory_space<vmem_shared>>
      %dma_start3A_383 = arith.constant 0 : i32
      %dma_start3A_384 = tpu.memref_slice %arg13[%add3A_231, %dma_start3A_383] : memref<50000x32xf32, #tpu.memory_space<vmem_shared>> -> memref<125x32xf32, #tpu.memory_space<vmem_shared>>
      tpu.enqueue_dma source(%dma_start3A_384 : memref<125x32xf32, #tpu.memory_space<vmem_shared>>) target(%arg12 : memref<125x32xf32, #tpu.memory_space<vmem>>) target_semaphore(%run_scoped3A : memref<!tpu.dma_semaphore, #tpu.memory_space<semaphore_mem>>)
      %dma_wait3A = arith.constant 0 : i32
      %dma_wait3A_385 = tpu.memref_slice %arg13[%add3A_231, %dma_wait3A] : memref<50000x32xf32, #tpu.memory_space<vmem_shared>> -> memref<125x32xf32, #tpu.memory_space<vmem_shared>>
      %dma_wait3A_386 = arith.constant 0 : i32
      %dma_wait3A_387 = tpu.memref_slice %arg13[%add3A_231, %dma_wait3A_386] : memref<50000x32xf32, #tpu.memory_space<vmem_shared>> -> memref<125x32xf32, #tpu.memory_space<vmem_shared>>
      tpu.wait_dma2 semaphore(%run_scoped3A : memref<!tpu.dma_semaphore, #tpu.memory_space<semaphore_mem>>) src(%dma_wait3A_387 : memref<125x32xf32, #tpu.memory_space<vmem_shared>>) dst(%arg12 : memref<125x32xf32, #tpu.memory_space<vmem>>)
      tpu.yield
    }) : () -> ()
    %mul3A_232 = arith.constant 50000 : i32
    %mul3A_233 = arith.muli %arg0, %mul3A_232 : i32
    %mul3A_234 = arith.constant 3125 : i32
    %mul3A_235 = arith.muli %arg1, %mul3A_234 : i32
    %add3A_236 = arith.addi %mul3A_233, %mul3A_235 : i32
    %add3A_237 = arith.constant 1375 : i32
    %add3A_238 = arith.addi %add3A_236, %add3A_237 : i32
    "tpu.region"() ({
      %run_scoped3A = tpu.sem_alloc : memref<!tpu.dma_semaphore, #tpu.memory_space<semaphore_mem>>
      %dma_start3A = arith.constant 0 : i32
      %dma_start3A_382 = tpu.memref_slice %arg5[%add3A_238, %dma_start3A] : memref<100000x32xf32, #tpu.memory_space<hbm>> -> memref<125x32xf32, #tpu.memory_space<hbm>>
      %dma_start3A_383 = arith.constant 0 : i32
      %dma_start3A_384 = tpu.memref_slice %arg5[%add3A_238, %dma_start3A_383] : memref<100000x32xf32, #tpu.memory_space<hbm>> -> memref<125x32xf32, #tpu.memory_space<hbm>>
      tpu.enqueue_dma source(%arg12 : memref<125x32xf32, #tpu.memory_space<vmem>>) target(%dma_start3A_384 : memref<125x32xf32, #tpu.memory_space<hbm>>) target_semaphore(%run_scoped3A : memref<!tpu.dma_semaphore, #tpu.memory_space<semaphore_mem>>)
      %dma_wait3A = arith.constant 0 : i32
      %dma_wait3A_385 = tpu.memref_slice %arg5[%add3A_238, %dma_wait3A] : memref<100000x32xf32, #tpu.memory_space<hbm>> -> memref<125x32xf32, #tpu.memory_space<hbm>>
      %dma_wait3A_386 = arith.constant 0 : i32
      %dma_wait3A_387 = tpu.memref_slice %arg5[%add3A_238, %dma_wait3A_386] : memref<100000x32xf32, #tpu.memory_space<hbm>> -> memref<125x32xf32, #tpu.memory_space<hbm>>
      tpu.wait_dma2 semaphore(%run_scoped3A : memref<!tpu.dma_semaphore, #tpu.memory_space<semaphore_mem>>) src(%arg12 : memref<125x32xf32, #tpu.memory_space<vmem>>) dst(%dma_wait3A_387 : memref<125x32xf32, #tpu.memory_space<hbm>>)
      tpu.yield
    }) : () -> ()
    %mul3A_239 = arith.constant 3125 : i32
    %mul3A_240 = arith.muli %arg1, %mul3A_239 : i32
    %add3A_241 = arith.constant 1500 : i32
    %add3A_242 = arith.addi %mul3A_240, %add3A_241 : i32
    "tpu.region"() ({
      %run_scoped3A = tpu.sem_alloc : memref<!tpu.dma_semaphore, #tpu.memory_space<semaphore_mem>>
      %dma_start3A = arith.constant 0 : i32
      %dma_start3A_382 = tpu.memref_slice %arg13[%add3A_242, %dma_start3A] : memref<50000x32xf32, #tpu.memory_space<vmem_shared>> -> memref<125x32xf32, #tpu.memory_space<vmem_shared>>
      %dma_start3A_383 = arith.constant 0 : i32
      %dma_start3A_384 = tpu.memref_slice %arg13[%add3A_242, %dma_start3A_383] : memref<50000x32xf32, #tpu.memory_space<vmem_shared>> -> memref<125x32xf32, #tpu.memory_space<vmem_shared>>
      tpu.enqueue_dma source(%dma_start3A_384 : memref<125x32xf32, #tpu.memory_space<vmem_shared>>) target(%arg12 : memref<125x32xf32, #tpu.memory_space<vmem>>) target_semaphore(%run_scoped3A : memref<!tpu.dma_semaphore, #tpu.memory_space<semaphore_mem>>)
      %dma_wait3A = arith.constant 0 : i32
      %dma_wait3A_385 = tpu.memref_slice %arg13[%add3A_242, %dma_wait3A] : memref<50000x32xf32, #tpu.memory_space<vmem_shared>> -> memref<125x32xf32, #tpu.memory_space<vmem_shared>>
      %dma_wait3A_386 = arith.constant 0 : i32
      %dma_wait3A_387 = tpu.memref_slice %arg13[%add3A_242, %dma_wait3A_386] : memref<50000x32xf32, #tpu.memory_space<vmem_shared>> -> memref<125x32xf32, #tpu.memory_space<vmem_shared>>
      tpu.wait_dma2 semaphore(%run_scoped3A : memref<!tpu.dma_semaphore, #tpu.memory_space<semaphore_mem>>) src(%dma_wait3A_387 : memref<125x32xf32, #tpu.memory_space<vmem_shared>>) dst(%arg12 : memref<125x32xf32, #tpu.memory_space<vmem>>)
      tpu.yield
    }) : () -> ()
    %mul3A_243 = arith.constant 50000 : i32
    %mul3A_244 = arith.muli %arg0, %mul3A_243 : i32
    %mul3A_245 = arith.constant 3125 : i32
    %mul3A_246 = arith.muli %arg1, %mul3A_245 : i32
    %add3A_247 = arith.addi %mul3A_244, %mul3A_246 : i32
    %add3A_248 = arith.constant 1500 : i32
    %add3A_249 = arith.addi %add3A_247, %add3A_248 : i32
    "tpu.region"() ({
      %run_scoped3A = tpu.sem_alloc : memref<!tpu.dma_semaphore, #tpu.memory_space<semaphore_mem>>
      %dma_start3A = arith.constant 0 : i32
      %dma_start3A_382 = tpu.memref_slice %arg5[%add3A_249, %dma_start3A] : memref<100000x32xf32, #tpu.memory_space<hbm>> -> memref<125x32xf32, #tpu.memory_space<hbm>>
      %dma_start3A_383 = arith.constant 0 : i32
      %dma_start3A_384 = tpu.memref_slice %arg5[%add3A_249, %dma_start3A_383] : memref<100000x32xf32, #tpu.memory_space<hbm>> -> memref<125x32xf32, #tpu.memory_space<hbm>>
      tpu.enqueue_dma source(%arg12 : memref<125x32xf32, #tpu.memory_space<vmem>>) target(%dma_start3A_384 : memref<125x32xf32, #tpu.memory_space<hbm>>) target_semaphore(%run_scoped3A : memref<!tpu.dma_semaphore, #tpu.memory_space<semaphore_mem>>)
      %dma_wait3A = arith.constant 0 : i32
      %dma_wait3A_385 = tpu.memref_slice %arg5[%add3A_249, %dma_wait3A] : memref<100000x32xf32, #tpu.memory_space<hbm>> -> memref<125x32xf32, #tpu.memory_space<hbm>>
      %dma_wait3A_386 = arith.constant 0 : i32
      %dma_wait3A_387 = tpu.memref_slice %arg5[%add3A_249, %dma_wait3A_386] : memref<100000x32xf32, #tpu.memory_space<hbm>> -> memref<125x32xf32, #tpu.memory_space<hbm>>
      tpu.wait_dma2 semaphore(%run_scoped3A : memref<!tpu.dma_semaphore, #tpu.memory_space<semaphore_mem>>) src(%arg12 : memref<125x32xf32, #tpu.memory_space<vmem>>) dst(%dma_wait3A_387 : memref<125x32xf32, #tpu.memory_space<hbm>>)
      tpu.yield
    }) : () -> ()
    %mul3A_250 = arith.constant 3125 : i32
    %mul3A_251 = arith.muli %arg1, %mul3A_250 : i32
    %add3A_252 = arith.constant 1625 : i32
    %add3A_253 = arith.addi %mul3A_251, %add3A_252 : i32
    "tpu.region"() ({
      %run_scoped3A = tpu.sem_alloc : memref<!tpu.dma_semaphore, #tpu.memory_space<semaphore_mem>>
      %dma_start3A = arith.constant 0 : i32
      %dma_start3A_382 = tpu.memref_slice %arg13[%add3A_253, %dma_start3A] : memref<50000x32xf32, #tpu.memory_space<vmem_shared>> -> memref<125x32xf32, #tpu.memory_space<vmem_shared>>
      %dma_start3A_383 = arith.constant 0 : i32
      %dma_start3A_384 = tpu.memref_slice %arg13[%add3A_253, %dma_start3A_383] : memref<50000x32xf32, #tpu.memory_space<vmem_shared>> -> memref<125x32xf32, #tpu.memory_space<vmem_shared>>
      tpu.enqueue_dma source(%dma_start3A_384 : memref<125x32xf32, #tpu.memory_space<vmem_shared>>) target(%arg12 : memref<125x32xf32, #tpu.memory_space<vmem>>) target_semaphore(%run_scoped3A : memref<!tpu.dma_semaphore, #tpu.memory_space<semaphore_mem>>)
      %dma_wait3A = arith.constant 0 : i32
      %dma_wait3A_385 = tpu.memref_slice %arg13[%add3A_253, %dma_wait3A] : memref<50000x32xf32, #tpu.memory_space<vmem_shared>> -> memref<125x32xf32, #tpu.memory_space<vmem_shared>>
      %dma_wait3A_386 = arith.constant 0 : i32
      %dma_wait3A_387 = tpu.memref_slice %arg13[%add3A_253, %dma_wait3A_386] : memref<50000x32xf32, #tpu.memory_space<vmem_shared>> -> memref<125x32xf32, #tpu.memory_space<vmem_shared>>
      tpu.wait_dma2 semaphore(%run_scoped3A : memref<!tpu.dma_semaphore, #tpu.memory_space<semaphore_mem>>) src(%dma_wait3A_387 : memref<125x32xf32, #tpu.memory_space<vmem_shared>>) dst(%arg12 : memref<125x32xf32, #tpu.memory_space<vmem>>)
      tpu.yield
    }) : () -> ()
    %mul3A_254 = arith.constant 50000 : i32
    %mul3A_255 = arith.muli %arg0, %mul3A_254 : i32
    %mul3A_256 = arith.constant 3125 : i32
    %mul3A_257 = arith.muli %arg1, %mul3A_256 : i32
    %add3A_258 = arith.addi %mul3A_255, %mul3A_257 : i32
    %add3A_259 = arith.constant 1625 : i32
    %add3A_260 = arith.addi %add3A_258, %add3A_259 : i32
    "tpu.region"() ({
      %run_scoped3A = tpu.sem_alloc : memref<!tpu.dma_semaphore, #tpu.memory_space<semaphore_mem>>
      %dma_start3A = arith.constant 0 : i32
      %dma_start3A_382 = tpu.memref_slice %arg5[%add3A_260, %dma_start3A] : memref<100000x32xf32, #tpu.memory_space<hbm>> -> memref<125x32xf32, #tpu.memory_space<hbm>>
      %dma_start3A_383 = arith.constant 0 : i32
      %dma_start3A_384 = tpu.memref_slice %arg5[%add3A_260, %dma_start3A_383] : memref<100000x32xf32, #tpu.memory_space<hbm>> -> memref<125x32xf32, #tpu.memory_space<hbm>>
      tpu.enqueue_dma source(%arg12 : memref<125x32xf32, #tpu.memory_space<vmem>>) target(%dma_start3A_384 : memref<125x32xf32, #tpu.memory_space<hbm>>) target_semaphore(%run_scoped3A : memref<!tpu.dma_semaphore, #tpu.memory_space<semaphore_mem>>)
      %dma_wait3A = arith.constant 0 : i32
      %dma_wait3A_385 = tpu.memref_slice %arg5[%add3A_260, %dma_wait3A] : memref<100000x32xf32, #tpu.memory_space<hbm>> -> memref<125x32xf32, #tpu.memory_space<hbm>>
      %dma_wait3A_386 = arith.constant 0 : i32
      %dma_wait3A_387 = tpu.memref_slice %arg5[%add3A_260, %dma_wait3A_386] : memref<100000x32xf32, #tpu.memory_space<hbm>> -> memref<125x32xf32, #tpu.memory_space<hbm>>
      tpu.wait_dma2 semaphore(%run_scoped3A : memref<!tpu.dma_semaphore, #tpu.memory_space<semaphore_mem>>) src(%arg12 : memref<125x32xf32, #tpu.memory_space<vmem>>) dst(%dma_wait3A_387 : memref<125x32xf32, #tpu.memory_space<hbm>>)
      tpu.yield
    }) : () -> ()
    %mul3A_261 = arith.constant 3125 : i32
    %mul3A_262 = arith.muli %arg1, %mul3A_261 : i32
    %add3A_263 = arith.constant 1750 : i32
    %add3A_264 = arith.addi %mul3A_262, %add3A_263 : i32
    "tpu.region"() ({
      %run_scoped3A = tpu.sem_alloc : memref<!tpu.dma_semaphore, #tpu.memory_space<semaphore_mem>>
      %dma_start3A = arith.constant 0 : i32
      %dma_start3A_382 = tpu.memref_slice %arg13[%add3A_264, %dma_start3A] : memref<50000x32xf32, #tpu.memory_space<vmem_shared>> -> memref<125x32xf32, #tpu.memory_space<vmem_shared>>
      %dma_start3A_383 = arith.constant 0 : i32
      %dma_start3A_384 = tpu.memref_slice %arg13[%add3A_264, %dma_start3A_383] : memref<50000x32xf32, #tpu.memory_space<vmem_shared>> -> memref<125x32xf32, #tpu.memory_space<vmem_shared>>
      tpu.enqueue_dma source(%dma_start3A_384 : memref<125x32xf32, #tpu.memory_space<vmem_shared>>) target(%arg12 : memref<125x32xf32, #tpu.memory_space<vmem>>) target_semaphore(%run_scoped3A : memref<!tpu.dma_semaphore, #tpu.memory_space<semaphore_mem>>)
      %dma_wait3A = arith.constant 0 : i32
      %dma_wait3A_385 = tpu.memref_slice %arg13[%add3A_264, %dma_wait3A] : memref<50000x32xf32, #tpu.memory_space<vmem_shared>> -> memref<125x32xf32, #tpu.memory_space<vmem_shared>>
      %dma_wait3A_386 = arith.constant 0 : i32
      %dma_wait3A_387 = tpu.memref_slice %arg13[%add3A_264, %dma_wait3A_386] : memref<50000x32xf32, #tpu.memory_space<vmem_shared>> -> memref<125x32xf32, #tpu.memory_space<vmem_shared>>
      tpu.wait_dma2 semaphore(%run_scoped3A : memref<!tpu.dma_semaphore, #tpu.memory_space<semaphore_mem>>) src(%dma_wait3A_387 : memref<125x32xf32, #tpu.memory_space<vmem_shared>>) dst(%arg12 : memref<125x32xf32, #tpu.memory_space<vmem>>)
      tpu.yield
    }) : () -> ()
    %mul3A_265 = arith.constant 50000 : i32
    %mul3A_266 = arith.muli %arg0, %mul3A_265 : i32
    %mul3A_267 = arith.constant 3125 : i32
    %mul3A_268 = arith.muli %arg1, %mul3A_267 : i32
    %add3A_269 = arith.addi %mul3A_266, %mul3A_268 : i32
    %add3A_270 = arith.constant 1750 : i32
    %add3A_271 = arith.addi %add3A_269, %add3A_270 : i32
    "tpu.region"() ({
      %run_scoped3A = tpu.sem_alloc : memref<!tpu.dma_semaphore, #tpu.memory_space<semaphore_mem>>
      %dma_start3A = arith.constant 0 : i32
      %dma_start3A_382 = tpu.memref_slice %arg5[%add3A_271, %dma_start3A] : memref<100000x32xf32, #tpu.memory_space<hbm>> -> memref<125x32xf32, #tpu.memory_space<hbm>>
      %dma_start3A_383 = arith.constant 0 : i32
      %dma_start3A_384 = tpu.memref_slice %arg5[%add3A_271, %dma_start3A_383] : memref<100000x32xf32, #tpu.memory_space<hbm>> -> memref<125x32xf32, #tpu.memory_space<hbm>>
      tpu.enqueue_dma source(%arg12 : memref<125x32xf32, #tpu.memory_space<vmem>>) target(%dma_start3A_384 : memref<125x32xf32, #tpu.memory_space<hbm>>) target_semaphore(%run_scoped3A : memref<!tpu.dma_semaphore, #tpu.memory_space<semaphore_mem>>)
      %dma_wait3A = arith.constant 0 : i32
      %dma_wait3A_385 = tpu.memref_slice %arg5[%add3A_271, %dma_wait3A] : memref<100000x32xf32, #tpu.memory_space<hbm>> -> memref<125x32xf32, #tpu.memory_space<hbm>>
      %dma_wait3A_386 = arith.constant 0 : i32
      %dma_wait3A_387 = tpu.memref_slice %arg5[%add3A_271, %dma_wait3A_386] : memref<100000x32xf32, #tpu.memory_space<hbm>> -> memref<125x32xf32, #tpu.memory_space<hbm>>
      tpu.wait_dma2 semaphore(%run_scoped3A : memref<!tpu.dma_semaphore, #tpu.memory_space<semaphore_mem>>) src(%arg12 : memref<125x32xf32, #tpu.memory_space<vmem>>) dst(%dma_wait3A_387 : memref<125x32xf32, #tpu.memory_space<hbm>>)
      tpu.yield
    }) : () -> ()
    %mul3A_272 = arith.constant 3125 : i32
    %mul3A_273 = arith.muli %arg1, %mul3A_272 : i32
    %add3A_274 = arith.constant 1875 : i32
    %add3A_275 = arith.addi %mul3A_273, %add3A_274 : i32
    "tpu.region"() ({
      %run_scoped3A = tpu.sem_alloc : memref<!tpu.dma_semaphore, #tpu.memory_space<semaphore_mem>>
      %dma_start3A = arith.constant 0 : i32
      %dma_start3A_382 = tpu.memref_slice %arg13[%add3A_275, %dma_start3A] : memref<50000x32xf32, #tpu.memory_space<vmem_shared>> -> memref<125x32xf32, #tpu.memory_space<vmem_shared>>
      %dma_start3A_383 = arith.constant 0 : i32
      %dma_start3A_384 = tpu.memref_slice %arg13[%add3A_275, %dma_start3A_383] : memref<50000x32xf32, #tpu.memory_space<vmem_shared>> -> memref<125x32xf32, #tpu.memory_space<vmem_shared>>
      tpu.enqueue_dma source(%dma_start3A_384 : memref<125x32xf32, #tpu.memory_space<vmem_shared>>) target(%arg12 : memref<125x32xf32, #tpu.memory_space<vmem>>) target_semaphore(%run_scoped3A : memref<!tpu.dma_semaphore, #tpu.memory_space<semaphore_mem>>)
      %dma_wait3A = arith.constant 0 : i32
      %dma_wait3A_385 = tpu.memref_slice %arg13[%add3A_275, %dma_wait3A] : memref<50000x32xf32, #tpu.memory_space<vmem_shared>> -> memref<125x32xf32, #tpu.memory_space<vmem_shared>>
      %dma_wait3A_386 = arith.constant 0 : i32
      %dma_wait3A_387 = tpu.memref_slice %arg13[%add3A_275, %dma_wait3A_386] : memref<50000x32xf32, #tpu.memory_space<vmem_shared>> -> memref<125x32xf32, #tpu.memory_space<vmem_shared>>
      tpu.wait_dma2 semaphore(%run_scoped3A : memref<!tpu.dma_semaphore, #tpu.memory_space<semaphore_mem>>) src(%dma_wait3A_387 : memref<125x32xf32, #tpu.memory_space<vmem_shared>>) dst(%arg12 : memref<125x32xf32, #tpu.memory_space<vmem>>)
      tpu.yield
    }) : () -> ()
    %mul3A_276 = arith.constant 50000 : i32
    %mul3A_277 = arith.muli %arg0, %mul3A_276 : i32
    %mul3A_278 = arith.constant 3125 : i32
    %mul3A_279 = arith.muli %arg1, %mul3A_278 : i32
    %add3A_280 = arith.addi %mul3A_277, %mul3A_279 : i32
    %add3A_281 = arith.constant 1875 : i32
    %add3A_282 = arith.addi %add3A_280, %add3A_281 : i32
    "tpu.region"() ({
      %run_scoped3A = tpu.sem_alloc : memref<!tpu.dma_semaphore, #tpu.memory_space<semaphore_mem>>
      %dma_start3A = arith.constant 0 : i32
      %dma_start3A_382 = tpu.memref_slice %arg5[%add3A_282, %dma_start3A] : memref<100000x32xf32, #tpu.memory_space<hbm>> -> memref<125x32xf32, #tpu.memory_space<hbm>>
      %dma_start3A_383 = arith.constant 0 : i32
      %dma_start3A_384 = tpu.memref_slice %arg5[%add3A_282, %dma_start3A_383] : memref<100000x32xf32, #tpu.memory_space<hbm>> -> memref<125x32xf32, #tpu.memory_space<hbm>>
      tpu.enqueue_dma source(%arg12 : memref<125x32xf32, #tpu.memory_space<vmem>>) target(%dma_start3A_384 : memref<125x32xf32, #tpu.memory_space<hbm>>) target_semaphore(%run_scoped3A : memref<!tpu.dma_semaphore, #tpu.memory_space<semaphore_mem>>)
      %dma_wait3A = arith.constant 0 : i32
      %dma_wait3A_385 = tpu.memref_slice %arg5[%add3A_282, %dma_wait3A] : memref<100000x32xf32, #tpu.memory_space<hbm>> -> memref<125x32xf32, #tpu.memory_space<hbm>>
      %dma_wait3A_386 = arith.constant 0 : i32
      %dma_wait3A_387 = tpu.memref_slice %arg5[%add3A_282, %dma_wait3A_386] : memref<100000x32xf32, #tpu.memory_space<hbm>> -> memref<125x32xf32, #tpu.memory_space<hbm>>
      tpu.wait_dma2 semaphore(%run_scoped3A : memref<!tpu.dma_semaphore, #tpu.memory_space<semaphore_mem>>) src(%arg12 : memref<125x32xf32, #tpu.memory_space<vmem>>) dst(%dma_wait3A_387 : memref<125x32xf32, #tpu.memory_space<hbm>>)
      tpu.yield
    }) : () -> ()
    %mul3A_283 = arith.constant 3125 : i32
    %mul3A_284 = arith.muli %arg1, %mul3A_283 : i32
    %add3A_285 = arith.constant 2000 : i32
    %add3A_286 = arith.addi %mul3A_284, %add3A_285 : i32
    "tpu.region"() ({
      %run_scoped3A = tpu.sem_alloc : memref<!tpu.dma_semaphore, #tpu.memory_space<semaphore_mem>>
      %dma_start3A = arith.constant 0 : i32
      %dma_start3A_382 = tpu.memref_slice %arg13[%add3A_286, %dma_start3A] : memref<50000x32xf32, #tpu.memory_space<vmem_shared>> -> memref<125x32xf32, #tpu.memory_space<vmem_shared>>
      %dma_start3A_383 = arith.constant 0 : i32
      %dma_start3A_384 = tpu.memref_slice %arg13[%add3A_286, %dma_start3A_383] : memref<50000x32xf32, #tpu.memory_space<vmem_shared>> -> memref<125x32xf32, #tpu.memory_space<vmem_shared>>
      tpu.enqueue_dma source(%dma_start3A_384 : memref<125x32xf32, #tpu.memory_space<vmem_shared>>) target(%arg12 : memref<125x32xf32, #tpu.memory_space<vmem>>) target_semaphore(%run_scoped3A : memref<!tpu.dma_semaphore, #tpu.memory_space<semaphore_mem>>)
      %dma_wait3A = arith.constant 0 : i32
      %dma_wait3A_385 = tpu.memref_slice %arg13[%add3A_286, %dma_wait3A] : memref<50000x32xf32, #tpu.memory_space<vmem_shared>> -> memref<125x32xf32, #tpu.memory_space<vmem_shared>>
      %dma_wait3A_386 = arith.constant 0 : i32
      %dma_wait3A_387 = tpu.memref_slice %arg13[%add3A_286, %dma_wait3A_386] : memref<50000x32xf32, #tpu.memory_space<vmem_shared>> -> memref<125x32xf32, #tpu.memory_space<vmem_shared>>
      tpu.wait_dma2 semaphore(%run_scoped3A : memref<!tpu.dma_semaphore, #tpu.memory_space<semaphore_mem>>) src(%dma_wait3A_387 : memref<125x32xf32, #tpu.memory_space<vmem_shared>>) dst(%arg12 : memref<125x32xf32, #tpu.memory_space<vmem>>)
      tpu.yield
    }) : () -> ()
    %mul3A_287 = arith.constant 50000 : i32
    %mul3A_288 = arith.muli %arg0, %mul3A_287 : i32
    %mul3A_289 = arith.constant 3125 : i32
    %mul3A_290 = arith.muli %arg1, %mul3A_289 : i32
    %add3A_291 = arith.addi %mul3A_288, %mul3A_290 : i32
    %add3A_292 = arith.constant 2000 : i32
    %add3A_293 = arith.addi %add3A_291, %add3A_292 : i32
    "tpu.region"() ({
      %run_scoped3A = tpu.sem_alloc : memref<!tpu.dma_semaphore, #tpu.memory_space<semaphore_mem>>
      %dma_start3A = arith.constant 0 : i32
      %dma_start3A_382 = tpu.memref_slice %arg5[%add3A_293, %dma_start3A] : memref<100000x32xf32, #tpu.memory_space<hbm>> -> memref<125x32xf32, #tpu.memory_space<hbm>>
      %dma_start3A_383 = arith.constant 0 : i32
      %dma_start3A_384 = tpu.memref_slice %arg5[%add3A_293, %dma_start3A_383] : memref<100000x32xf32, #tpu.memory_space<hbm>> -> memref<125x32xf32, #tpu.memory_space<hbm>>
      tpu.enqueue_dma source(%arg12 : memref<125x32xf32, #tpu.memory_space<vmem>>) target(%dma_start3A_384 : memref<125x32xf32, #tpu.memory_space<hbm>>) target_semaphore(%run_scoped3A : memref<!tpu.dma_semaphore, #tpu.memory_space<semaphore_mem>>)
      %dma_wait3A = arith.constant 0 : i32
      %dma_wait3A_385 = tpu.memref_slice %arg5[%add3A_293, %dma_wait3A] : memref<100000x32xf32, #tpu.memory_space<hbm>> -> memref<125x32xf32, #tpu.memory_space<hbm>>
      %dma_wait3A_386 = arith.constant 0 : i32
      %dma_wait3A_387 = tpu.memref_slice %arg5[%add3A_293, %dma_wait3A_386] : memref<100000x32xf32, #tpu.memory_space<hbm>> -> memref<125x32xf32, #tpu.memory_space<hbm>>
      tpu.wait_dma2 semaphore(%run_scoped3A : memref<!tpu.dma_semaphore, #tpu.memory_space<semaphore_mem>>) src(%arg12 : memref<125x32xf32, #tpu.memory_space<vmem>>) dst(%dma_wait3A_387 : memref<125x32xf32, #tpu.memory_space<hbm>>)
      tpu.yield
    }) : () -> ()
    %mul3A_294 = arith.constant 3125 : i32
    %mul3A_295 = arith.muli %arg1, %mul3A_294 : i32
    %add3A_296 = arith.constant 2125 : i32
    %add3A_297 = arith.addi %mul3A_295, %add3A_296 : i32
    "tpu.region"() ({
      %run_scoped3A = tpu.sem_alloc : memref<!tpu.dma_semaphore, #tpu.memory_space<semaphore_mem>>
      %dma_start3A = arith.constant 0 : i32
      %dma_start3A_382 = tpu.memref_slice %arg13[%add3A_297, %dma_start3A] : memref<50000x32xf32, #tpu.memory_space<vmem_shared>> -> memref<125x32xf32, #tpu.memory_space<vmem_shared>>
      %dma_start3A_383 = arith.constant 0 : i32
      %dma_start3A_384 = tpu.memref_slice %arg13[%add3A_297, %dma_start3A_383] : memref<50000x32xf32, #tpu.memory_space<vmem_shared>> -> memref<125x32xf32, #tpu.memory_space<vmem_shared>>
      tpu.enqueue_dma source(%dma_start3A_384 : memref<125x32xf32, #tpu.memory_space<vmem_shared>>) target(%arg12 : memref<125x32xf32, #tpu.memory_space<vmem>>) target_semaphore(%run_scoped3A : memref<!tpu.dma_semaphore, #tpu.memory_space<semaphore_mem>>)
      %dma_wait3A = arith.constant 0 : i32
      %dma_wait3A_385 = tpu.memref_slice %arg13[%add3A_297, %dma_wait3A] : memref<50000x32xf32, #tpu.memory_space<vmem_shared>> -> memref<125x32xf32, #tpu.memory_space<vmem_shared>>
      %dma_wait3A_386 = arith.constant 0 : i32
      %dma_wait3A_387 = tpu.memref_slice %arg13[%add3A_297, %dma_wait3A_386] : memref<50000x32xf32, #tpu.memory_space<vmem_shared>> -> memref<125x32xf32, #tpu.memory_space<vmem_shared>>
      tpu.wait_dma2 semaphore(%run_scoped3A : memref<!tpu.dma_semaphore, #tpu.memory_space<semaphore_mem>>) src(%dma_wait3A_387 : memref<125x32xf32, #tpu.memory_space<vmem_shared>>) dst(%arg12 : memref<125x32xf32, #tpu.memory_space<vmem>>)
      tpu.yield
    }) : () -> ()
    %mul3A_298 = arith.constant 50000 : i32
    %mul3A_299 = arith.muli %arg0, %mul3A_298 : i32
    %mul3A_300 = arith.constant 3125 : i32
    %mul3A_301 = arith.muli %arg1, %mul3A_300 : i32
    %add3A_302 = arith.addi %mul3A_299, %mul3A_301 : i32
    %add3A_303 = arith.constant 2125 : i32
    %add3A_304 = arith.addi %add3A_302, %add3A_303 : i32
    "tpu.region"() ({
      %run_scoped3A = tpu.sem_alloc : memref<!tpu.dma_semaphore, #tpu.memory_space<semaphore_mem>>
      %dma_start3A = arith.constant 0 : i32
      %dma_start3A_382 = tpu.memref_slice %arg5[%add3A_304, %dma_start3A] : memref<100000x32xf32, #tpu.memory_space<hbm>> -> memref<125x32xf32, #tpu.memory_space<hbm>>
      %dma_start3A_383 = arith.constant 0 : i32
      %dma_start3A_384 = tpu.memref_slice %arg5[%add3A_304, %dma_start3A_383] : memref<100000x32xf32, #tpu.memory_space<hbm>> -> memref<125x32xf32, #tpu.memory_space<hbm>>
      tpu.enqueue_dma source(%arg12 : memref<125x32xf32, #tpu.memory_space<vmem>>) target(%dma_start3A_384 : memref<125x32xf32, #tpu.memory_space<hbm>>) target_semaphore(%run_scoped3A : memref<!tpu.dma_semaphore, #tpu.memory_space<semaphore_mem>>)
      %dma_wait3A = arith.constant 0 : i32
      %dma_wait3A_385 = tpu.memref_slice %arg5[%add3A_304, %dma_wait3A] : memref<100000x32xf32, #tpu.memory_space<hbm>> -> memref<125x32xf32, #tpu.memory_space<hbm>>
      %dma_wait3A_386 = arith.constant 0 : i32
      %dma_wait3A_387 = tpu.memref_slice %arg5[%add3A_304, %dma_wait3A_386] : memref<100000x32xf32, #tpu.memory_space<hbm>> -> memref<125x32xf32, #tpu.memory_space<hbm>>
      tpu.wait_dma2 semaphore(%run_scoped3A : memref<!tpu.dma_semaphore, #tpu.memory_space<semaphore_mem>>) src(%arg12 : memref<125x32xf32, #tpu.memory_space<vmem>>) dst(%dma_wait3A_387 : memref<125x32xf32, #tpu.memory_space<hbm>>)
      tpu.yield
    }) : () -> ()
    %mul3A_305 = arith.constant 3125 : i32
    %mul3A_306 = arith.muli %arg1, %mul3A_305 : i32
    %add3A_307 = arith.constant 2250 : i32
    %add3A_308 = arith.addi %mul3A_306, %add3A_307 : i32
    "tpu.region"() ({
      %run_scoped3A = tpu.sem_alloc : memref<!tpu.dma_semaphore, #tpu.memory_space<semaphore_mem>>
      %dma_start3A = arith.constant 0 : i32
      %dma_start3A_382 = tpu.memref_slice %arg13[%add3A_308, %dma_start3A] : memref<50000x32xf32, #tpu.memory_space<vmem_shared>> -> memref<125x32xf32, #tpu.memory_space<vmem_shared>>
      %dma_start3A_383 = arith.constant 0 : i32
      %dma_start3A_384 = tpu.memref_slice %arg13[%add3A_308, %dma_start3A_383] : memref<50000x32xf32, #tpu.memory_space<vmem_shared>> -> memref<125x32xf32, #tpu.memory_space<vmem_shared>>
      tpu.enqueue_dma source(%dma_start3A_384 : memref<125x32xf32, #tpu.memory_space<vmem_shared>>) target(%arg12 : memref<125x32xf32, #tpu.memory_space<vmem>>) target_semaphore(%run_scoped3A : memref<!tpu.dma_semaphore, #tpu.memory_space<semaphore_mem>>)
      %dma_wait3A = arith.constant 0 : i32
      %dma_wait3A_385 = tpu.memref_slice %arg13[%add3A_308, %dma_wait3A] : memref<50000x32xf32, #tpu.memory_space<vmem_shared>> -> memref<125x32xf32, #tpu.memory_space<vmem_shared>>
      %dma_wait3A_386 = arith.constant 0 : i32
      %dma_wait3A_387 = tpu.memref_slice %arg13[%add3A_308, %dma_wait3A_386] : memref<50000x32xf32, #tpu.memory_space<vmem_shared>> -> memref<125x32xf32, #tpu.memory_space<vmem_shared>>
      tpu.wait_dma2 semaphore(%run_scoped3A : memref<!tpu.dma_semaphore, #tpu.memory_space<semaphore_mem>>) src(%dma_wait3A_387 : memref<125x32xf32, #tpu.memory_space<vmem_shared>>) dst(%arg12 : memref<125x32xf32, #tpu.memory_space<vmem>>)
      tpu.yield
    }) : () -> ()
    %mul3A_309 = arith.constant 50000 : i32
    %mul3A_310 = arith.muli %arg0, %mul3A_309 : i32
    %mul3A_311 = arith.constant 3125 : i32
    %mul3A_312 = arith.muli %arg1, %mul3A_311 : i32
    %add3A_313 = arith.addi %mul3A_310, %mul3A_312 : i32
    %add3A_314 = arith.constant 2250 : i32
    %add3A_315 = arith.addi %add3A_313, %add3A_314 : i32
    "tpu.region"() ({
      %run_scoped3A = tpu.sem_alloc : memref<!tpu.dma_semaphore, #tpu.memory_space<semaphore_mem>>
      %dma_start3A = arith.constant 0 : i32
      %dma_start3A_382 = tpu.memref_slice %arg5[%add3A_315, %dma_start3A] : memref<100000x32xf32, #tpu.memory_space<hbm>> -> memref<125x32xf32, #tpu.memory_space<hbm>>
      %dma_start3A_383 = arith.constant 0 : i32
      %dma_start3A_384 = tpu.memref_slice %arg5[%add3A_315, %dma_start3A_383] : memref<100000x32xf32, #tpu.memory_space<hbm>> -> memref<125x32xf32, #tpu.memory_space<hbm>>
      tpu.enqueue_dma source(%arg12 : memref<125x32xf32, #tpu.memory_space<vmem>>) target(%dma_start3A_384 : memref<125x32xf32, #tpu.memory_space<hbm>>) target_semaphore(%run_scoped3A : memref<!tpu.dma_semaphore, #tpu.memory_space<semaphore_mem>>)
      %dma_wait3A = arith.constant 0 : i32
      %dma_wait3A_385 = tpu.memref_slice %arg5[%add3A_315, %dma_wait3A] : memref<100000x32xf32, #tpu.memory_space<hbm>> -> memref<125x32xf32, #tpu.memory_space<hbm>>
      %dma_wait3A_386 = arith.constant 0 : i32
      %dma_wait3A_387 = tpu.memref_slice %arg5[%add3A_315, %dma_wait3A_386] : memref<100000x32xf32, #tpu.memory_space<hbm>> -> memref<125x32xf32, #tpu.memory_space<hbm>>
      tpu.wait_dma2 semaphore(%run_scoped3A : memref<!tpu.dma_semaphore, #tpu.memory_space<semaphore_mem>>) src(%arg12 : memref<125x32xf32, #tpu.memory_space<vmem>>) dst(%dma_wait3A_387 : memref<125x32xf32, #tpu.memory_space<hbm>>)
      tpu.yield
    }) : () -> ()
    %mul3A_316 = arith.constant 3125 : i32
    %mul3A_317 = arith.muli %arg1, %mul3A_316 : i32
    %add3A_318 = arith.constant 2375 : i32
    %add3A_319 = arith.addi %mul3A_317, %add3A_318 : i32
    "tpu.region"() ({
      %run_scoped3A = tpu.sem_alloc : memref<!tpu.dma_semaphore, #tpu.memory_space<semaphore_mem>>
      %dma_start3A = arith.constant 0 : i32
      %dma_start3A_382 = tpu.memref_slice %arg13[%add3A_319, %dma_start3A] : memref<50000x32xf32, #tpu.memory_space<vmem_shared>> -> memref<125x32xf32, #tpu.memory_space<vmem_shared>>
      %dma_start3A_383 = arith.constant 0 : i32
      %dma_start3A_384 = tpu.memref_slice %arg13[%add3A_319, %dma_start3A_383] : memref<50000x32xf32, #tpu.memory_space<vmem_shared>> -> memref<125x32xf32, #tpu.memory_space<vmem_shared>>
      tpu.enqueue_dma source(%dma_start3A_384 : memref<125x32xf32, #tpu.memory_space<vmem_shared>>) target(%arg12 : memref<125x32xf32, #tpu.memory_space<vmem>>) target_semaphore(%run_scoped3A : memref<!tpu.dma_semaphore, #tpu.memory_space<semaphore_mem>>)
      %dma_wait3A = arith.constant 0 : i32
      %dma_wait3A_385 = tpu.memref_slice %arg13[%add3A_319, %dma_wait3A] : memref<50000x32xf32, #tpu.memory_space<vmem_shared>> -> memref<125x32xf32, #tpu.memory_space<vmem_shared>>
      %dma_wait3A_386 = arith.constant 0 : i32
      %dma_wait3A_387 = tpu.memref_slice %arg13[%add3A_319, %dma_wait3A_386] : memref<50000x32xf32, #tpu.memory_space<vmem_shared>> -> memref<125x32xf32, #tpu.memory_space<vmem_shared>>
      tpu.wait_dma2 semaphore(%run_scoped3A : memref<!tpu.dma_semaphore, #tpu.memory_space<semaphore_mem>>) src(%dma_wait3A_387 : memref<125x32xf32, #tpu.memory_space<vmem_shared>>) dst(%arg12 : memref<125x32xf32, #tpu.memory_space<vmem>>)
      tpu.yield
    }) : () -> ()
    %mul3A_320 = arith.constant 50000 : i32
    %mul3A_321 = arith.muli %arg0, %mul3A_320 : i32
    %mul3A_322 = arith.constant 3125 : i32
    %mul3A_323 = arith.muli %arg1, %mul3A_322 : i32
    %add3A_324 = arith.addi %mul3A_321, %mul3A_323 : i32
    %add3A_325 = arith.constant 2375 : i32
    %add3A_326 = arith.addi %add3A_324, %add3A_325 : i32
    "tpu.region"() ({
      %run_scoped3A = tpu.sem_alloc : memref<!tpu.dma_semaphore, #tpu.memory_space<semaphore_mem>>
      %dma_start3A = arith.constant 0 : i32
      %dma_start3A_382 = tpu.memref_slice %arg5[%add3A_326, %dma_start3A] : memref<100000x32xf32, #tpu.memory_space<hbm>> -> memref<125x32xf32, #tpu.memory_space<hbm>>
      %dma_start3A_383 = arith.constant 0 : i32
      %dma_start3A_384 = tpu.memref_slice %arg5[%add3A_326, %dma_start3A_383] : memref<100000x32xf32, #tpu.memory_space<hbm>> -> memref<125x32xf32, #tpu.memory_space<hbm>>
      tpu.enqueue_dma source(%arg12 : memref<125x32xf32, #tpu.memory_space<vmem>>) target(%dma_start3A_384 : memref<125x32xf32, #tpu.memory_space<hbm>>) target_semaphore(%run_scoped3A : memref<!tpu.dma_semaphore, #tpu.memory_space<semaphore_mem>>)
      %dma_wait3A = arith.constant 0 : i32
      %dma_wait3A_385 = tpu.memref_slice %arg5[%add3A_326, %dma_wait3A] : memref<100000x32xf32, #tpu.memory_space<hbm>> -> memref<125x32xf32, #tpu.memory_space<hbm>>
      %dma_wait3A_386 = arith.constant 0 : i32
      %dma_wait3A_387 = tpu.memref_slice %arg5[%add3A_326, %dma_wait3A_386] : memref<100000x32xf32, #tpu.memory_space<hbm>> -> memref<125x32xf32, #tpu.memory_space<hbm>>
      tpu.wait_dma2 semaphore(%run_scoped3A : memref<!tpu.dma_semaphore, #tpu.memory_space<semaphore_mem>>) src(%arg12 : memref<125x32xf32, #tpu.memory_space<vmem>>) dst(%dma_wait3A_387 : memref<125x32xf32, #tpu.memory_space<hbm>>)
      tpu.yield
    }) : () -> ()
    %mul3A_327 = arith.constant 3125 : i32
    %mul3A_328 = arith.muli %arg1, %mul3A_327 : i32
    %add3A_329 = arith.constant 2500 : i32
    %add3A_330 = arith.addi %mul3A_328, %add3A_329 : i32
    "tpu.region"() ({
      %run_scoped3A = tpu.sem_alloc : memref<!tpu.dma_semaphore, #tpu.memory_space<semaphore_mem>>
      %dma_start3A = arith.constant 0 : i32
      %dma_start3A_382 = tpu.memref_slice %arg13[%add3A_330, %dma_start3A] : memref<50000x32xf32, #tpu.memory_space<vmem_shared>> -> memref<125x32xf32, #tpu.memory_space<vmem_shared>>
      %dma_start3A_383 = arith.constant 0 : i32
      %dma_start3A_384 = tpu.memref_slice %arg13[%add3A_330, %dma_start3A_383] : memref<50000x32xf32, #tpu.memory_space<vmem_shared>> -> memref<125x32xf32, #tpu.memory_space<vmem_shared>>
      tpu.enqueue_dma source(%dma_start3A_384 : memref<125x32xf32, #tpu.memory_space<vmem_shared>>) target(%arg12 : memref<125x32xf32, #tpu.memory_space<vmem>>) target_semaphore(%run_scoped3A : memref<!tpu.dma_semaphore, #tpu.memory_space<semaphore_mem>>)
      %dma_wait3A = arith.constant 0 : i32
      %dma_wait3A_385 = tpu.memref_slice %arg13[%add3A_330, %dma_wait3A] : memref<50000x32xf32, #tpu.memory_space<vmem_shared>> -> memref<125x32xf32, #tpu.memory_space<vmem_shared>>
      %dma_wait3A_386 = arith.constant 0 : i32
      %dma_wait3A_387 = tpu.memref_slice %arg13[%add3A_330, %dma_wait3A_386] : memref<50000x32xf32, #tpu.memory_space<vmem_shared>> -> memref<125x32xf32, #tpu.memory_space<vmem_shared>>
      tpu.wait_dma2 semaphore(%run_scoped3A : memref<!tpu.dma_semaphore, #tpu.memory_space<semaphore_mem>>) src(%dma_wait3A_387 : memref<125x32xf32, #tpu.memory_space<vmem_shared>>) dst(%arg12 : memref<125x32xf32, #tpu.memory_space<vmem>>)
      tpu.yield
    }) : () -> ()
    %mul3A_331 = arith.constant 50000 : i32
    %mul3A_332 = arith.muli %arg0, %mul3A_331 : i32
    %mul3A_333 = arith.constant 3125 : i32
    %mul3A_334 = arith.muli %arg1, %mul3A_333 : i32
    %add3A_335 = arith.addi %mul3A_332, %mul3A_334 : i32
    %add3A_336 = arith.constant 2500 : i32
    %add3A_337 = arith.addi %add3A_335, %add3A_336 : i32
    "tpu.region"() ({
      %run_scoped3A = tpu.sem_alloc : memref<!tpu.dma_semaphore, #tpu.memory_space<semaphore_mem>>
      %dma_start3A = arith.constant 0 : i32
      %dma_start3A_382 = tpu.memref_slice %arg5[%add3A_337, %dma_start3A] : memref<100000x32xf32, #tpu.memory_space<hbm>> -> memref<125x32xf32, #tpu.memory_space<hbm>>
      %dma_start3A_383 = arith.constant 0 : i32
      %dma_start3A_384 = tpu.memref_slice %arg5[%add3A_337, %dma_start3A_383] : memref<100000x32xf32, #tpu.memory_space<hbm>> -> memref<125x32xf32, #tpu.memory_space<hbm>>
      tpu.enqueue_dma source(%arg12 : memref<125x32xf32, #tpu.memory_space<vmem>>) target(%dma_start3A_384 : memref<125x32xf32, #tpu.memory_space<hbm>>) target_semaphore(%run_scoped3A : memref<!tpu.dma_semaphore, #tpu.memory_space<semaphore_mem>>)
      %dma_wait3A = arith.constant 0 : i32
      %dma_wait3A_385 = tpu.memref_slice %arg5[%add3A_337, %dma_wait3A] : memref<100000x32xf32, #tpu.memory_space<hbm>> -> memref<125x32xf32, #tpu.memory_space<hbm>>
      %dma_wait3A_386 = arith.constant 0 : i32
      %dma_wait3A_387 = tpu.memref_slice %arg5[%add3A_337, %dma_wait3A_386] : memref<100000x32xf32, #tpu.memory_space<hbm>> -> memref<125x32xf32, #tpu.memory_space<hbm>>
      tpu.wait_dma2 semaphore(%run_scoped3A : memref<!tpu.dma_semaphore, #tpu.memory_space<semaphore_mem>>) src(%arg12 : memref<125x32xf32, #tpu.memory_space<vmem>>) dst(%dma_wait3A_387 : memref<125x32xf32, #tpu.memory_space<hbm>>)
      tpu.yield
    }) : () -> ()
    %mul3A_338 = arith.constant 3125 : i32
    %mul3A_339 = arith.muli %arg1, %mul3A_338 : i32
    %add3A_340 = arith.constant 2625 : i32
    %add3A_341 = arith.addi %mul3A_339, %add3A_340 : i32
    "tpu.region"() ({
      %run_scoped3A = tpu.sem_alloc : memref<!tpu.dma_semaphore, #tpu.memory_space<semaphore_mem>>
      %dma_start3A = arith.constant 0 : i32
      %dma_start3A_382 = tpu.memref_slice %arg13[%add3A_341, %dma_start3A] : memref<50000x32xf32, #tpu.memory_space<vmem_shared>> -> memref<125x32xf32, #tpu.memory_space<vmem_shared>>
      %dma_start3A_383 = arith.constant 0 : i32
      %dma_start3A_384 = tpu.memref_slice %arg13[%add3A_341, %dma_start3A_383] : memref<50000x32xf32, #tpu.memory_space<vmem_shared>> -> memref<125x32xf32, #tpu.memory_space<vmem_shared>>
      tpu.enqueue_dma source(%dma_start3A_384 : memref<125x32xf32, #tpu.memory_space<vmem_shared>>) target(%arg12 : memref<125x32xf32, #tpu.memory_space<vmem>>) target_semaphore(%run_scoped3A : memref<!tpu.dma_semaphore, #tpu.memory_space<semaphore_mem>>)
      %dma_wait3A = arith.constant 0 : i32
      %dma_wait3A_385 = tpu.memref_slice %arg13[%add3A_341, %dma_wait3A] : memref<50000x32xf32, #tpu.memory_space<vmem_shared>> -> memref<125x32xf32, #tpu.memory_space<vmem_shared>>
      %dma_wait3A_386 = arith.constant 0 : i32
      %dma_wait3A_387 = tpu.memref_slice %arg13[%add3A_341, %dma_wait3A_386] : memref<50000x32xf32, #tpu.memory_space<vmem_shared>> -> memref<125x32xf32, #tpu.memory_space<vmem_shared>>
      tpu.wait_dma2 semaphore(%run_scoped3A : memref<!tpu.dma_semaphore, #tpu.memory_space<semaphore_mem>>) src(%dma_wait3A_387 : memref<125x32xf32, #tpu.memory_space<vmem_shared>>) dst(%arg12 : memref<125x32xf32, #tpu.memory_space<vmem>>)
      tpu.yield
    }) : () -> ()
    %mul3A_342 = arith.constant 50000 : i32
    %mul3A_343 = arith.muli %arg0, %mul3A_342 : i32
    %mul3A_344 = arith.constant 3125 : i32
    %mul3A_345 = arith.muli %arg1, %mul3A_344 : i32
    %add3A_346 = arith.addi %mul3A_343, %mul3A_345 : i32
    %add3A_347 = arith.constant 2625 : i32
    %add3A_348 = arith.addi %add3A_346, %add3A_347 : i32
    "tpu.region"() ({
      %run_scoped3A = tpu.sem_alloc : memref<!tpu.dma_semaphore, #tpu.memory_space<semaphore_mem>>
      %dma_start3A = arith.constant 0 : i32
      %dma_start3A_382 = tpu.memref_slice %arg5[%add3A_348, %dma_start3A] : memref<100000x32xf32, #tpu.memory_space<hbm>> -> memref<125x32xf32, #tpu.memory_space<hbm>>
      %dma_start3A_383 = arith.constant 0 : i32
      %dma_start3A_384 = tpu.memref_slice %arg5[%add3A_348, %dma_start3A_383] : memref<100000x32xf32, #tpu.memory_space<hbm>> -> memref<125x32xf32, #tpu.memory_space<hbm>>
      tpu.enqueue_dma source(%arg12 : memref<125x32xf32, #tpu.memory_space<vmem>>) target(%dma_start3A_384 : memref<125x32xf32, #tpu.memory_space<hbm>>) target_semaphore(%run_scoped3A : memref<!tpu.dma_semaphore, #tpu.memory_space<semaphore_mem>>)
      %dma_wait3A = arith.constant 0 : i32
      %dma_wait3A_385 = tpu.memref_slice %arg5[%add3A_348, %dma_wait3A] : memref<100000x32xf32, #tpu.memory_space<hbm>> -> memref<125x32xf32, #tpu.memory_space<hbm>>
      %dma_wait3A_386 = arith.constant 0 : i32
      %dma_wait3A_387 = tpu.memref_slice %arg5[%add3A_348, %dma_wait3A_386] : memref<100000x32xf32, #tpu.memory_space<hbm>> -> memref<125x32xf32, #tpu.memory_space<hbm>>
      tpu.wait_dma2 semaphore(%run_scoped3A : memref<!tpu.dma_semaphore, #tpu.memory_space<semaphore_mem>>) src(%arg12 : memref<125x32xf32, #tpu.memory_space<vmem>>) dst(%dma_wait3A_387 : memref<125x32xf32, #tpu.memory_space<hbm>>)
      tpu.yield
    }) : () -> ()
    %mul3A_349 = arith.constant 3125 : i32
    %mul3A_350 = arith.muli %arg1, %mul3A_349 : i32
    %add3A_351 = arith.constant 2750 : i32
    %add3A_352 = arith.addi %mul3A_350, %add3A_351 : i32
    "tpu.region"() ({
      %run_scoped3A = tpu.sem_alloc : memref<!tpu.dma_semaphore, #tpu.memory_space<semaphore_mem>>
      %dma_start3A = arith.constant 0 : i32
      %dma_start3A_382 = tpu.memref_slice %arg13[%add3A_352, %dma_start3A] : memref<50000x32xf32, #tpu.memory_space<vmem_shared>> -> memref<125x32xf32, #tpu.memory_space<vmem_shared>>
      %dma_start3A_383 = arith.constant 0 : i32
      %dma_start3A_384 = tpu.memref_slice %arg13[%add3A_352, %dma_start3A_383] : memref<50000x32xf32, #tpu.memory_space<vmem_shared>> -> memref<125x32xf32, #tpu.memory_space<vmem_shared>>
      tpu.enqueue_dma source(%dma_start3A_384 : memref<125x32xf32, #tpu.memory_space<vmem_shared>>) target(%arg12 : memref<125x32xf32, #tpu.memory_space<vmem>>) target_semaphore(%run_scoped3A : memref<!tpu.dma_semaphore, #tpu.memory_space<semaphore_mem>>)
      %dma_wait3A = arith.constant 0 : i32
      %dma_wait3A_385 = tpu.memref_slice %arg13[%add3A_352, %dma_wait3A] : memref<50000x32xf32, #tpu.memory_space<vmem_shared>> -> memref<125x32xf32, #tpu.memory_space<vmem_shared>>
      %dma_wait3A_386 = arith.constant 0 : i32
      %dma_wait3A_387 = tpu.memref_slice %arg13[%add3A_352, %dma_wait3A_386] : memref<50000x32xf32, #tpu.memory_space<vmem_shared>> -> memref<125x32xf32, #tpu.memory_space<vmem_shared>>
      tpu.wait_dma2 semaphore(%run_scoped3A : memref<!tpu.dma_semaphore, #tpu.memory_space<semaphore_mem>>) src(%dma_wait3A_387 : memref<125x32xf32, #tpu.memory_space<vmem_shared>>) dst(%arg12 : memref<125x32xf32, #tpu.memory_space<vmem>>)
      tpu.yield
    }) : () -> ()
    %mul3A_353 = arith.constant 50000 : i32
    %mul3A_354 = arith.muli %arg0, %mul3A_353 : i32
    %mul3A_355 = arith.constant 3125 : i32
    %mul3A_356 = arith.muli %arg1, %mul3A_355 : i32
    %add3A_357 = arith.addi %mul3A_354, %mul3A_356 : i32
    %add3A_358 = arith.constant 2750 : i32
    %add3A_359 = arith.addi %add3A_357, %add3A_358 : i32
    "tpu.region"() ({
      %run_scoped3A = tpu.sem_alloc : memref<!tpu.dma_semaphore, #tpu.memory_space<semaphore_mem>>
      %dma_start3A = arith.constant 0 : i32
      %dma_start3A_382 = tpu.memref_slice %arg5[%add3A_359, %dma_start3A] : memref<100000x32xf32, #tpu.memory_space<hbm>> -> memref<125x32xf32, #tpu.memory_space<hbm>>
      %dma_start3A_383 = arith.constant 0 : i32
      %dma_start3A_384 = tpu.memref_slice %arg5[%add3A_359, %dma_start3A_383] : memref<100000x32xf32, #tpu.memory_space<hbm>> -> memref<125x32xf32, #tpu.memory_space<hbm>>
      tpu.enqueue_dma source(%arg12 : memref<125x32xf32, #tpu.memory_space<vmem>>) target(%dma_start3A_384 : memref<125x32xf32, #tpu.memory_space<hbm>>) target_semaphore(%run_scoped3A : memref<!tpu.dma_semaphore, #tpu.memory_space<semaphore_mem>>)
      %dma_wait3A = arith.constant 0 : i32
      %dma_wait3A_385 = tpu.memref_slice %arg5[%add3A_359, %dma_wait3A] : memref<100000x32xf32, #tpu.memory_space<hbm>> -> memref<125x32xf32, #tpu.memory_space<hbm>>
      %dma_wait3A_386 = arith.constant 0 : i32
      %dma_wait3A_387 = tpu.memref_slice %arg5[%add3A_359, %dma_wait3A_386] : memref<100000x32xf32, #tpu.memory_space<hbm>> -> memref<125x32xf32, #tpu.memory_space<hbm>>
      tpu.wait_dma2 semaphore(%run_scoped3A : memref<!tpu.dma_semaphore, #tpu.memory_space<semaphore_mem>>) src(%arg12 : memref<125x32xf32, #tpu.memory_space<vmem>>) dst(%dma_wait3A_387 : memref<125x32xf32, #tpu.memory_space<hbm>>)
      tpu.yield
    }) : () -> ()
    %mul3A_360 = arith.constant 3125 : i32
    %mul3A_361 = arith.muli %arg1, %mul3A_360 : i32
    %add3A_362 = arith.constant 2875 : i32
    %add3A_363 = arith.addi %mul3A_361, %add3A_362 : i32
    "tpu.region"() ({
      %run_scoped3A = tpu.sem_alloc : memref<!tpu.dma_semaphore, #tpu.memory_space<semaphore_mem>>
      %dma_start3A = arith.constant 0 : i32
      %dma_start3A_382 = tpu.memref_slice %arg13[%add3A_363, %dma_start3A] : memref<50000x32xf32, #tpu.memory_space<vmem_shared>> -> memref<125x32xf32, #tpu.memory_space<vmem_shared>>
      %dma_start3A_383 = arith.constant 0 : i32
      %dma_start3A_384 = tpu.memref_slice %arg13[%add3A_363, %dma_start3A_383] : memref<50000x32xf32, #tpu.memory_space<vmem_shared>> -> memref<125x32xf32, #tpu.memory_space<vmem_shared>>
      tpu.enqueue_dma source(%dma_start3A_384 : memref<125x32xf32, #tpu.memory_space<vmem_shared>>) target(%arg12 : memref<125x32xf32, #tpu.memory_space<vmem>>) target_semaphore(%run_scoped3A : memref<!tpu.dma_semaphore, #tpu.memory_space<semaphore_mem>>)
      %dma_wait3A = arith.constant 0 : i32
      %dma_wait3A_385 = tpu.memref_slice %arg13[%add3A_363, %dma_wait3A] : memref<50000x32xf32, #tpu.memory_space<vmem_shared>> -> memref<125x32xf32, #tpu.memory_space<vmem_shared>>
      %dma_wait3A_386 = arith.constant 0 : i32
      %dma_wait3A_387 = tpu.memref_slice %arg13[%add3A_363, %dma_wait3A_386] : memref<50000x32xf32, #tpu.memory_space<vmem_shared>> -> memref<125x32xf32, #tpu.memory_space<vmem_shared>>
      tpu.wait_dma2 semaphore(%run_scoped3A : memref<!tpu.dma_semaphore, #tpu.memory_space<semaphore_mem>>) src(%dma_wait3A_387 : memref<125x32xf32, #tpu.memory_space<vmem_shared>>) dst(%arg12 : memref<125x32xf32, #tpu.memory_space<vmem>>)
      tpu.yield
    }) : () -> ()
    %mul3A_364 = arith.constant 50000 : i32
    %mul3A_365 = arith.muli %arg0, %mul3A_364 : i32
    %mul3A_366 = arith.constant 3125 : i32
    %mul3A_367 = arith.muli %arg1, %mul3A_366 : i32
    %add3A_368 = arith.addi %mul3A_365, %mul3A_367 : i32
    %add3A_369 = arith.constant 2875 : i32
    %add3A_370 = arith.addi %add3A_368, %add3A_369 : i32
    "tpu.region"() ({
      %run_scoped3A = tpu.sem_alloc : memref<!tpu.dma_semaphore, #tpu.memory_space<semaphore_mem>>
      %dma_start3A = arith.constant 0 : i32
      %dma_start3A_382 = tpu.memref_slice %arg5[%add3A_370, %dma_start3A] : memref<100000x32xf32, #tpu.memory_space<hbm>> -> memref<125x32xf32, #tpu.memory_space<hbm>>
      %dma_start3A_383 = arith.constant 0 : i32
      %dma_start3A_384 = tpu.memref_slice %arg5[%add3A_370, %dma_start3A_383] : memref<100000x32xf32, #tpu.memory_space<hbm>> -> memref<125x32xf32, #tpu.memory_space<hbm>>
      tpu.enqueue_dma source(%arg12 : memref<125x32xf32, #tpu.memory_space<vmem>>) target(%dma_start3A_384 : memref<125x32xf32, #tpu.memory_space<hbm>>) target_semaphore(%run_scoped3A : memref<!tpu.dma_semaphore, #tpu.memory_space<semaphore_mem>>)
      %dma_wait3A = arith.constant 0 : i32
      %dma_wait3A_385 = tpu.memref_slice %arg5[%add3A_370, %dma_wait3A] : memref<100000x32xf32, #tpu.memory_space<hbm>> -> memref<125x32xf32, #tpu.memory_space<hbm>>
      %dma_wait3A_386 = arith.constant 0 : i32
      %dma_wait3A_387 = tpu.memref_slice %arg5[%add3A_370, %dma_wait3A_386] : memref<100000x32xf32, #tpu.memory_space<hbm>> -> memref<125x32xf32, #tpu.memory_space<hbm>>
      tpu.wait_dma2 semaphore(%run_scoped3A : memref<!tpu.dma_semaphore, #tpu.memory_space<semaphore_mem>>) src(%arg12 : memref<125x32xf32, #tpu.memory_space<vmem>>) dst(%dma_wait3A_387 : memref<125x32xf32, #tpu.memory_space<hbm>>)
      tpu.yield
    }) : () -> ()
    %mul3A_371 = arith.constant 3125 : i32
    %mul3A_372 = arith.muli %arg1, %mul3A_371 : i32
    %add3A_373 = arith.constant 3000 : i32
    %add3A_374 = arith.addi %mul3A_372, %add3A_373 : i32
    "tpu.region"() ({
      %run_scoped3A = tpu.sem_alloc : memref<!tpu.dma_semaphore, #tpu.memory_space<semaphore_mem>>
      %dma_start3A = arith.constant 0 : i32
      %dma_start3A_382 = tpu.memref_slice %arg13[%add3A_374, %dma_start3A] : memref<50000x32xf32, #tpu.memory_space<vmem_shared>> -> memref<125x32xf32, #tpu.memory_space<vmem_shared>>
      %dma_start3A_383 = arith.constant 0 : i32
      %dma_start3A_384 = tpu.memref_slice %arg13[%add3A_374, %dma_start3A_383] : memref<50000x32xf32, #tpu.memory_space<vmem_shared>> -> memref<125x32xf32, #tpu.memory_space<vmem_shared>>
      tpu.enqueue_dma source(%dma_start3A_384 : memref<125x32xf32, #tpu.memory_space<vmem_shared>>) target(%arg12 : memref<125x32xf32, #tpu.memory_space<vmem>>) target_semaphore(%run_scoped3A : memref<!tpu.dma_semaphore, #tpu.memory_space<semaphore_mem>>)
      %dma_wait3A = arith.constant 0 : i32
      %dma_wait3A_385 = tpu.memref_slice %arg13[%add3A_374, %dma_wait3A] : memref<50000x32xf32, #tpu.memory_space<vmem_shared>> -> memref<125x32xf32, #tpu.memory_space<vmem_shared>>
      %dma_wait3A_386 = arith.constant 0 : i32
      %dma_wait3A_387 = tpu.memref_slice %arg13[%add3A_374, %dma_wait3A_386] : memref<50000x32xf32, #tpu.memory_space<vmem_shared>> -> memref<125x32xf32, #tpu.memory_space<vmem_shared>>
      tpu.wait_dma2 semaphore(%run_scoped3A : memref<!tpu.dma_semaphore, #tpu.memory_space<semaphore_mem>>) src(%dma_wait3A_387 : memref<125x32xf32, #tpu.memory_space<vmem_shared>>) dst(%arg12 : memref<125x32xf32, #tpu.memory_space<vmem>>)
      tpu.yield
    }) : () -> ()
    %mul3A_375 = arith.constant 50000 : i32
    %mul3A_376 = arith.muli %arg0, %mul3A_375 : i32
    %mul3A_377 = arith.constant 3125 : i32
    %mul3A_378 = arith.muli %arg1, %mul3A_377 : i32
    %add3A_379 = arith.addi %mul3A_376, %mul3A_378 : i32
    %add3A_380 = arith.constant 3000 : i32
    %add3A_381 = arith.addi %add3A_379, %add3A_380 : i32
    "tpu.region"() ({
      %run_scoped3A = tpu.sem_alloc : memref<!tpu.dma_semaphore, #tpu.memory_space<semaphore_mem>>
      %dma_start3A = arith.constant 0 : i32
      %dma_start3A_382 = tpu.memref_slice %arg5[%add3A_381, %dma_start3A] : memref<100000x32xf32, #tpu.memory_space<hbm>> -> memref<125x32xf32, #tpu.memory_space<hbm>>
      %dma_start3A_383 = arith.constant 0 : i32
      %dma_start3A_384 = tpu.memref_slice %arg5[%add3A_381, %dma_start3A_383] : memref<100000x32xf32, #tpu.memory_space<hbm>> -> memref<125x32xf32, #tpu.memory_space<hbm>>
      tpu.enqueue_dma source(%arg12 : memref<125x32xf32, #tpu.memory_space<vmem>>) target(%dma_start3A_384 : memref<125x32xf32, #tpu.memory_space<hbm>>) target_semaphore(%run_scoped3A : memref<!tpu.dma_semaphore, #tpu.memory_space<semaphore_mem>>)
      %dma_wait3A = arith.constant 0 : i32
      %dma_wait3A_385 = tpu.memref_slice %arg5[%add3A_381, %dma_wait3A] : memref<100000x32xf32, #tpu.memory_space<hbm>> -> memref<125x32xf32, #tpu.memory_space<hbm>>
      %dma_wait3A_386 = arith.constant 0 : i32
      %dma_wait3A_387 = tpu.memref_slice %arg5[%add3A_381, %dma_wait3A_386] : memref<100000x32xf32, #tpu.memory_space<hbm>> -> memref<125x32xf32, #tpu.memory_space<hbm>>
      tpu.wait_dma2 semaphore(%run_scoped3A : memref<!tpu.dma_semaphore, #tpu.memory_space<semaphore_mem>>) src(%arg12 : memref<125x32xf32, #tpu.memory_space<vmem>>) dst(%dma_wait3A_387 : memref<125x32xf32, #tpu.memory_space<hbm>>)
      tpu.yield
    }) : () -> ()
    return
  }
}

module attributes {stable_mosaic.version = 14 : i64} {
  func.func @_y_body(%arg0: i32, %arg1: i32, %arg2: memref<2000x1xf32, #tpu.memory_space<vmem>>, %arg3: memref<2000x1xf32, #tpu.memory_space<vmem>>, %arg4: memref<2000x64xf32, #tpu.memory_space<vmem>>, %arg5: memref<2000x32xf32, #tpu.memory_space<vmem>>) attributes {dimension_semantics = [#tpu.dimension_semantics<arbitrary>, #tpu.dimension_semantics<arbitrary>], iteration_bounds = array<i64: 2, 25>, scalar_prefetch = 0 : i64, scratch_operands = 0 : i64, tpu.core_type = #tpu.core_type<tc>, window_params = [{transform_indices = @transform_0, window_bounds = array<i64: 2000, 1>}, {transform_indices = @transform_1, window_bounds = array<i64: 2000, 1>}, {transform_indices = @transform_2, window_bounds = array<i64: 2000, 64>}, {transform_indices = @transform_3, window_bounds = array<i64: 2000, 32>}]} {
    %get3A = arith.constant 0 : index
    %get3A_0 = arith.constant 0 : index
    %get3A_1 = vector.load %arg2[%get3A, %get3A_0] : memref<2000x1xf32, #tpu.memory_space<vmem>>, vector<2000x1xf32>
    %get3A_2 = arith.constant 0 : index
    %get3A_3 = arith.constant 0 : index
    %get3A_4 = vector.load %arg3[%get3A_2, %get3A_3] : memref<2000x1xf32, #tpu.memory_space<vmem>>, vector<2000x1xf32>
    %add3A = arith.addf %get3A_1, %get3A_4 : vector<2000x1xf32>
    %add3A_5 = arith.constant 1.000000e+00 : f32
    %add3A_6 = vector.broadcast %add3A_5 : f32 to vector<2000x1xf32>
    %add3A_7 = arith.addf %add3A, %add3A_6 : vector<2000x1xf32>
    %rsqrt3A = math.rsqrt %add3A_7 : vector<2000x1xf32>
    %get3A_8 = arith.constant 0 : index
    %get3A_9 = arith.constant 0 : index
    %get3A_10 = vector.load %arg4[%get3A_8, %get3A_9] : memref<2000x64xf32, #tpu.memory_space<vmem>>, vector<2000x64xf32>
    %eq3A = arith.constant 0 : i32
    %eq3A_11 = arith.cmpi eq, %arg0, %eq3A : i32
    %slice3A = vector.extract_strided_slice %get3A_10 {offsets = [0, 0], sizes = [2000, 32], strides = [1, 1]} : vector<2000x64xf32> to vector<2000x32xf32>
    %slice3A_12 = vector.extract_strided_slice %get3A_10 {offsets = [0, 32], sizes = [2000, 32], strides = [1, 1]} : vector<2000x64xf32> to vector<2000x32xf32>
    %select_n3A = arith.select %eq3A_11, %slice3A, %slice3A_12 : vector<2000x32xf32>
    %mul3A = vector.broadcast %rsqrt3A : vector<2000x1xf32> to vector<2000x32xf32>
    %mul3A_13 = arith.mulf %select_n3A, %mul3A : vector<2000x32xf32>
    %swap3A = arith.constant 0 : index
    %swap3A_14 = arith.constant 0 : index
    %swap3A_15 = vector.load %arg5[%swap3A, %swap3A_14] : memref<2000x32xf32, #tpu.memory_space<vmem>>, vector<2000x32xf32>
    tpu.vector_store %arg5[%swap3A, %swap3A_14], %mul3A_13 {strides = array<i32>} : memref<2000x32xf32, #tpu.memory_space<vmem>>, vector<2000x32xf32>,
    return
  }
  func.func @transform_0(%arg0: i32, %arg1: i32) -> (i32, i32) {
    %c0_i32 = arith.constant 0 : i32
    %c0_i32_0 = arith.constant 0 : i32
    return %arg1, %c0_i32 : i32, i32
  }
  func.func @transform_1(%arg0: i32, %arg1: i32) -> (i32, i32) {
    %c0_i32 = arith.constant 0 : i32
    %c0_i32_0 = arith.constant 0 : i32
    return %arg1, %c0_i32 : i32, i32
  }
  func.func @transform_2(%arg0: i32, %arg1: i32) -> (i32, i32) {
    %c0_i32 = arith.constant 0 : i32
    %c0_i32_0 = arith.constant 0 : i32
    return %arg1, %c0_i32 : i32, i32
  }
  func.func @transform_3(%arg0: i32, %arg1: i32) -> (i32, i32) {
    %mul3A = arith.constant 25 : i32
    %mul3A_0 = arith.muli %arg0, %mul3A : i32
    %add3A = arith.addi %mul3A_0, %arg1 : i32
    %c0_i32 = arith.constant 0 : i32
    %c0_i32_1 = arith.constant 0 : i32
    return %add3A, %c0_i32 : i32, i32
  }
}

module attributes {stable_mosaic.version = 14 : i64} {
  func.func @_out_body(%arg0: i32, %arg1: memref<2000x1xf32, #tpu.memory_space<vmem>>, %arg2: memref<2000x1xf32, #tpu.memory_space<vmem>>, %arg3: memref<2000x64xf32, #tpu.memory_space<vmem>>, %arg4: memref<2000x32xf32, #tpu.memory_space<vmem>>, %arg5: memref<2000x32xf32, #tpu.memory_space<vmem>>, %arg6: memref<64x64xf32, #tpu.memory_space<vmem>>, %arg7: memref<64xf32, #tpu.memory_space<vmem>>, %arg8: memref<64xf32, #tpu.memory_space<vmem>>, %arg9: memref<64xf32, #tpu.memory_space<vmem>>, %arg10: memref<2000x64xf32, #tpu.memory_space<vmem>>) attributes {dimension_semantics = [#tpu.dimension_semantics<arbitrary>], iteration_bounds = array<i64: 25>, scalar_prefetch = 0 : i64, scratch_operands = 0 : i64, tpu.core_type = #tpu.core_type<tc>, window_params = [{transform_indices = @transform_0, window_bounds = array<i64: 2000, 1>}, {transform_indices = @transform_1, window_bounds = array<i64: 2000, 1>}, {transform_indices = @transform_2, window_bounds = array<i64: 2000, 64>}, {transform_indices = @transform_3, window_bounds = array<i64: 2000, 32>}, {transform_indices = @transform_4, window_bounds = array<i64: 2000, 32>}, {pipeline_mode = #tpu.pipeline_mode<synchronous>, transform_indices = @transform_5, window_bounds = array<i64: 64, 64>}, {pipeline_mode = #tpu.pipeline_mode<synchronous>, transform_indices = @transform_6, window_bounds = array<i64: 64>}, {pipeline_mode = #tpu.pipeline_mode<synchronous>, transform_indices = @transform_7, window_bounds = array<i64: 64>}, {pipeline_mode = #tpu.pipeline_mode<synchronous>, transform_indices = @transform_8, window_bounds = array<i64: 64>}, {transform_indices = @transform_9, window_bounds = array<i64: 2000, 64>}]} {
    %get3A = arith.constant 0 : index
    %get3A_0 = arith.constant 0 : index
    %get3A_1 = vector.load %arg1[%get3A, %get3A_0] : memref<2000x1xf32, #tpu.memory_space<vmem>>, vector<2000x1xf32>
    %get3A_2 = arith.constant 0 : index
    %get3A_3 = arith.constant 0 : index
    %get3A_4 = vector.load %arg2[%get3A_2, %get3A_3] : memref<2000x1xf32, #tpu.memory_space<vmem>>, vector<2000x1xf32>
    %add3A = arith.addf %get3A_1, %get3A_4 : vector<2000x1xf32>
    %add3A_5 = arith.constant 1.000000e+00 : f32
    %add3A_6 = vector.broadcast %add3A_5 : f32 to vector<2000x1xf32>
    %add3A_7 = arith.addf %add3A, %add3A_6 : vector<2000x1xf32>
    %rsqrt3A = math.rsqrt %add3A_7 : vector<2000x1xf32>
    %get3A_8 = arith.constant 0 : index
    %get3A_9 = arith.constant 0 : index
    %get3A_10 = vector.load %arg4[%get3A_8, %get3A_9] : memref<2000x32xf32, #tpu.memory_space<vmem>>, vector<2000x32xf32>
    %get3A_11 = arith.constant 0 : index
    %get3A_12 = arith.constant 0 : index
    %get3A_13 = vector.load %arg5[%get3A_11, %get3A_12] : memref<2000x32xf32, #tpu.memory_space<vmem>>, vector<2000x32xf32>
    %concatenate3A = tpu.concatenate %get3A_10, %get3A_13 in 1 : vector<2000x32xf32>, vector<2000x32xf32> -> vector<2000x64xf32>
    %get3A_14 = arith.constant 0 : index
    %get3A_15 = arith.constant 0 : index
    %get3A_16 = vector.load %arg3[%get3A_14, %get3A_15] : memref<2000x64xf32, #tpu.memory_space<vmem>>, vector<2000x64xf32>
    %mul3A = vector.broadcast %rsqrt3A : vector<2000x1xf32> to vector<2000x64xf32>
    %mul3A_17 = arith.mulf %get3A_16, %mul3A : vector<2000x64xf32>
    %add3A_18 = arith.addf %concatenate3A, %mul3A_17 : vector<2000x64xf32>
    %mul3A_19 = vector.broadcast %rsqrt3A : vector<2000x1xf32> to vector<2000x64xf32>
    %mul3A_20 = arith.mulf %add3A_18, %mul3A_19 : vector<2000x64xf32>
    %get3A_21 = arith.constant 0 : index
    %get3A_22 = arith.constant 0 : index
    %get3A_23 = vector.load %arg6[%get3A_21, %get3A_22] : memref<64x64xf32, #tpu.memory_space<vmem>>, vector<64x64xf32>
    %dot_general3A = arith.constant dense<0.000000e+00> : vector<2000x64xf32>
    %dot_general3A_24 = tpu.matmul %mul3A_20, %get3A_23, %dot_general3A {dimension_numbers = #tpu.dot_dimension_numbers<[1], [1], [0], [0], [0, 0, 1, 0], [], []>, transpose_lhs_hint = false} : vector<2000x64xf32>, vector<64x64xf32>, vector<2000x64xf32> -> vector<2000x64xf32>
    %get3A_25 = arith.constant 0 : index
    %get3A_26 = vector.load %arg7[%get3A_25] : memref<64xf32, #tpu.memory_space<vmem>>, vector<64xf32>
    %broadcast_in_dim3A = vector.shape_cast %get3A_26 : vector<64xf32> to vector<1x64xf32>
    %add3A_27 = vector.broadcast %broadcast_in_dim3A : vector<1x64xf32> to vector<2000x64xf32>
    %add3A_28 = arith.addf %dot_general3A_24, %add3A_27 : vector<2000x64xf32>
    %reduce_sum3A = arith.constant dense<0.000000e+00> : vector<2000xf32>
    %reduce_sum3A_29 = vector.multi_reduction <add>, %add3A_28, %reduce_sum3A [1] : vector<2000x64xf32> to vector<2000xf32>
    %broadcast_in_dim3A_30 = vector.shape_cast %reduce_sum3A_29 : vector<2000xf32> to vector<2000x1xf32>
    %div3A = arith.constant 6.400000e+01 : f32
    %div3A_31 = vector.broadcast %div3A : f32 to vector<2000x1xf32>
    %div3A_32 = arith.divf %broadcast_in_dim3A_30, %div3A_31 : vector<2000x1xf32>
    %sub3A = vector.broadcast %div3A_32 : vector<2000x1xf32> to vector<2000x64xf32>
    %sub3A_33 = arith.subf %add3A_28, %sub3A : vector<2000x64xf32>
    %integer_pow3A = arith.mulf %sub3A_33, %sub3A_33 : vector<2000x64xf32>
    %reduce_sum3A_34 = arith.constant dense<0.000000e+00> : vector<2000xf32>
    %reduce_sum3A_35 = vector.multi_reduction <add>, %integer_pow3A, %reduce_sum3A_34 [1] : vector<2000x64xf32> to vector<2000xf32>
    %broadcast_in_dim3A_36 = vector.shape_cast %reduce_sum3A_35 : vector<2000xf32> to vector<2000x1xf32>
    %div3A_37 = arith.constant 6.400000e+01 : f32
    %div3A_38 = vector.broadcast %div3A_37 : f32 to vector<2000x1xf32>
    %div3A_39 = arith.divf %broadcast_in_dim3A_36, %div3A_38 : vector<2000x1xf32>
    %sub3A_40 = vector.broadcast %div3A_32 : vector<2000x1xf32> to vector<2000x64xf32>
    %sub3A_41 = arith.subf %add3A_28, %sub3A_40 : vector<2000x64xf32>
    %add3A_42 = arith.constant 9.99999974E-6 : f32
    %add3A_43 = vector.broadcast %add3A_42 : f32 to vector<2000x1xf32>
    %add3A_44 = arith.addf %div3A_39, %add3A_43 : vector<2000x1xf32>
    %rsqrt3A_45 = math.rsqrt %add3A_44 : vector<2000x1xf32>
    %mul3A_46 = vector.broadcast %rsqrt3A_45 : vector<2000x1xf32> to vector<2000x64xf32>
    %mul3A_47 = arith.mulf %sub3A_41, %mul3A_46 : vector<2000x64xf32>
    %get3A_48 = arith.constant 0 : index
    %get3A_49 = vector.load %arg8[%get3A_48] : memref<64xf32, #tpu.memory_space<vmem>>, vector<64xf32>
    %broadcast_in_dim3A_50 = vector.shape_cast %get3A_49 : vector<64xf32> to vector<1x64xf32>
    %mul3A_51 = vector.broadcast %broadcast_in_dim3A_50 : vector<1x64xf32> to vector<2000x64xf32>
    %mul3A_52 = arith.mulf %mul3A_47, %mul3A_51 : vector<2000x64xf32>
    %get3A_53 = arith.constant 0 : index
    %get3A_54 = vector.load %arg9[%get3A_53] : memref<64xf32, #tpu.memory_space<vmem>>, vector<64xf32>
    %broadcast_in_dim3A_55 = vector.shape_cast %get3A_54 : vector<64xf32> to vector<1x64xf32>
    %add3A_56 = vector.broadcast %broadcast_in_dim3A_55 : vector<1x64xf32> to vector<2000x64xf32>
    %add3A_57 = arith.addf %mul3A_52, %add3A_56 : vector<2000x64xf32>
    %swap3A = arith.constant 0 : index
    %swap3A_58 = arith.constant 0 : index
    %swap3A_59 = vector.load %arg10[%swap3A, %swap3A_58] : memref<2000x64xf32, #tpu.memory_space<vmem>>, vector<2000x64xf32>
    tpu.vector_store %arg10[%swap3A, %swap3A_58], %add3A_57 {strides = array<i32>} : memref<2000x64xf32, #tpu.memory_space<vmem>>, vector<2000x64xf32>,
    return
  }
  func.func @transform_0(%arg0: i32) -> (i32, i32) {
    %c0_i32 = arith.constant 0 : i32
    %c0_i32_0 = arith.constant 0 : i32
    return %arg0, %c0_i32 : i32, i32
  }
  func.func @transform_1(%arg0: i32) -> (i32, i32) {
    %c0_i32 = arith.constant 0 : i32
    %c0_i32_0 = arith.constant 0 : i32
    return %arg0, %c0_i32 : i32, i32
  }
  func.func @transform_2(%arg0: i32) -> (i32, i32) {
    %c0_i32 = arith.constant 0 : i32
    %c0_i32_0 = arith.constant 0 : i32
    return %arg0, %c0_i32 : i32, i32
  }
  func.func @transform_3(%arg0: i32) -> (i32, i32) {
    %c0_i32 = arith.constant 0 : i32
    %c0_i32_0 = arith.constant 0 : i32
    return %arg0, %c0_i32 : i32, i32
  }
  func.func @transform_4(%arg0: i32) -> (i32, i32) {
    %add3A = arith.constant 25 : i32
    %add3A_0 = arith.addi %add3A, %arg0 : i32
    %c0_i32 = arith.constant 0 : i32
    %c0_i32_1 = arith.constant 0 : i32
    return %add3A_0, %c0_i32 : i32, i32
  }
  func.func @transform_5(%arg0: i32) -> (i32, i32) {
    %c0_i32 = arith.constant 0 : i32
    %c0_i32_0 = arith.constant 0 : i32
    %c0_i32_1 = arith.constant 0 : i32
    return %c0_i32, %c0_i32_0 : i32, i32
  }
  func.func @transform_6(%arg0: i32) -> i32 {
    %c0_i32 = arith.constant 0 : i32
    %c0_i32_0 = arith.constant 0 : i32
    return %c0_i32 : i32
  }
  func.func @transform_7(%arg0: i32) -> i32 {
    %c0_i32 = arith.constant 0 : i32
    %c0_i32_0 = arith.constant 0 : i32
    return %c0_i32 : i32
  }
  func.func @transform_8(%arg0: i32) -> i32 {
    %c0_i32 = arith.constant 0 : i32
    %c0_i32_0 = arith.constant 0 : i32
    return %c0_i32 : i32
  }
  func.func @transform_9(%arg0: i32) -> (i32, i32) {
    %c0_i32 = arith.constant 0 : i32
    %c0_i32_0 = arith.constant 0 : i32
    return %arg0, %c0_i32 : i32, i32
  }
}

</mosaic_0001>

<sc_bundles>
// kernel: kernel.6.cloned.1.call-start
scs
__scs_entry_jumppad:
0x0: {  	(pc) =	sbr.rel $0x88, $3  }
0x1: {  	(tag) =	ssettag $0x0;
	lr =	simm.s32 $0x1  }
0x2: {  	[smem:$0x3F9B] =	sst lr;
	_ =	strace $0xD0000000  }
0x3: {  	_ = 	snop  }
0x4: {  	_ = 	snop  }
0x5: {  	_ = 	snop  }
0x6: {  	_ = 	snop  }
0x7: {  	_ = 	snop  }
__scs_overlays_trampoline_lowered:
0x8: {  	[smem:$0x3FAA] =	sst s0  }
0x9: {  	[smem:$0x3FAB] =	sst s1  }
0xa: {  	[smem:$0x3FAC] =	sst s2  }
0xb: {  	[smem:$0x3FAD] =	sst s3  }
0xc: {  	[smem:$0x3FAE] =	sst s4  }
0xd: {  	[smem:$0x3FAF] =	sst s5  }
0xe: {  	[smem:$0x3FB0] =	sst s6  }
0xf: {  	[smem:$0x3FB1] =	sst s7  }
0x10: {  	[smem:$0x3FB2] =	sst s8  }
0x11: {  	[smem:$0x3FB3] =	sst s9;
	s0 =	simm.s32 @!p0 $0x0  }
0x12: {  	s1 =	sld [smem:$0x3F99];
	s0 =	simm.s32 @p0 $0x1  }
0x13: {  	[smem:$0x3FB4] =	sst s0;
	s0 =	simm.s32 @!p1 $0x0  }
0x14: {  	s2 =	sld [smem:$0x3F98];
	s0 =	simm.s32 @p1 $0x1  }
0x15: {  	[smem:$0x3FB5] =	sst s0;
	s0 =	simm.s32 @!p2 $0x0  }
0x16: {  	s3 =	sld [smem:$0x3FDB];
	s0 =	simm.s32 @p2 $0x1  }
0x17: {  	s4 =	simm.s32 $0x1BF5;
	[smem:$0x3FB7] =	sst s0  }
0x18: {  	s0 =	sld [smem:$0x3F9A];
	_ =	swait.ge [sflag:s4], $0x0  }
0x19: {  	s7 =	sld [smem:$0x3F9B]  }
0x1a: {  	s8 =	sadd.s32 $0xFFFFE003, lr  }
0x1b: {  	s9 =	sadd.s32 $0xFFFFFEF7, lr;
	s5 =	simm.s32 $0xFFFFFFFF;
	p2 =	slt.u32 s8, $0xFFFFF086  }
0x1c: {  	p1 =	slt.u32 s9, $0xF7A;
	s5 =	simm.s32 @!p2 $0x0  }
0x1d: {  	s5 =	simm.s32 @p1 $0x1;
	p0 =	seq.s32 s7, s2  }
0x1e: {  	s7 =	smul.u32 @!p0 $0xF7A, s2;
	p2 =	seq.s32 @!p0 s5, $0x0  }
0x1f: {  	s9 =	smul.u32 $0xF7A, s1;
	s8 =	simm.s32 @!p0 $0x1BF5;
	p2 =	por !p2, p0  }
0x20: {  	[sflag:s8] =	ssyncset.s32 @!p0 $0xFFFFF086;
	s6 =	sadd.s32 @!p0 s3, s7;
	s7 =	simm.s32 @!p0 $0x108  }
0x21: {  	s3 =	sadd.s32 s3, s9;
	s6 =	sadd.s32 @!p0 $0x88, s6;
	s7 =	simm.s32 @p2 $0x1082  }
0x22: {  	[simem:s7], [sflag:s8] =	dma.local @!p0 [hbm:s6], $0xF7A  }
0x23: {  	s9 =	sor.u32 $0xD0000000, s2;
	s6 =	simm.s32 $0x108;
	_ =	swait.ge @!p0 [sflag:s8], $0x0  }
0x24: {  	s3 =	sadd.s32 $0x88, s3;
	s6 =	simm.s32 @!p1 $0x1082;
	[sflag:s4] =	ssyncset.s32 $0xFFFFF086  }
0x25: {  	[simem:s6], [sflag:s4] =	dma.local [hbm:s3], $0xF7A  }
0x26: {  	[smem:$0x3F9B] =	sst s1;
	(tag) =	ssettag s2;
	_ =	strace s9  }
0x27: {  	s1 =	sld [smem:$0x3FAB]  }
0x28: {  	s2 =	sld [smem:$0x3FAC]  }
0x29: {  	s4 =	sld [smem:$0x3FAE]  }
0x2a: {  	p0 =	seq.s32 s5, $0x0;
	s5 =	sld [smem:$0x3FAF]  }
0x2b: {  	s6 =	sld [smem:$0x3FB0]  }
0x2c: {  	s7 =	sld [smem:$0x3FB1]  }
0x2d: {  	s3 =	simm.s32 $0x108;
	s8 =	sld [smem:$0x3FB2]  }
0x2e: {  	s3 =	simm.s32 @!p0 $0x1082;
	s9 =	sld [smem:$0x3FB3]  }
0x2f: {  	lr =	sadd.s32 s0, s3;
	s0 =	sld [smem:$0x3FAA]  }
0x30: {  	s3 =	sld [smem:$0x3FAD]  }
0x31: {  	[smem:$0x3FB6] =	sst s10  }
0x32: {  	s10 =	sld [smem:$0x3FB4];
	_ =	sdelay $0x3  }
0x33: {  	p0 =	seq.s32 s10, $0x1;
	s10 =	sld [smem:$0x3FB6];
	_ =	sdelay $0x3  }
0x34: {  	[smem:$0x3FB6] =	sst s10  }
0x35: {  	s10 =	sld [smem:$0x3FB5];
	_ =	sdelay $0x3  }
0x36: {  	p1 =	seq.s32 s10, $0x1;
	s10 =	sld [smem:$0x3FB6];
	_ =	sdelay $0x3  }
0x37: {  	[smem:$0x3FB6] =	sst s10  }
0x38: {  	s10 =	sld [smem:$0x3FB7]  }
0x39: {  	_ = 	snop;
	(pc) =	sbr.ind lr, $3  }
0x3a: {  	_ = 	snop  }
0x3b: {  	_ = 	snop  }
0x3c: {  	p2 =	seq.s32 s10, $0x1;
	s10 =	sld [smem:$0x3FB6]  }
0x3d: {  	_ =	shalt  }
0x3e: {  	_ =	shalt  }
0x3f: {  	_ =	shalt  }
0x40: {  	_ =	shalt  }
0x41: {  	_ =	shalt  }
0x42: {  	_ =	shalt  }
0x43: {  	_ =	shalt  }
0x44: {  	_ =	shalt  }
0x45: {  	_ =	shalt  }
0x46: {  	_ =	shalt  }
0x47: {  	_ =	shalt  }
0x48: {  	_ =	shalt  }
0x49: {  	_ =	shalt  }
0x4a: {  	_ =	shalt  }
0x4b: {  	_ =	shalt  }
0x4c: {  	_ =	shalt  }
0x4d: {  	_ =	shalt  }
0x4e: {  	_ =	shalt  }
0x4f: {  	_ =	shalt  }
0x50: {  	_ =	shalt  }
0x51: {  	_ =	shalt  }
0x52: {  	_ =	shalt  }
0x53: {  	_ =	shalt  }
0x54: {  	_ =	shalt  }
0x55: {  	_ =	shalt  }
0x56: {  	_ =	shalt  }
0x57: {  	_ =	shalt  }
0x58: {  	_ =	shalt  }
0x59: {  	_ =	shalt  }
0x5a: {  	_ =	shalt  }
0x5b: {  	_ =	shalt  }
0x5c: {  	_ =	shalt  }
0x5d: {  	_ =	shalt  }
0x5e: {  	_ =	shalt  }
0x5f: {  	_ =	shalt  }
0x60: {  	_ =	shalt  }
0x61: {  	_ =	shalt  }
0x62: {  	_ =	shalt  }
0x63: {  	_ =	shalt  }
0x64: {  	_ =	shalt  }
0x65: {  	_ =	shalt  }
0x66: {  	_ =	shalt  }
0x67: {  	_ =	shalt  }
0x68: {  	_ =	shalt  }
0x69: {  	_ =	shalt  }
0x6a: {  	_ =	shalt  }
0x6b: {  	_ =	shalt  }
0x6c: {  	_ =	shalt  }
0x6d: {  	_ =	shalt  }
0x6e: {  	_ =	shalt  }
0x6f: {  	_ =	shalt  }
0x70: {  	_ =	shalt  }
0x71: {  	_ =	shalt  }
0x72: {  	_ =	shalt  }
0x73: {  	_ =	shalt  }
0x74: {  	_ =	shalt  }
0x75: {  	_ =	shalt  }
0x76: {  	_ =	shalt  }
0x77: {  	_ =	shalt  }
0x78: {  	_ =	shalt  }
0x79: {  	_ =	shalt  }
0x7a: {  	_ =	shalt  }
0x7b: {  	_ =	shalt  }
0x7c: {  	_ =	shalt  }
0x7d: {  	_ =	shalt  }
0x7e: {  	_ =	shalt  }
0x7f: {  	_ =	shalt  }
0x80: {  	_ =	shalt  }
0x81: {  	_ =	shalt  }
0x82: {  	_ =	shalt  }
0x83: {  	_ =	shalt  }
0x84: {  	_ =	shalt  }
0x85: {  	_ =	shalt  }
0x86: {  	_ =	shalt  }
0x87: {  	_ =	shalt  }
.Lfunc_end0:
.L_simem_size_0:
called_computation_lowered:
.L_overlay_start_0:
0x88: {  	s2 =	sld [smem:$0x3FD9]  }
0x89: {  	s3 =	sld [smem:$0x3FFE];
	_ =	sdelay $0x1  }
0x8a: {  	s1 =	srdreg.scid  }
0x8b: {  	s0 =	sand.u32 $0x1, s1  }
0x8c: {  	s17 =	sshll.u32 s0, $0xA;
	s2 =	sadd.s32 s3, s2  }
0x8d: {  	s2 =	sadd.s32 s2, s17  }
0x8e: {  	[smem:$0x3FC2] =	sst s2  }
0x8f: {  	_ = 	snop  }
0x90: {  	s2 =	sld [smem:$0x3FD0];
	(tm) =	ssettm $0x1  }
0x91: {  	s18 =	sld [smem:$0x3FFB];
	_ =	sdelay $0x3  }
0x92: {  	_ =	strace s18  }
0x93: {  	s3 =	sld [smem:$0x3FFC];
	_ =	sdelay $0x3  }
0x94: {  	_ =	strace s3  }
0x95: {  	s3 =	sld [smem:$0x3FFD];
	_ =	sdelay $0x3  }
0x96: {  	_ =	strace s3  }
0x97: {  	_ =	strace $0x8FFFFFFF  }
0x98: {  	s19 =	sld [smem:$0x3FDB];
	_ =	sdelay $0x1  }
0x99: {  	s4 =	simm.s32 $_scs_section_size  }
0x9a: {  	s5 =	simm.s32 $_size__tile_overlayer_lowered;
	s6 =	simm.s32 $_tile_overlayer_lowered  }
0x9b: {  	s22 =	simm.s32 $0x1BFF;
	s21 =	sshll.u32 s6, $0x1;
	s3 =	sadd.s32 s4, s19  }
0x9c: {  	s7 =	simm.s32 $0x0;
	s20 =	sshll.u32 s5, $0x1;
	s5 =	sadd.s32 s21, s3  }
0x9d: {  	[timem:s7], [sflag:s22] =	dma.local [hbm:s5], s20  }
0x9e: {  	_ =	swait.ge [sflag:s22], s20  }
0x9f: {  	s4 =	ssub.s32 $0x0, s20;
	[sflag:s22] =	ssyncset.done $0x0  }
0xa0: {  	[sflag:s22] =	ssyncadd.s32 s4;
	_ =	sdelay $0x1  }
0xa1: {  	s23 =	simm.s32 $0x1B8B  }
0xa2: {  	_ =	swait.ge [sflag:s23], $0x1  }
0xa3: {  	[sflag:s23] =	ssyncset.done $0x0  }
0xa4: {  	s25 =	simm.s32 $0x1B8E;
	s24 =	sld [smem:$0x3FFE];
	[sflag:s23] =	ssyncadd.s32 $0xFFFFFFFF  }
0xa5: {  	s26 =	simm.s32 $execute0_lowered;
	[smem:$0x3FD2] =	sst s25  }
0xa6: {  	s5 =	sshll.u32 s26, $0x1;
	_ =	strace $0x80000046;
	[dreg:$0x1] =	wrdreg $0xFFFFFFFF  }
0xa7: {  	s28 =	simm.s32 $_size_execute0_lowered;
	s3 =	sadd.s32 s3, s5;
	[dreg:$0x0] =	wrdreg $0x0  }
0xa8: {  	s5 =	sshll.u32 s28, $0x1;
	[dreg:$0x2] =	wrdreg s3  }
0xa9: {  	[dreg:$0x3] =	wrdreg s5  }
0xaa: {  	[dreg:$0x4] =	wrdreg $0xC0  }
0xab: {  	_ =	task [dreg:s7], $0x5FFFF  }
0xac: {  	[dreg:$0x1] =	wrdreg $0xFFFFFFFF  }
0xad: {  	[dreg:$0x0] =	wrdreg $0x60  }
0xae: {  	[dreg:$0x2] =	wrdreg s24  }
0xaf: {  	[dreg:$0x3] =	wrdreg s2  }
0xb0: {  	[dreg:$0x4] =	wrdreg $0xEB80  }
0xb1: {  	[dreg:$0x5] =	wrdreg $0x9  }
0xb2: {  	_ =	task.clear_ibuf [dreg:s7], $0x6FFFF;
	_ =	strace $0x90000046  }
0xb3: {  	s29 =	simm.s32 $0x9;
	_ =	strace $0x80000048  }
0xb4: {  	_ =	swait.ge [sflag:s29], $0x1  }
0xb5: {  	[sflag:s29] =	ssyncadd.s32 $0xFFFFFFFF  }
0xb6: {  	_ =	strace $0x90000048  }
0xb7: {  	_ =	sfence  }
0xb8: {  	s30 =	sld [smem:$0x0];
	_ =	sdelay $0x2  }
0xb9: {  	s31 =	sshll.u32 s1, $0xD;
	s1 =	sshrl.u32 s1, $0x2  }
0xba: {  	s3 =	sand.u32 $0x4000, s31;
	s1 =	sadd.s32 s1, s30  }
0xbb: {  	s0 =	sor.u32 s3, s0;
	s1 =	sshll.u32 s1, $0x11  }
0xbc: {  	s0 =	sor.u32 s1, s0  }
0xbd: {  	s0 =	sadd.s32 $0x8F2B, s0  }
0xbe: {  	[sflag:s0] =	ssyncadd.remote.s32 $0x1  }
0xbf: {  	_ =	sfence.sel $0xFFFF  }
0xc0: {  	[dreg:$0x0] =	wrdreg $0xFFFFFFFF;
	(pc) =	sbr.abs _section_cstart, $3  }
0xc1: {  	[dreg:$0x1] =	wrdreg $0xFFFFFFFF  }
0xc2: {  	_ =	task.clear_ibuf [dreg:s7], $0x2FFFF;
	_ =	strace $0x9FFFFFFF  }
0xc3: {  	(tm) =	ssettm $0x7FFFFFFF  }
tec
execute0_lowered:
.L_overlay_start_1:
0x0: {  	(tag) =	ssettag $0x1  }
0x1: {  	s5 =	rddreg [dreg:$0x0]  }
0x2: {  	s7 =	rddreg [dreg:$0x1]  }
0x3: {  	s2 =	rddreg [dreg:$0x2]  }
0x4: {  	s0 =	srdreg.scid;
	s1 =	rddreg [dreg:$0x3]  }
0x5: {  	s3 =	simm.s32 $0x0;
	s12 =	simm.s32 $0x280;
	s6 =	sand.u32 $0x1, s0  }
0x6: {  	s13 =	simm.s32 $0x7D;
	s0 =	stileid.u32;
	s4 =	smul.u32 $0x64000, s6  }
0x7: {  	s14 =	simm.s32 $0x80;
	s15 =	simm.s32 $0x100;
	s8 =	smul.u32 $0x6400, s0  }
0x8: {  	s16 =	simm.s32 $0x180;
	s17 =	simm.s32 $0x1;
	s30 =	smul.u32 $0xC38, s0  }
0x9: {  	[smem:$0x7FF] =	sst s3;
	s9 =	smul.u32 $0xC380, s6;
	s6 =	ssub.s32 $0x2, s6  }
0xa: {  	s18 =	simm.s32 $0x0;
	_ =	strace $0x80000047;
	s11 =	sshrl.u32 s6, $0x1  }
0xb: {  	s4 =	sadd.s32 s8, s4;
	s9 =	sadd.s32 s30, s9;
	s11 =	ssub.s32 s6, s11  }
0xc: {  	s6 =	sadd.s32 s30, s2;
	s4 =	sadd.s32 $0xC8000, s4;
	s31 =	sshrl.u32 s9, $0x3  }
0xd: {  	s8 =	smax.u32 s11, $0x1;
	s11 =	simm.s32 $0x2;
	s4 =	sshrl.u32 s4, $0x3  }
0xe: {  	s7 =	sadd.s32 s7, s31;
	s10 =	sadd.s32 s4, s5;
	s4 =	sadd.s32 $0x34200, s5  }
0xf: {  	s5 =	sadd.s32 $0x34400, s5;
	s9 =	sadd.s32 $0x2200, s10;
	s10 =	simm.s32 $0x200  }
.LBB2_1:
0x10: {  	[tilespmem:s10], [sflag:$0x2] =	stream.linear.gather [hbm4b:s4+s3], $0x80, $0x38;
	[tilespmem:$0x1AF0] =	vst v63  }
0x11: {  	_ =	swait.ge [sflag:s11], $0x80  }
0x12: {  	[sflag:s11] =	ssyncset.done $0x0  }
0x13: {  	[sflag:s11] =	ssyncadd.s32 $0xFFFFFF80  }
0x14: {  	[tilespmem:s12], [sflag:$0x2] =	stream.linear.gather [hbm4b:s5+s3], $0xC38, $0x38;
	[tilespmem:$0x1AF0] =	vst v63  }
0x15: {  	_ =	swait.ge [sflag:s11], $0xC38  }
0x16: {  	[sflag:s11] =	ssyncset.done $0x0  }
0x17: {  	[sflag:s11] =	ssyncadd.s32 $0xFFFFF3C8  }
0x18: {  	[spmem:s6] =	stream.linear.scatter [tilespmem:s12], [sflag:$0x2], $0xC38, $0x38;
	[tilespmem:$0x1AF0] =	vst v63  }
0x19: {  	_ =	swait.ge [sflag:s11], $0xC38  }
0x1a: {  	[sflag:s11] =	ssyncset.done $0x0  }
0x1b: {  	[sflag:s11] =	ssyncadd.s32 $0xFFFFF3C8  }
0x1c: {  	s19 =	sadd.s32 $0x0, s9;
	[bflag:$0x0] =	sbarrier.arrive $0xFFFF  }
0x1d: {  	[tilespmem:s3], [sflag:$0x2] =	stream.linear.gather [hbm4b:s19+s3], $0x200, $0x38;
	[tilespmem:$0x1AF0] =	vst v63  }
0x1e: {  	_ =	swait.ge [sflag:s11], $0x200  }
0x1f: {  	[sflag:s11] =	ssyncset.done $0x0  }
0x20: {  	[sflag:s11] =	ssyncadd.s32 $0xFFFFFE00  }
0x21: {  	[spmem:s2] =	stream.indirect.scatter.add.f32 [tilespmem:s10], [sflag:$0x1], $0x1, s3, s13, $0xb8;
	[tilespmem:$0x1AF0] =	vst v63  }
0x22: {  	_ = 	snop  }
0x23: {  	[spmem:s2] =	stream.indirect.scatter.add.f32 [tilespmem:s10], [sflag:$0x1], $0x1, s14, s13, $0xb8;
	[tilespmem:$0x1AF0] =	vst v63  }
0x24: {  	_ = 	snop  }
0x25: {  	[spmem:s2] =	stream.indirect.scatter.add.f32 [tilespmem:s10], [sflag:$0x1], $0x1, s15, s13, $0xb8;
	[tilespmem:$0x1AF0] =	vst v63  }
0x26: {  	_ = 	snop  }
0x27: {  	[spmem:s2] =	stream.indirect.scatter.add.f32 [tilespmem:s10], [sflag:$0x1], $0x1, s16, s13, $0xb8;
	[tilespmem:$0x1AF0] =	vst v63  }
0x28: {  	_ =	swait.ge [sflag:s17], $0x7D  }
0x29: {  	[sflag:s17] =	ssyncset.done $0x0  }
0x2a: {  	[sflag:s17] =	ssyncadd.s32 $0xFFFFFF83  }
0x2b: {  	_ =	swait.ge [sflag:s17], $0x7D  }
0x2c: {  	[sflag:s17] =	ssyncset.done $0x0  }
0x2d: {  	[sflag:s17] =	ssyncadd.s32 $0xFFFFFF83  }
0x2e: {  	_ =	swait.ge [sflag:s17], $0x7D  }
0x2f: {  	[sflag:s17] =	ssyncset.done $0x0  }
0x30: {  	[sflag:s17] =	ssyncadd.s32 $0xFFFFFF83  }
0x31: {  	_ =	swait.ge [sflag:s17], $0x7D  }
0x32: {  	s20 =	simm.s32 $0x80;
	s19 =	simm.s32 $0x40;
	[sflag:s17] =	ssyncset.done $0x0  }
.LBB2_2:
0x33: {  	s21 =	sadd.s32 s19, s9  }
0x34: {  	[sflag:s17] =	ssyncadd.s32 $0xFFFFFF83;
	s19 =	smov.u32 s20;
	s22 =	sadd.s32 $0x40, s20  }
0x35: {  	[tilespmem:s3], [sflag:$0x2] =	stream.linear.gather [hbm4b:s21+s3], $0x200, $0x38;
	[tilespmem:$0x1AF0] =	vst v63  }
0x36: {  	p0 =	sne.s32 s20, $0xC40;
	_ =	swait.ge [sflag:s11], $0x200  }
0x37: {  	[sflag:s11] =	ssyncset.done $0x0  }
0x38: {  	[sflag:s11] =	ssyncadd.s32 $0xFFFFFE00  }
0x39: {  	[spmem:s2] =	stream.indirect.scatter.add.f32 [tilespmem:s10], [sflag:$0x1], $0x1, s3, s13, $0xb8;
	[tilespmem:$0x1AF0] =	vst v63  }
0x3a: {  	_ = 	snop  }
0x3b: {  	[spmem:s2] =	stream.indirect.scatter.add.f32 [tilespmem:s10], [sflag:$0x1], $0x1, s14, s13, $0xb8;
	[tilespmem:$0x1AF0] =	vst v63  }
0x3c: {  	_ = 	snop  }
0x3d: {  	[spmem:s2] =	stream.indirect.scatter.add.f32 [tilespmem:s10], [sflag:$0x1], $0x1, s15, s13, $0xb8;
	[tilespmem:$0x1AF0] =	vst v63  }
0x3e: {  	_ = 	snop  }
0x3f: {  	[spmem:s2] =	stream.indirect.scatter.add.f32 [tilespmem:s10], [sflag:$0x1], $0x1, s16, s13, $0xb8;
	[tilespmem:$0x1AF0] =	vst v63  }
0x40: {  	_ =	swait.ge [sflag:s17], $0x7D  }
0x41: {  	[sflag:s17] =	ssyncset.done $0x0  }
0x42: {  	[sflag:s17] =	ssyncadd.s32 $0xFFFFFF83  }
0x43: {  	_ =	swait.ge [sflag:s17], $0x7D  }
0x44: {  	[sflag:s17] =	ssyncset.done $0x0  }
0x45: {  	[sflag:s17] =	ssyncadd.s32 $0xFFFFFF83  }
.Ltmp0:
0x46: {  	_ =	swait.ge [sflag:s17], $0x7D;
	(pc) =	sbr.rel @p0 .LBB2_2-.Ltmp0, $4  }
0x47: {  	[sflag:s17] =	ssyncset.done $0x0  }
0x48: {  	[sflag:s17] =	ssyncadd.s32 $0xFFFFFF83  }
0x49: {  	_ =	swait.ge [sflag:s17], $0x7D  }
0x4a: {  	s20 =	smov.u32 s22;
	[sflag:s17] =	ssyncset.done $0x0  }
0x4b: {  	s19 =	sadd.s32 s19, s9;
	[sflag:s17] =	ssyncadd.s32 $0xFFFFFF83  }
0x4c: {  	[tilespmem:s3], [sflag:$0x2] =	stream.linear.gather [hbm4b:s19+s3], $0x200, $0x38;
	[tilespmem:$0x1AF0] =	vst v63  }
0x4d: {  	_ =	swait.ge [sflag:s11], $0x200  }
0x4e: {  	[sflag:s11] =	ssyncset.done $0x0  }
0x4f: {  	[sflag:s11] =	ssyncadd.s32 $0xFFFFFE00  }
0x50: {  	[spmem:s2] =	stream.indirect.scatter.add.f32 [tilespmem:s10], [sflag:$0x1], $0x1, s3, s13, $0xb8;
	[tilespmem:$0x1AF0] =	vst v63  }
0x51: {  	_ = 	snop  }
0x52: {  	[spmem:s2] =	stream.indirect.scatter.add.f32 [tilespmem:s10], [sflag:$0x1], $0x1, s14, s13, $0xb8;
	[tilespmem:$0x1AF0] =	vst v63  }
0x53: {  	_ = 	snop  }
0x54: {  	[spmem:s2] =	stream.indirect.scatter.add.f32 [tilespmem:s10], [sflag:$0x1], $0x1, s15, s13, $0xb8;
	[tilespmem:$0x1AF0] =	vst v63  }
0x55: {  	_ = 	snop  }
0x56: {  	[spmem:s2] =	stream.indirect.scatter.add.f32 [tilespmem:s10], [sflag:$0x1], $0x1, s16, s13, $0xb8;
	[tilespmem:$0x1AF0] =	vst v63  }
0x57: {  	_ =	swait.ge [sflag:s17], $0x7D  }
0x58: {  	[sflag:s17] =	ssyncset.done $0x0  }
0x59: {  	[sflag:s17] =	ssyncadd.s32 $0xFFFFFF83  }
0x5a: {  	_ =	swait.ge [sflag:s17], $0x7D  }
0x5b: {  	[sflag:s17] =	ssyncset.done $0x0  }
0x5c: {  	[sflag:s17] =	ssyncadd.s32 $0xFFFFFF83  }
0x5d: {  	_ =	swait.ge [sflag:s17], $0x7D  }
0x5e: {  	[sflag:s17] =	ssyncset.done $0x0  }
0x5f: {  	[sflag:s17] =	ssyncadd.s32 $0xFFFFFF83  }
0x60: {  	_ =	swait.ge [sflag:s17], $0x7D  }
0x61: {  	[sflag:s17] =	ssyncset.done $0x0  }
0x62: {  	[sflag:s17] =	ssyncadd.s32 $0xFFFFFF83  }
0x63: {  	[bflag:$0x0] =	sbarrier.arrive $0xFFFF  }
0x64: {  	[tilespmem:s12], [sflag:$0x2] =	stream.linear.gather [spmem:s6], $0xC38, $0x38;
	[tilespmem:$0x1AF0] =	vst v63  }
0x65: {  	s18 =	sadd.s32 $0x1, s18;
	_ =	swait.ge [sflag:s11], $0xC38  }
0x66: {  	p0 =	sne.s32 s18, s8;
	[sflag:s11] =	ssyncset.done $0x0  }
.Ltmp1:
0x67: {  	[sflag:s11] =	ssyncadd.s32 $0xFFFFF3C8;
	(pc) =	sbr.rel @p0 .LBB2_1-.Ltmp1, $4  }
0x68: {  	[hbm4b:s7+s3] =	stream.linear.scatter [tilespmem:s12], [sflag:$0x2], $0xC38, $0x38;
	[tilespmem:$0x1AF0] =	vst v63  }
0x69: {  	_ =	swait.ge [sflag:s11], $0xC38  }
0x6a: {  	[sflag:s11] =	ssyncset.done $0x0  }
0x6b: {  	[sflag:s11] =	ssyncadd.s32 $0xFFFFF3C8  }
0x6c: {  	_ =	sfence.sel $0x180000  }
0x6d: {  	[bflag:$0x0] =	sbarrier.arrive $0xFFFF  }
0x6e: {  	p0 =	sne.s32 s0, $0x0;
	_ =	strace $0x90000047  }
0x6f: {  	s0 =	sadd.s32 @!p0 $0x100000, s1;
	[bflag:$0x2] =	sbarrier.arrive $0xFFFF  }
0x70: {  	[sflag:s0] =	ssyncadd.tile.s32 @!p0 $0x1;
	_ =	shalt  }
.Lfunc_end2:
_tile_overlayer_lowered:
.L_overlay_start_2:
0x71: {  	(tag) =	ssettag $0x2  }
0x72: {  	s0 =	rddreg [dreg:$0x0];
	s2 =	stileid.u32  }
0x73: {  	s1 =	rddreg [dreg:$0x1];
	p0 =	sne.s32 s2, $0x0  }
0x74: {  	s3 =	rddreg [dreg:$0x2];
	[bflag:$0x3] =	sbarrier.arrive $0xFFFF;
	s2 =	simm.s32 @!p0 $0x1C02  }
0x75: {  	[timem:s3], [sflag:s2] =	dma.local @!p0 [hbm:s0], s1  }
0x76: {  	s0 =	simm.s32 @!p0 $0x2  }
0x77: {  	_ =	swait.ge @!p0 [sflag:s0], s1  }
0x78: {  	s1 =	ssub.s32 @!p0 $0x0, s1;
	[sflag:s0] =	ssyncset.done @!p0 $0x0  }
0x79: {  	[sflag:s0] =	ssyncadd.s32 @!p0 s1  }
0x7a: {  	[bflag:$0x3] =	sbarrier.arrive $0xFFFF  }
0x7b: {  	_ =	shalt  }

// kernel: kernel.9.cloned.1.call-start
scs
__scs_entry_jumppad:
0x0: {  	(pc) =	sbr.rel $0x88, $3  }
0x1: {  	(tag) =	ssettag $0x0;
	lr =	simm.s32 $0x1  }
0x2: {  	[smem:$0x3F9B] =	sst lr;
	_ =	strace $0xD0000000  }
0x3: {  	_ = 	snop  }
0x4: {  	_ = 	snop  }
0x5: {  	_ = 	snop  }
0x6: {  	_ = 	snop  }
0x7: {  	_ = 	snop  }
__scs_overlays_trampoline_lowered:
0x8: {  	[smem:$0x3FAA] =	sst s0  }
0x9: {  	[smem:$0x3FAB] =	sst s1  }
0xa: {  	[smem:$0x3FAC] =	sst s2  }
0xb: {  	[smem:$0x3FAD] =	sst s3  }
0xc: {  	[smem:$0x3FAE] =	sst s4  }
0xd: {  	[smem:$0x3FAF] =	sst s5  }
0xe: {  	[smem:$0x3FB0] =	sst s6  }
0xf: {  	[smem:$0x3FB1] =	sst s7  }
0x10: {  	[smem:$0x3FB2] =	sst s8  }
0x11: {  	[smem:$0x3FB3] =	sst s9;
	s0 =	simm.s32 @!p0 $0x0  }
0x12: {  	s1 =	sld [smem:$0x3F99];
	s0 =	simm.s32 @p0 $0x1  }
0x13: {  	[smem:$0x3FB4] =	sst s0;
	s0 =	simm.s32 @!p1 $0x0  }
0x14: {  	s2 =	sld [smem:$0x3F98];
	s0 =	simm.s32 @p1 $0x1  }
0x15: {  	[smem:$0x3FB5] =	sst s0;
	s0 =	simm.s32 @!p2 $0x0  }
0x16: {  	s3 =	sld [smem:$0x3FDB];
	s0 =	simm.s32 @p2 $0x1  }
0x17: {  	s4 =	simm.s32 $0x1BF5;
	[smem:$0x3FB7] =	sst s0  }
0x18: {  	s0 =	sld [smem:$0x3F9A];
	_ =	swait.ge [sflag:s4], $0x0  }
0x19: {  	s7 =	sld [smem:$0x3F9B]  }
0x1a: {  	s8 =	sadd.s32 $0xFFFFE003, lr  }
0x1b: {  	s9 =	sadd.s32 $0xFFFFFEF7, lr;
	s5 =	simm.s32 $0xFFFFFFFF;
	p2 =	slt.u32 s8, $0xFFFFF086  }
0x1c: {  	p1 =	slt.u32 s9, $0xF7A;
	s5 =	simm.s32 @!p2 $0x0  }
0x1d: {  	s5 =	simm.s32 @p1 $0x1;
	p0 =	seq.s32 s7, s2  }
0x1e: {  	s7 =	smul.u32 @!p0 $0xF7A, s2;
	p2 =	seq.s32 @!p0 s5, $0x0  }
0x1f: {  	s9 =	smul.u32 $0xF7A, s1;
	s8 =	simm.s32 @!p0 $0x1BF5;
	p2 =	por !p2, p0  }
0x20: {  	[sflag:s8] =	ssyncset.s32 @!p0 $0xFFFFF086;
	s6 =	sadd.s32 @!p0 s3, s7;
	s7 =	simm.s32 @!p0 $0x108  }
0x21: {  	s3 =	sadd.s32 s3, s9;
	s6 =	sadd.s32 @!p0 $0x88, s6;
	s7 =	simm.s32 @p2 $0x1082  }
0x22: {  	[simem:s7], [sflag:s8] =	dma.local @!p0 [hbm:s6], $0xF7A  }
0x23: {  	s9 =	sor.u32 $0xD0000000, s2;
	s6 =	simm.s32 $0x108;
	_ =	swait.ge @!p0 [sflag:s8], $0x0  }
0x24: {  	s3 =	sadd.s32 $0x88, s3;
	s6 =	simm.s32 @!p1 $0x1082;
	[sflag:s4] =	ssyncset.s32 $0xFFFFF086  }
0x25: {  	[simem:s6], [sflag:s4] =	dma.local [hbm:s3], $0xF7A  }
0x26: {  	[smem:$0x3F9B] =	sst s1;
	(tag) =	ssettag s2;
	_ =	strace s9  }
0x27: {  	s1 =	sld [smem:$0x3FAB]  }
0x28: {  	s2 =	sld [smem:$0x3FAC]  }
0x29: {  	s4 =	sld [smem:$0x3FAE]  }
0x2a: {  	p0 =	seq.s32 s5, $0x0;
	s5 =	sld [smem:$0x3FAF]  }
0x2b: {  	s6 =	sld [smem:$0x3FB0]  }
0x2c: {  	s7 =	sld [smem:$0x3FB1]  }
0x2d: {  	s3 =	simm.s32 $0x108;
	s8 =	sld [smem:$0x3FB2]  }
0x2e: {  	s3 =	simm.s32 @!p0 $0x1082;
	s9 =	sld [smem:$0x3FB3]  }
0x2f: {  	lr =	sadd.s32 s0, s3;
	s0 =	sld [smem:$0x3FAA]  }
0x30: {  	s3 =	sld [smem:$0x3FAD]  }
0x31: {  	[smem:$0x3FB6] =	sst s10  }
0x32: {  	s10 =	sld [smem:$0x3FB4];
	_ =	sdelay $0x3  }
0x33: {  	p0 =	seq.s32 s10, $0x1;
	s10 =	sld [smem:$0x3FB6];
	_ =	sdelay $0x3  }
0x34: {  	[smem:$0x3FB6] =	sst s10  }
0x35: {  	s10 =	sld [smem:$0x3FB5];
	_ =	sdelay $0x3  }
0x36: {  	p1 =	seq.s32 s10, $0x1;
	s10 =	sld [smem:$0x3FB6];
	_ =	sdelay $0x3  }
0x37: {  	[smem:$0x3FB6] =	sst s10  }
0x38: {  	s10 =	sld [smem:$0x3FB7]  }
0x39: {  	_ = 	snop;
	(pc) =	sbr.ind lr, $3  }
0x3a: {  	_ = 	snop  }
0x3b: {  	_ = 	snop  }
0x3c: {  	p2 =	seq.s32 s10, $0x1;
	s10 =	sld [smem:$0x3FB6]  }
0x3d: {  	_ =	shalt  }
0x3e: {  	_ =	shalt  }
0x3f: {  	_ =	shalt  }
0x40: {  	_ =	shalt  }
0x41: {  	_ =	shalt  }
0x42: {  	_ =	shalt  }
0x43: {  	_ =	shalt  }
0x44: {  	_ =	shalt  }
0x45: {  	_ =	shalt  }
0x46: {  	_ =	shalt  }
0x47: {  	_ =	shalt  }
0x48: {  	_ =	shalt  }
0x49: {  	_ =	shalt  }
0x4a: {  	_ =	shalt  }
0x4b: {  	_ =	shalt  }
0x4c: {  	_ =	shalt  }
0x4d: {  	_ =	shalt  }
0x4e: {  	_ =	shalt  }
0x4f: {  	_ =	shalt  }
0x50: {  	_ =	shalt  }
0x51: {  	_ =	shalt  }
0x52: {  	_ =	shalt  }
0x53: {  	_ =	shalt  }
0x54: {  	_ =	shalt  }
0x55: {  	_ =	shalt  }
0x56: {  	_ =	shalt  }
0x57: {  	_ =	shalt  }
0x58: {  	_ =	shalt  }
0x59: {  	_ =	shalt  }
0x5a: {  	_ =	shalt  }
0x5b: {  	_ =	shalt  }
0x5c: {  	_ =	shalt  }
0x5d: {  	_ =	shalt  }
0x5e: {  	_ =	shalt  }
0x5f: {  	_ =	shalt  }
0x60: {  	_ =	shalt  }
0x61: {  	_ =	shalt  }
0x62: {  	_ =	shalt  }
0x63: {  	_ =	shalt  }
0x64: {  	_ =	shalt  }
0x65: {  	_ =	shalt  }
0x66: {  	_ =	shalt  }
0x67: {  	_ =	shalt  }
0x68: {  	_ =	shalt  }
0x69: {  	_ =	shalt  }
0x6a: {  	_ =	shalt  }
0x6b: {  	_ =	shalt  }
0x6c: {  	_ =	shalt  }
0x6d: {  	_ =	shalt  }
0x6e: {  	_ =	shalt  }
0x6f: {  	_ =	shalt  }
0x70: {  	_ =	shalt  }
0x71: {  	_ =	shalt  }
0x72: {  	_ =	shalt  }
0x73: {  	_ =	shalt  }
0x74: {  	_ =	shalt  }
0x75: {  	_ =	shalt  }
0x76: {  	_ =	shalt  }
0x77: {  	_ =	shalt  }
0x78: {  	_ =	shalt  }
0x79: {  	_ =	shalt  }
0x7a: {  	_ =	shalt  }
0x7b: {  	_ =	shalt  }
0x7c: {  	_ =	shalt  }
0x7d: {  	_ =	shalt  }
0x7e: {  	_ =	shalt  }
0x7f: {  	_ =	shalt  }
0x80: {  	_ =	shalt  }
0x81: {  	_ =	shalt  }
0x82: {  	_ =	shalt  }
0x83: {  	_ =	shalt  }
0x84: {  	_ =	shalt  }
0x85: {  	_ =	shalt  }
0x86: {  	_ =	shalt  }
0x87: {  	_ =	shalt  }
.Lfunc_end0:
.L_simem_size_0:
called_computation.1_lowered:
.L_overlay_start_0:
0x88: {  	s2 =	sld [smem:$0x3FD9]  }
0x89: {  	s3 =	sld [smem:$0x3FFE];
	_ =	sdelay $0x1  }
0x8a: {  	s1 =	srdreg.scid  }
0x8b: {  	s0 =	sand.u32 $0x1, s1  }
0x8c: {  	s17 =	sshll.u32 s0, $0xA;
	s2 =	sadd.s32 s3, s2  }
0x8d: {  	s2 =	sadd.s32 s2, s17  }
0x8e: {  	[smem:$0x3FC2] =	sst s2  }
0x8f: {  	_ = 	snop  }
0x90: {  	s2 =	sld [smem:$0x3FD0];
	(tm) =	ssettm $0x1  }
0x91: {  	s18 =	sld [smem:$0x3FFB];
	_ =	sdelay $0x3  }
0x92: {  	_ =	strace s18  }
0x93: {  	s3 =	sld [smem:$0x3FFC];
	_ =	sdelay $0x3  }
0x94: {  	_ =	strace s3  }
0x95: {  	s3 =	sld [smem:$0x3FFD];
	_ =	sdelay $0x3  }
0x96: {  	_ =	strace s3  }
0x97: {  	_ =	strace $0x8FFFFFFF  }
0x98: {  	s19 =	sld [smem:$0x3FDB];
	_ =	sdelay $0x1  }
0x99: {  	s4 =	simm.s32 $_scs_section_size  }
0x9a: {  	s5 =	simm.s32 $_size__tile_overlayer_lowered;
	s6 =	simm.s32 $_tile_overlayer_lowered  }
0x9b: {  	s22 =	simm.s32 $0x1BFF;
	s21 =	sshll.u32 s6, $0x1;
	s3 =	sadd.s32 s4, s19  }
0x9c: {  	s7 =	simm.s32 $0x0;
	s20 =	sshll.u32 s5, $0x1;
	s5 =	sadd.s32 s21, s3  }
0x9d: {  	[timem:s7], [sflag:s22] =	dma.local [hbm:s5], s20  }
0x9e: {  	_ =	swait.ge [sflag:s22], s20  }
0x9f: {  	s4 =	ssub.s32 $0x0, s20;
	[sflag:s22] =	ssyncset.done $0x0  }
0xa0: {  	[sflag:s22] =	ssyncadd.s32 s4;
	_ =	sdelay $0x1  }
0xa1: {  	s23 =	simm.s32 $0x1B8B  }
0xa2: {  	_ =	swait.ge [sflag:s23], $0x1  }
0xa3: {  	[sflag:s23] =	ssyncset.done $0x0  }
0xa4: {  	s25 =	simm.s32 $0x1B8E;
	s24 =	sld [smem:$0x3FFE];
	[sflag:s23] =	ssyncadd.s32 $0xFFFFFFFF  }
0xa5: {  	s26 =	simm.s32 $execute0_lowered;
	[smem:$0x3FD2] =	sst s25  }
0xa6: {  	s5 =	sshll.u32 s26, $0x1;
	_ =	strace $0x80000049;
	[dreg:$0x1] =	wrdreg $0xFFFFFFFF  }
0xa7: {  	s28 =	simm.s32 $_size_execute0_lowered;
	s3 =	sadd.s32 s3, s5;
	[dreg:$0x0] =	wrdreg $0x0  }
0xa8: {  	s5 =	sshll.u32 s28, $0x1;
	[dreg:$0x2] =	wrdreg s3  }
0xa9: {  	[dreg:$0x3] =	wrdreg s5  }
0xaa: {  	[dreg:$0x4] =	wrdreg $0xC0  }
0xab: {  	_ =	task [dreg:s7], $0x5FFFF  }
0xac: {  	[dreg:$0x1] =	wrdreg $0xFFFFFFFF  }
0xad: {  	[dreg:$0x0] =	wrdreg $0x60  }
0xae: {  	[dreg:$0x2] =	wrdreg s24  }
0xaf: {  	[dreg:$0x3] =	wrdreg s2  }
0xb0: {  	[dreg:$0x4] =	wrdreg $0x52200  }
0xb1: {  	[dreg:$0x5] =	wrdreg $0x9  }
0xb2: {  	_ =	task.clear_ibuf [dreg:s7], $0x6FFFF;
	_ =	strace $0x90000049  }
0xb3: {  	s29 =	simm.s32 $0x9;
	_ =	strace $0x8000004B  }
0xb4: {  	_ =	swait.ge [sflag:s29], $0x1  }
0xb5: {  	[sflag:s29] =	ssyncadd.s32 $0xFFFFFFFF  }
0xb6: {  	_ =	strace $0x9000004B  }
0xb7: {  	_ =	sfence  }
0xb8: {  	s30 =	sld [smem:$0x0];
	_ =	sdelay $0x2  }
0xb9: {  	s31 =	sshll.u32 s1, $0xD;
	s1 =	sshrl.u32 s1, $0x2  }
0xba: {  	s3 =	sand.u32 $0x4000, s31;
	s1 =	sadd.s32 s1, s30  }
0xbb: {  	s0 =	sor.u32 s3, s0;
	s1 =	sshll.u32 s1, $0x11  }
0xbc: {  	s0 =	sor.u32 s1, s0  }
0xbd: {  	s0 =	sadd.s32 $0x8F2B, s0  }
0xbe: {  	[sflag:s0] =	ssyncadd.remote.s32 $0x1  }
0xbf: {  	_ =	sfence.sel $0xFFFF  }
0xc0: {  	[dreg:$0x0] =	wrdreg $0xFFFFFFFF;
	(pc) =	sbr.abs _section_cstart, $3  }
0xc1: {  	[dreg:$0x1] =	wrdreg $0xFFFFFFFF  }
0xc2: {  	_ =	task.clear_ibuf [dreg:s7], $0x2FFFF;
	_ =	strace $0x9FFFFFFF  }
0xc3: {  	(tm) =	ssettm $0x7FFFFFFF  }
tec
execute0_lowered:
.L_overlay_start_1:
0x0: {  	(tag) =	ssettag $0x1  }
0x1: {  	s7 =	stileid.u32;
	s0 =	srdreg.scid  }
0x2: {  	s0 =	sand.u32 $0x1, s0;
	s5 =	smul.u32 $0xC35, s7  }
0x3: {  	s17 =	smul.u32 $0xC350, s0  }
0x4: {  	s1 =	rddreg [dreg:$0x0]  }
0x5: {  	s2 =	rddreg [dreg:$0x1];
	s5 =	sadd.s32 s5, s17  }
0x6: {  	s3 =	rddreg [dreg:$0x2];
	s4 =	simm.s32 $0x0;
	s5 =	sshll.u32 s5, $0x2  }
0x7: {  	[smem:$0x7FF] =	sst s4;
	s8 =	sadd.s32 $0x34200, s1;
	s5 =	sadd.s32 s5, s1  }
0x8: {  	_ =	strace $0x8000004A;
	[dreg:$0x4] =	wrdreg s8;
	s19 =	sadd.s32 $0x27E800, s5  }
0x9: {  	s20 =	sadd.s32 $0x27E9F4, s5;
	[dreg:$0x5] =	wrdreg s19  }
0xa: {  	s21 =	sadd.s32 $0x27EBE8, s5;
	[dreg:$0x6] =	wrdreg s20  }
0xb: {  	s22 =	sadd.s32 $0x27EDDC, s5;
	[dreg:$0x7] =	wrdreg s21  }
0xc: {  	s23 =	sadd.s32 $0x27EFD0, s5;
	[dreg:$0x8] =	wrdreg s22  }
0xd: {  	s24 =	sadd.s32 $0x27F1C4, s5;
	[dreg:$0x9] =	wrdreg s23  }
0xe: {  	s25 =	sadd.s32 $0x27F3B8, s5;
	[dreg:$0xa] =	wrdreg s24  }
0xf: {  	s26 =	sadd.s32 $0x27F5AC, s5;
	[dreg:$0xb] =	wrdreg s25  }
0x10: {  	s9 =	sadd.s32 $0x27F7A0, s5;
	[dreg:$0xc] =	wrdreg s26  }
0x11: {  	s10 =	sadd.s32 $0x27F994, s5;
	[dreg:$0xd] =	wrdreg s9  }
0x12: {  	s11 =	sadd.s32 $0x27FB88, s5;
	[dreg:$0xe] =	wrdreg s10  }
0x13: {  	s12 =	sadd.s32 $0x27FD7C, s5;
	[dreg:$0xf] =	wrdreg s11  }
0x14: {  	s13 =	sadd.s32 $0x27FF70, s5;
	[dreg:$0x10] =	wrdreg s12  }
0x15: {  	s14 =	sadd.s32 $0x280164, s5;
	[dreg:$0x11] =	wrdreg s13  }
0x16: {  	s15 =	sadd.s32 $0x280358, s5;
	[dreg:$0x12] =	wrdreg s14  }
0x17: {  	s16 =	sadd.s32 $0x28054C, s5;
	[dreg:$0x13] =	wrdreg s15  }
0x18: {  	s18 =	sadd.s32 $0x280740, s5;
	[dreg:$0x14] =	wrdreg s16  }
0x19: {  	[dreg:$0x15] =	wrdreg s18;
	s20 =	sadd.s32 $0x280934, s5  }
0x1a: {  	s21 =	sadd.s32 $0x280B28, s5;
	[dreg:$0x16] =	wrdreg s20  }
0x1b: {  	s22 =	sadd.s32 $0x280D1C, s5;
	[dreg:$0x17] =	wrdreg s21  }
0x1c: {  	s6 =	smul.u32 $0x1900, s7;
	s23 =	sadd.s32 $0x280F10, s5;
	[dreg:$0x18] =	wrdreg s22  }
0x1d: {  	s7 =	smul.u32 $0x61A80, s7;
	s25 =	sadd.s32 $0x281104, s5;
	[dreg:$0x19] =	wrdreg s23  }
0x1e: {  	s0 =	ssub.s32 $0x2, s0;
	s26 =	sadd.s32 $0x2812F8, s5;
	[dreg:$0x1a] =	wrdreg s25  }
0x1f: {  	s24 =	sshrl.u32 s7, $0x2;
	s7 =	sadd.s32 $0x2814EC, s5;
	[dreg:$0x1b] =	wrdreg s26  }
0x20: {  	s19 =	sshrl.u32 s0, $0x1;
	s5 =	sadd.s32 $0x2816E0, s5;
	[dreg:$0x1c] =	wrdreg s7  }
0x21: {  	s0 =	ssub.s32 s0, s19;
	s28 =	sadd.s32 s24, s3;
	[dreg:$0x1d] =	wrdreg s5  }
0x22: {  	s0 =	smax.u32 s0, $0x1;
	[smem:$0x7F7] =	sst s28  }
0x23: {  	s8 =	sadd.s32 $0xFA0, s28;
	[dreg:$0x1e] =	wrdreg s0  }
0x24: {  	s9 =	sadd.s32 $0x3E80, s28;
	[smem:$0x7E5] =	sst s8  }
0x25: {  	s10 =	sadd.s32 $0x4E20, s28;
	[dreg:$0x1f] =	wrdreg s9  }
0x26: {  	s11 =	sadd.s32 $0x6D60, s28;
	[smem:$0x7E6] =	sst s10  }
0x27: {  	s12 =	sadd.s32 $0x7D00, s28;
	[smem:$0x7E7] =	sst s11  }
0x28: {  	s13 =	sadd.s32 $0x8CA0, s28;
	[smem:$0x7E8] =	sst s12  }
0x29: {  	s14 =	sadd.s32 $0x9C40, s28;
	[smem:$0x7E9] =	sst s13  }
0x2a: {  	v0 =	vmov s17;
	s17 =	simm.s32 $0x280;
	s15 =	sadd.s32 $0xABE0, s28;
	[smem:$0x7EA] =	sst s14  }
0x2b: {  	s1 =	sadd.s32 s6, s1;
	s16 =	sadd.s32 $0xBB80, s28;
	[smem:$0x7EB] =	sst s15  }
0x2c: {  	s6 =	simm.s32 $0x200;
	s18 =	sadd.s32 $0xCB20, s28;
	[smem:$0x7EC] =	sst s16  }
0x2d: {  	s5 =	sadd.s32 $0x2200, s1;
	s19 =	sadd.s32 $0xDAC0, s28;
	[smem:$0x7ED] =	sst s18  }
0x2e: {  	s1 =	simm.s32 $0x4280;
	s20 =	sadd.s32 $0xEA60, s28;
	[smem:$0x7EE] =	sst s19  }
0x2f: {  	s7 =	simm.s32 $0x7D;
	s21 =	sadd.s32 $0xFA00, s28;
	[smem:$0x7EF] =	sst s20  }
0x30: {  	s25 =	sadd.s32 $0x1F40, s28;
	s22 =	sadd.s32 $0x109A0, s28;
	[smem:$0x7F0] =	sst s21  }
0x31: {  	s31 =	sadd.s32 $0x2EE0, s28;
	s23 =	sadd.s32 $0x11940, s28;
	[smem:$0x7F1] =	sst s22  }
0x32: {  	s30 =	sadd.s32 $0x5DC0, s28;
	s24 =	sadd.s32 $0x128E0, s28;
	[smem:$0x7F2] =	sst s23  }
0x33: {  	s26 =	sadd.s32 $0x13880, s28;
	s29 =	sadd.s32 $0x16760, s28;
	[smem:$0x7F3] =	sst s24  }
0x34: {  	[smem:$0x7F4] =	sst s26;
	s24 =	sadd.s32 $0x14820, s28;
	s22 =	sadd.s32 $0x157C0, s28  }
0x35: {  	s26 =	sadd.s32 $0x17700, s28;
	s0 =	simm.s32 $0x5;
	[smem:$0x7F6] =	sst s30  }
0x36: {  	s8 =	simm.s32 $0x400;
	s9 =	simm.s32 $0x80;
	[smem:$0x7F8] =	sst s31  }
0x37: {  	s10 =	simm.s32 $0x13A0;
	s11 =	simm.s32 $0x100;
	[smem:$0x7F9] =	sst s25  }
0x38: {  	s12 =	simm.s32 $0x2340;
	s23 =	simm.s32 $0x0;
	[smem:$0x7FC] =	sst s29  }
0x39: {  	s13 =	simm.s32 $0x180;
	s14 =	simm.s32 $0x32E0;
	[smem:$0x7F5] =	sst s23  }
0x3a: {  	s15 =	simm.s32 $0x1;
	s16 =	simm.s32 $0x2;
	[smem:$0x7FA] =	sst s24  }
0x3b: {  	vm0 =	vcmask $0x3F0C;
	s18 =	simm.s32 $0x3;
	s19 =	simm.s32 $0x300;
	[smem:$0x7FB] =	sst s22  }
0x3c: {  	v1 =	vnsel vm0, $0x0, v0;
	s20 =	simm.s32 $0x4;
	s21 =	simm.s32 $0x380;
	[smem:$0x7FD] =	sst s26  }
.LBB2_1:
0x3d: {  	s23 =	rddreg [dreg:$0x4]  }
0x3e: {  	[tilespmem:s1], [sflag:$0x5] =	stream.linear.gather [hbm4b:s23+s4], $0xFA0, $0x38;
	[tilespmem:$0x1D8C0] =	vst v63  }
0x3f: {  	_ =	swait.ge [sflag:s0], $0xFA0  }
0x40: {  	[sflag:s0] =	ssyncset.done $0x0  }
0x41: {  	[sflag:s0] =	ssyncadd.s32 $0xFFFFF060  }
0x42: {  	[spmem:s28] =	stream.linear.scatter [tilespmem:s1], [sflag:$0x5], $0xFA0, $0x38;
	[tilespmem:$0x1D8C0] =	vst v63  }
0x43: {  	_ =	swait.ge [sflag:s0], $0xFA0  }
0x44: {  	s23 =	smov.u32 s25;
	s25 =	sld [smem:$0x7E5]  }
0x45: {  	[sflag:s0] =	ssyncset.done $0x0  }
0x46: {  	[sflag:s0] =	ssyncadd.s32 $0xFFFFF060  }
0x47: {  	[spmem:s25] =	stream.linear.scatter [tilespmem:s1], [sflag:$0x5], $0xFA0, $0x38;
	[tilespmem:$0x1D8C0] =	vst v63  }
0x48: {  	s28 =	smov.u32 s31;
	s31 =	rddreg [dreg:$0x1f];
	_ =	swait.ge [sflag:s0], $0xFA0  }
0x49: {  	[sflag:s0] =	ssyncset.done $0x0  }
0x4a: {  	[sflag:s0] =	ssyncadd.s32 $0xFFFFF060  }
0x4b: {  	[spmem:s23] =	stream.linear.scatter [tilespmem:s1], [sflag:$0x5], $0xFA0, $0x38;
	[tilespmem:$0x1D8C0] =	vst v63  }
0x4c: {  	_ =	swait.ge [sflag:s0], $0xFA0  }
0x4d: {  	[sflag:s0] =	ssyncset.done $0x0  }
0x4e: {  	[sflag:s0] =	ssyncadd.s32 $0xFFFFF060  }
0x4f: {  	[spmem:s28] =	stream.linear.scatter [tilespmem:s1], [sflag:$0x5], $0xFA0, $0x38;
	[tilespmem:$0x1D8C0] =	vst v63  }
0x50: {  	s25 =	sld [smem:$0x7E6];
	_ =	swait.ge [sflag:s0], $0xFA0  }
0x51: {  	[sflag:s0] =	ssyncset.done $0x0  }
0x52: {  	[sflag:s0] =	ssyncadd.s32 $0xFFFFF060  }
0x53: {  	[spmem:s31] =	stream.linear.scatter [tilespmem:s1], [sflag:$0x5], $0xFA0, $0x38;
	[tilespmem:$0x1D8C0] =	vst v63  }
0x54: {  	_ =	swait.ge [sflag:s0], $0xFA0  }
0x55: {  	[sflag:s0] =	ssyncset.done $0x0  }
0x56: {  	[sflag:s0] =	ssyncadd.s32 $0xFFFFF060  }
0x57: {  	[spmem:s25] =	stream.linear.scatter [tilespmem:s1], [sflag:$0x5], $0xFA0, $0x38;
	[tilespmem:$0x1D8C0] =	vst v63  }
0x58: {  	_ =	swait.ge [sflag:s0], $0xFA0  }
0x59: {  	[sflag:s0] =	ssyncset.done $0x0  }
0x5a: {  	[sflag:s0] =	ssyncadd.s32 $0xFFFFF060  }
0x5b: {  	[spmem:s30] =	stream.linear.scatter [tilespmem:s1], [sflag:$0x5], $0xFA0, $0x38;
	[tilespmem:$0x1D8C0] =	vst v63  }
0x5c: {  	_ =	swait.ge [sflag:s0], $0xFA0  }
0x5d: {  	s28 =	sld [smem:$0x7E7]  }
0x5e: {  	[sflag:s0] =	ssyncset.done $0x0  }
0x5f: {  	[sflag:s0] =	ssyncadd.s32 $0xFFFFF060  }
0x60: {  	[spmem:s28] =	stream.linear.scatter [tilespmem:s1], [sflag:$0x5], $0xFA0, $0x38;
	[tilespmem:$0x1D8C0] =	vst v63  }
0x61: {  	_ =	swait.ge [sflag:s0], $0xFA0  }
0x62: {  	s30 =	sld [smem:$0x7E8]  }
0x63: {  	[sflag:s0] =	ssyncset.done $0x0  }
0x64: {  	[sflag:s0] =	ssyncadd.s32 $0xFFFFF060  }
0x65: {  	[spmem:s30] =	stream.linear.scatter [tilespmem:s1], [sflag:$0x5], $0xFA0, $0x38;
	[tilespmem:$0x1D8C0] =	vst v63  }
0x66: {  	_ =	swait.ge [sflag:s0], $0xFA0  }
0x67: {  	s31 =	sld [smem:$0x7E9]  }
0x68: {  	[sflag:s0] =	ssyncset.done $0x0  }
0x69: {  	[sflag:s0] =	ssyncadd.s32 $0xFFFFF060  }
0x6a: {  	[spmem:s31] =	stream.linear.scatter [tilespmem:s1], [sflag:$0x5], $0xFA0, $0x38;
	[tilespmem:$0x1D8C0] =	vst v63  }
0x6b: {  	_ =	swait.ge [sflag:s0], $0xFA0  }
0x6c: {  	s25 =	sld [smem:$0x7EA]  }
0x6d: {  	[sflag:s0] =	ssyncset.done $0x0  }
0x6e: {  	[sflag:s0] =	ssyncadd.s32 $0xFFFFF060  }
0x6f: {  	[spmem:s25] =	stream.linear.scatter [tilespmem:s1], [sflag:$0x5], $0xFA0, $0x38;
	[tilespmem:$0x1D8C0] =	vst v63  }
0x70: {  	_ =	swait.ge [sflag:s0], $0xFA0  }
0x71: {  	s28 =	sld [smem:$0x7EB]  }
0x72: {  	[sflag:s0] =	ssyncset.done $0x0  }
0x73: {  	[sflag:s0] =	ssyncadd.s32 $0xFFFFF060  }
0x74: {  	[spmem:s28] =	stream.linear.scatter [tilespmem:s1], [sflag:$0x5], $0xFA0, $0x38;
	[tilespmem:$0x1D8C0] =	vst v63  }
0x75: {  	_ =	swait.ge [sflag:s0], $0xFA0  }
0x76: {  	s30 =	sld [smem:$0x7EC]  }
0x77: {  	[sflag:s0] =	ssyncset.done $0x0  }
0x78: {  	[sflag:s0] =	ssyncadd.s32 $0xFFFFF060  }
0x79: {  	[spmem:s30] =	stream.linear.scatter [tilespmem:s1], [sflag:$0x5], $0xFA0, $0x38;
	[tilespmem:$0x1D8C0] =	vst v63  }
0x7a: {  	_ =	swait.ge [sflag:s0], $0xFA0  }
0x7b: {  	s31 =	sld [smem:$0x7ED]  }
0x7c: {  	[sflag:s0] =	ssyncset.done $0x0  }
0x7d: {  	[sflag:s0] =	ssyncadd.s32 $0xFFFFF060  }
0x7e: {  	[spmem:s31] =	stream.linear.scatter [tilespmem:s1], [sflag:$0x5], $0xFA0, $0x38;
	[tilespmem:$0x1D8C0] =	vst v63  }
0x7f: {  	_ =	swait.ge [sflag:s0], $0xFA0  }
0x80: {  	s25 =	sld [smem:$0x7EE]  }
0x81: {  	[sflag:s0] =	ssyncset.done $0x0  }
0x82: {  	[sflag:s0] =	ssyncadd.s32 $0xFFFFF060  }
0x83: {  	[spmem:s25] =	stream.linear.scatter [tilespmem:s1], [sflag:$0x5], $0xFA0, $0x38;
	[tilespmem:$0x1D8C0] =	vst v63  }
0x84: {  	_ =	swait.ge [sflag:s0], $0xFA0  }
0x85: {  	s28 =	sld [smem:$0x7EF]  }
0x86: {  	[sflag:s0] =	ssyncset.done $0x0  }
0x87: {  	[sflag:s0] =	ssyncadd.s32 $0xFFFFF060  }
0x88: {  	[spmem:s28] =	stream.linear.scatter [tilespmem:s1], [sflag:$0x5], $0xFA0, $0x38;
	[tilespmem:$0x1D8C0] =	vst v63  }
0x89: {  	_ =	swait.ge [sflag:s0], $0xFA0  }
0x8a: {  	s30 =	sld [smem:$0x7F0]  }
0x8b: {  	[sflag:s0] =	ssyncset.done $0x0  }
0x8c: {  	[sflag:s0] =	ssyncadd.s32 $0xFFFFF060  }
0x8d: {  	[spmem:s30] =	stream.linear.scatter [tilespmem:s1], [sflag:$0x5], $0xFA0, $0x38;
	[tilespmem:$0x1D8C0] =	vst v63  }
0x8e: {  	_ =	swait.ge [sflag:s0], $0xFA0  }
0x8f: {  	s31 =	sld [smem:$0x7F1]  }
0x90: {  	[sflag:s0] =	ssyncset.done $0x0  }
0x91: {  	[sflag:s0] =	ssyncadd.s32 $0xFFFFF060  }
0x92: {  	[spmem:s31] =	stream.linear.scatter [tilespmem:s1], [sflag:$0x5], $0xFA0, $0x38;
	[tilespmem:$0x1D8C0] =	vst v63  }
0x93: {  	_ =	swait.ge [sflag:s0], $0xFA0  }
0x94: {  	s25 =	sld [smem:$0x7F2]  }
0x95: {  	[sflag:s0] =	ssyncset.done $0x0  }
0x96: {  	[sflag:s0] =	ssyncadd.s32 $0xFFFFF060  }
0x97: {  	[spmem:s25] =	stream.linear.scatter [tilespmem:s1], [sflag:$0x5], $0xFA0, $0x38;
	[tilespmem:$0x1D8C0] =	vst v63  }
0x98: {  	_ =	swait.ge [sflag:s0], $0xFA0  }
0x99: {  	s28 =	sld [smem:$0x7F3]  }
0x9a: {  	[sflag:s0] =	ssyncset.done $0x0  }
0x9b: {  	[sflag:s0] =	ssyncadd.s32 $0xFFFFF060  }
0x9c: {  	[spmem:s28] =	stream.linear.scatter [tilespmem:s1], [sflag:$0x5], $0xFA0, $0x38;
	[tilespmem:$0x1D8C0] =	vst v63  }
0x9d: {  	_ =	swait.ge [sflag:s0], $0xFA0  }
0x9e: {  	s30 =	sld [smem:$0x7F4]  }
0x9f: {  	[sflag:s0] =	ssyncset.done $0x0  }
0xa0: {  	[sflag:s0] =	ssyncadd.s32 $0xFFFFF060  }
0xa1: {  	[spmem:s30] =	stream.linear.scatter [tilespmem:s1], [sflag:$0x5], $0xFA0, $0x38;
	[tilespmem:$0x1D8C0] =	vst v63  }
0xa2: {  	_ =	swait.ge [sflag:s0], $0xFA0  }
0xa3: {  	[sflag:s0] =	ssyncset.done $0x0  }
0xa4: {  	[sflag:s0] =	ssyncadd.s32 $0xFFFFF060  }
0xa5: {  	[spmem:s24] =	stream.linear.scatter [tilespmem:s1], [sflag:$0x5], $0xFA0, $0x38;
	[tilespmem:$0x1D8C0] =	vst v63  }
0xa6: {  	_ =	swait.ge [sflag:s0], $0xFA0  }
0xa7: {  	[sflag:s0] =	ssyncset.done $0x0  }
0xa8: {  	[sflag:s0] =	ssyncadd.s32 $0xFFFFF060  }
0xa9: {  	[spmem:s22] =	stream.linear.scatter [tilespmem:s1], [sflag:$0x5], $0xFA0, $0x38;
	[tilespmem:$0x1D8C0] =	vst v63  }
0xaa: {  	_ =	swait.ge [sflag:s0], $0xFA0  }
0xab: {  	[sflag:s0] =	ssyncset.done $0x0  }
0xac: {  	[sflag:s0] =	ssyncadd.s32 $0xFFFFF060  }
0xad: {  	[spmem:s29] =	stream.linear.scatter [tilespmem:s1], [sflag:$0x5], $0xFA0, $0x38;
	[tilespmem:$0x1D8C0] =	vst v63  }
0xae: {  	_ =	swait.ge [sflag:s0], $0xFA0  }
0xaf: {  	[sflag:s0] =	ssyncset.done $0x0  }
0xb0: {  	[sflag:s0] =	ssyncadd.s32 $0xFFFFF060  }
0xb1: {  	[spmem:s26] =	stream.linear.scatter [tilespmem:s1], [sflag:$0x5], $0xFA0, $0x38;
	[tilespmem:$0x1D8C0] =	vst v63  }
0xb2: {  	_ =	swait.ge [sflag:s0], $0xFA0  }
0xb3: {  	[sflag:s0] =	ssyncset.done $0x0  }
0xb4: {  	[sflag:s0] =	ssyncadd.s32 $0xFFFFF060  }
0xb5: {  	s31 =	sadd.s32 $0x0, s5;
	[bflag:$0x0] =	sbarrier.arrive $0xFFFF  }
0xb6: {  	[tilespmem:s4], [sflag:$0x5] =	stream.linear.gather [hbm4b:s31+s4], $0x200, $0x38;
	[tilespmem:$0x1D8C0] =	vst v63  }
0xb7: {  	_ =	swait.ge [sflag:s0], $0x200  }
0xb8: {  	[sflag:s0] =	ssyncset.done $0x0  }
0xb9: {  	s23 =	sadd.s32 $0x19000, s31;
	[sflag:s0] =	ssyncadd.s32 $0xFFFFFE00  }
0xba: {  	[tilespmem:s6], [sflag:$0x5] =	stream.linear.gather [hbm4b:s23+s4], $0x200, $0x38;
	[tilespmem:$0x1D8C0] =	vst v63  }
0xbb: {  	_ =	swait.ge [sflag:s0], $0x200  }
0xbc: {  	[sflag:s0] =	ssyncset.done $0x0  }
0xbd: {  	[sflag:s0] =	ssyncadd.s32 $0xFFFFFE00  }
0xbe: {  	v7 =	vld [tilespmem:$0xA0]  }
0xbf: {  	v6 =	vld [tilespmem:$0xC0]  }
0xc0: {  	v5 =	vld [tilespmem:$0xD0]  }
0xc1: {  	v4 =	vld [tilespmem:$0x100]  }
0xc2: {  	v3 =	vld [tilespmem:$0x1D0]  }
0xc3: {  	s23 =	simm.s32 $0x40;
	v2 =	vld [tilespmem:$0x30];
	v7 =	vadd.s32 v0, v7  }
.LBB2_2:
0xc4: {  	p0 =	sne.s32 s23, $0x18C0;
	[tilespmem:$0xA0] =	vst v7;
	v6 =	vadd.s32 v0, v6;
	v7 =	vld [tilespmem:$0x130];
	s24 =	smov.u32 s23;
	s23 =	sadd.s32 $0x40, s23  }
0xc5: {  	v8 =	vld [tilespmem:$0x80];
	v5 =	vadd.s32 v0, v5  }
0xc6: {  	v4 =	vadd.s32 v0, v4;
	v9 =	vld [tilespmem:$0x120]  }
0xc7: {  	v10 =	vld [tilespmem:$0xB0];
	[tilespmem:$0xD0] =	vst v5;
	v3 =	vadd.s32 v0, v3  }
0xc8: {  	v2 =	vadd.s32 v0, v2;
	[tilespmem:$0xC0] =	vst v6;
	v5 =	vld [tilespmem:$0x1A0]  }
0xc9: {  	[tilespmem:$0x100] =	vst v4;
	v4 =	vadd.s32 v0, v7;
	v6 =	vld [tilespmem:$0x190]  }
0xca: {  	v7 =	vadd.s32 v0, v8;
	[tilespmem:$0x130] =	vst v4;
	v4 =	vld [tilespmem:$0x1C0]  }
0xcb: {  	v8 =	vadd.s32 v0, v9;
	v9 =	vld [tilespmem:$0x1B0];
	[tilespmem:$0x1D0] =	vst v3  }
0xcc: {  	v3 =	vadd.s32 v0, v10;
	v10 =	vld [tilespmem:$0x110];
	[tilespmem:$0x120] =	vst v8  }
0xcd: {  	[tilespmem:$0x80] =	vst v7;
	v7 =	vld [tilespmem:$0x180]  }
0xce: {  	[tilespmem:$0xB0] =	vst v3;
	v3 =	vld [tilespmem:$0x150];
	v6 =	vadd.s32 v0, v6  }
0xcf: {  	v8 =	vld [tilespmem:$0x90];
	[tilespmem:$0x190] =	vst v6;
	v4 =	vadd.s32 v0, v4  }
0xd0: {  	v6 =	vadd.s32 v0, v9;
	[tilespmem:$0x1C0] =	vst v4;
	v4 =	vld [tilespmem:$0x1E0]  }
0xd1: {  	[tilespmem:$0x30] =	vst v2;
	v2 =	vadd.s32 v0, v10;
	v9 =	vld [tilespmem:$0x160]  }
0xd2: {  	v10 =	vld [tilespmem:$0x60];
	[tilespmem:$0x110] =	vst v2;
	v2 =	vadd.s32 v0, v7  }
0xd3: {  	v7 =	vld [tilespmem:$0xE0];
	[tilespmem:$0x180] =	vst v2;
	v2 =	vadd.s32 v0, v5  }
0xd4: {  	v5 =	vld [tilespmem:$0x50];
	v8 =	vadd.s32 v0, v8;
	[tilespmem:$0x1A0] =	vst v2  }
0xd5: {  	v2 =	vld [tilespmem:$0x40];
	[tilespmem:$0x90] =	vst v8;
	v4 =	vadd.s32 v0, v4  }
0xd6: {  	v8 =	vld [tilespmem:$0x20];
	v9 =	vadd.s32 v0, v9;
	[tilespmem:$0x1E0] =	vst v4  }
0xd7: {  	v4 =	vadd.s32 v0, v10;
	[tilespmem:$0x160] =	vst v9;
	v9 =	vld [tilespmem:$0x1ED]  }
0xd8: {  	[tilespmem:$0x60] =	vst v4;
	v4 =	vadd.s32 v0, v7;
	v7 =	vld [tilespmem:$0x16D]  }
0xd9: {  	v5 =	vadd.s32 v0, v5;
	v10 =	vld [tilespmem:$0x6D];
	[tilespmem:$0xE0] =	vst v4  }
0xda: {  	v3 =	vadd.s32 v0, v3;
	[tilespmem:$0x50] =	vst v5;
	v4 =	vld [tilespmem:$0xED]  }
0xdb: {  	v2 =	vadd.s32 v0, v2;
	v5 =	vld [tilespmem:$0x0];
	[tilespmem:$0x150] =	vst v3  }
0xdc: {  	v8 =	vadd.s32 v0, v8;
	v3 =	vld [tilespmem:$0x10];
	[tilespmem:$0x40] =	vst v2  }
0xdd: {  	[tilespmem:$0x20] =	vst v8;
	v2 =	vadd.s32 v1, v7;
	v7 =	vadd.s32 v1, v9  }
0xde: {  	v8 =	vadd.s32 v1, v10;
	v9 =	vld [tilespmem:$0x140];
	[tilespmem:$0x1B0] =	vst v6  }
0xdf: {  	v4 =	vadd.s32 v1, v4;
	[tilespmem:$0x1ED] =	vst v7  }
0xe0: {  	v5 =	vadd.s32 v0, v5;
	[tilespmem:$0x16D] =	vst v2  }
0xe1: {  	[tilespmem:$0x0] =	vst v5;
	v2 =	vadd.s32 v0, v3  }
0xe2: {  	[tilespmem:$0x10] =	vst v2  }
0xe3: {  	[tilespmem:$0x6D] =	vst v8;
	v2 =	vadd.s32 v0, v9  }
0xe4: {  	[tilespmem:$0x140] =	vst v2  }
0xe5: {  	[tilespmem:$0xED] =	vst v4  }
0xe6: {  	[tilespmem:s8], [sflag:$0x1] =	stream.indirect.gather [hbm4b:s2+s7], $0x20, s4, s7, $0xb8;
	[tilespmem:$0x1D8C0] =	vst v63  }
0xe7: {  	_ = 	snop  }
0xe8: {  	[tilespmem:s10], [sflag:$0x2] =	stream.indirect.gather [hbm4b:s2+s7], $0x20, s9, s7, $0xb8;
	[tilespmem:$0x1D8C0] =	vst v63  }
0xe9: {  	_ = 	snop  }
0xea: {  	[tilespmem:s12], [sflag:$0x3] =	stream.indirect.gather [hbm4b:s2+s7], $0x20, s11, s7, $0xb8;
	[tilespmem:$0x1D8C0] =	vst v63  }
0xeb: {  	_ = 	snop  }
0xec: {  	[tilespmem:s14], [sflag:$0x4] =	stream.indirect.gather [hbm4b:s2+s7], $0x20, s13, s7, $0xb8;
	[tilespmem:$0x1D8C0] =	vst v63  }
0xed: {  	_ =	swait.ge [sflag:s15], $0xFA0  }
0xee: {  	[sflag:s15] =	ssyncset.done $0x0  }
0xef: {  	[sflag:s15] =	ssyncadd.s32 $0xFFFFF060  }
0xf0: {  	[spmem:s3] =	stream.indirect.scatter.add.f32 [tilespmem:s8], [sflag:$0x5], $0x20, s6, s7, $0xb8;
	[tilespmem:$0x1D8C0] =	vst v63  }
0xf1: {  	_ =	swait.ge [sflag:s0], $0xFA0  }
0xf2: {  	[sflag:s0] =	ssyncset.done $0x0  }
0xf3: {  	[sflag:s0] =	ssyncadd.s32 $0xFFFFF060  }
0xf4: {  	_ =	swait.ge [sflag:s16], $0xFA0  }
0xf5: {  	[sflag:s16] =	ssyncset.done $0x0  }
0xf6: {  	[sflag:s16] =	ssyncadd.s32 $0xFFFFF060  }
0xf7: {  	[spmem:s3] =	stream.indirect.scatter.add.f32 [tilespmem:s10], [sflag:$0x5], $0x20, s17, s7, $0xb8;
	[tilespmem:$0x1D8C0] =	vst v63  }
0xf8: {  	_ =	swait.ge [sflag:s0], $0xFA0  }
0xf9: {  	[sflag:s0] =	ssyncset.done $0x0  }
0xfa: {  	[sflag:s0] =	ssyncadd.s32 $0xFFFFF060  }
0xfb: {  	_ =	swait.ge [sflag:s18], $0xFA0  }
0xfc: {  	[sflag:s18] =	ssyncset.done $0x0  }
0xfd: {  	[sflag:s18] =	ssyncadd.s32 $0xFFFFF060  }
0xfe: {  	[spmem:s3] =	stream.indirect.scatter.add.f32 [tilespmem:s12], [sflag:$0x5], $0x20, s19, s7, $0xb8;
	[tilespmem:$0x1D8C0] =	vst v63  }
0xff: {  	_ =	swait.ge [sflag:s0], $0xFA0  }
0x100: {  	[sflag:s0] =	ssyncset.done $0x0  }
0x101: {  	[sflag:s0] =	ssyncadd.s32 $0xFFFFF060  }
0x102: {  	_ =	swait.ge [sflag:s20], $0xFA0  }
0x103: {  	[sflag:s20] =	ssyncset.done $0x0  }
0x104: {  	[sflag:s20] =	ssyncadd.s32 $0xFFFFF060  }
0x105: {  	[spmem:s3] =	stream.indirect.scatter.add.f32 [tilespmem:s14], [sflag:$0x5], $0x20, s21, s7, $0xb8;
	[tilespmem:$0x1D8C0] =	vst v63  }
0x106: {  	_ =	swait.ge [sflag:s0], $0xFA0  }
0x107: {  	[sflag:s0] =	ssyncset.done $0x0  }
0x108: {  	s24 =	sadd.s32 s24, s5;
	[sflag:s0] =	ssyncadd.s32 $0xFFFFF060  }
0x109: {  	[tilespmem:s4], [sflag:$0x5] =	stream.linear.gather [hbm4b:s24+s4], $0x200, $0x38;
	[tilespmem:$0x1D8C0] =	vst v63  }
0x10a: {  	_ =	swait.ge [sflag:s0], $0x200  }
0x10b: {  	[sflag:s0] =	ssyncset.done $0x0  }
0x10c: {  	s24 =	sadd.s32 $0x19000, s24;
	[sflag:s0] =	ssyncadd.s32 $0xFFFFFE00  }
0x10d: {  	[tilespmem:s6], [sflag:$0x5] =	stream.linear.gather [hbm4b:s24+s4], $0x200, $0x38;
	[tilespmem:$0x1D8C0] =	vst v63  }
0x10e: {  	_ =	swait.ge [sflag:s0], $0x200  }
0x10f: {  	[sflag:s0] =	ssyncset.done $0x0  }
0x110: {  	[sflag:s0] =	ssyncadd.s32 $0xFFFFFE00  }
0x111: {  	v7 =	vld [tilespmem:$0xA0]  }
.Ltmp0:
0x112: {  	v6 =	vld [tilespmem:$0xC0];
	(pc) =	sbr.rel @p0 .LBB2_2-.Ltmp0, $4  }
0x113: {  	v5 =	vld [tilespmem:$0xD0]  }
0x114: {  	v4 =	vld [tilespmem:$0x100]  }
0x115: {  	v3 =	vld [tilespmem:$0x1D0]  }
0x116: {  	v2 =	vld [tilespmem:$0x30];
	v7 =	vadd.s32 v0, v7  }
0x117: {  	v8 =	vld [tilespmem:$0x130];
	[tilespmem:$0xA0] =	vst v7;
	v6 =	vadd.s32 v0, v6  }
0x118: {  	v41 =	vld [tilespmem:$0x120];
	v5 =	vadd.s32 v0, v5;
	[tilespmem:$0xC0] =	vst v6  }
0x119: {  	v9 =	vld [tilespmem:$0x80];
	[tilespmem:$0xD0] =	vst v5;
	v4 =	vadd.s32 v0, v4  }
0x11a: {  	v42 =	vld [tilespmem:$0xB0];
	[tilespmem:$0x100] =	vst v4;
	v3 =	vadd.s32 v0, v3  }
0x11b: {  	v44 =	vld [tilespmem:$0x190];
	[tilespmem:$0x1D0] =	vst v3;
	v2 =	vadd.s32 v0, v2  }
0x11c: {  	v45 =	vld [tilespmem:$0x1C0];
	v43 =	vadd.s32 v0, v8;
	[tilespmem:$0x30] =	vst v2  }
0x11d: {  	v46 =	vld [tilespmem:$0x110];
	v7 =	vadd.s32 v0, v41;
	[tilespmem:$0x130] =	vst v43  }
0x11e: {  	v49 =	vld [tilespmem:$0x90];
	v3 =	vadd.s32 v0, v9;
	[tilespmem:$0x120] =	vst v7  }
0x11f: {  	v52 =	vld [tilespmem:$0x60];
	v5 =	vadd.s32 v0, v42;
	[tilespmem:$0x80] =	vst v3  }
0x120: {  	v58 =	vld [tilespmem:$0x0];
	v48 =	vadd.s32 v0, v44;
	[tilespmem:$0xB0] =	vst v5  }
0x121: {  	v4 =	vadd.s32 v0, v45;
	v3 =	vld [tilespmem:$0x180];
	[tilespmem:$0x190] =	vst v48  }
0x122: {  	v47 =	vld [tilespmem:$0x1A0];
	v2 =	vadd.s32 v0, v46;
	[tilespmem:$0x1C0] =	vst v4  }
0x123: {  	v50 =	vld [tilespmem:$0x1E0];
	v6 =	vadd.s32 v0, v49;
	[tilespmem:$0x110] =	vst v2  }
0x124: {  	v51 =	vld [tilespmem:$0x160];
	v8 =	vadd.s32 v0, v52;
	[tilespmem:$0x90] =	vst v6  }
0x125: {  	v53 =	vld [tilespmem:$0x50];
	v63 =	vadd.s32 v0, v58;
	[tilespmem:$0x60] =	vst v8  }
0x126: {  	[tilespmem:$0x0] =	vst v63;
	v2 =	vadd.s32 v0, v3;
	v3 =	vld [tilespmem:$0xE0]  }
0x127: {  	v54 =	vld [tilespmem:$0x40];
	[tilespmem:$0x180] =	vst v2;
	v2 =	vadd.s32 v0, v47  }
0x128: {  	v4 =	vadd.s32 v0, v50;
	[tilespmem:$0x1A0] =	vst v2;
	v2 =	vld [tilespmem:$0x150]  }
0x129: {  	v55 =	vld [tilespmem:$0x20];
	v5 =	vadd.s32 v0, v51;
	[tilespmem:$0x1E0] =	vst v4  }
0x12a: {  	v56 =	vld [tilespmem:$0x1B0];
	v7 =	vadd.s32 v0, v53;
	[tilespmem:$0x160] =	vst v5  }
0x12b: {  	[tilespmem:$0x50] =	vst v7;
	v57 =	vld [tilespmem:$0x1ED];
	v3 =	vadd.s32 v0, v3  }
0x12c: {  	v6 =	vadd.s32 v0, v54;
	[tilespmem:$0xE0] =	vst v3;
	v3 =	vld [tilespmem:$0x16D]  }
0x12d: {  	[tilespmem:$0x40] =	vst v6;
	v59 =	vld [tilespmem:$0x6D];
	v2 =	vadd.s32 v0, v2  }
0x12e: {  	v4 =	vadd.s32 v0, v55;
	[tilespmem:$0x150] =	vst v2;
	v2 =	vld [tilespmem:$0x10]  }
0x12f: {  	v5 =	vadd.s32 v0, v56;
	[tilespmem:$0x20] =	vst v4;
	v62 =	vld [tilespmem:$0xED]  }
0x130: {  	v61 =	vld [tilespmem:$0x140];
	[tilespmem:$0x1B0] =	vst v5;
	v60 =	vadd.s32 v1, v57  }
0x131: {  	[tilespmem:$0x1ED] =	vst v60;
	v3 =	vadd.s32 v1, v3  }
0x132: {  	[tilespmem:$0x16D] =	vst v3;
	v3 =	vadd.s32 v1, v59  }
0x133: {  	v2 =	vadd.s32 v0, v2;
	[tilespmem:$0x6D] =	vst v3  }
0x134: {  	v3 =	vadd.s32 v1, v62;
	[tilespmem:$0x10] =	vst v2  }
0x135: {  	v2 =	vadd.s32 v0, v61;
	[tilespmem:$0xED] =	vst v3  }
0x136: {  	[tilespmem:$0x140] =	vst v2  }
0x137: {  	[tilespmem:s8], [sflag:$0x1] =	stream.indirect.gather [hbm4b:s2+s7], $0x20, s4, s7, $0xb8;
	[tilespmem:$0x1D8C0] =	vst v63  }
0x138: {  	_ = 	snop  }
0x139: {  	[tilespmem:s10], [sflag:$0x2] =	stream.indirect.gather [hbm4b:s2+s7], $0x20, s9, s7, $0xb8;
	[tilespmem:$0x1D8C0] =	vst v63  }
0x13a: {  	_ = 	snop  }
0x13b: {  	[tilespmem:s12], [sflag:$0x3] =	stream.indirect.gather [hbm4b:s2+s7], $0x20, s11, s7, $0xb8;
	[tilespmem:$0x1D8C0] =	vst v63  }
0x13c: {  	_ = 	snop  }
0x13d: {  	[tilespmem:s14], [sflag:$0x4] =	stream.indirect.gather [hbm4b:s2+s7], $0x20, s13, s7, $0xb8;
	[tilespmem:$0x1D8C0] =	vst v63  }
0x13e: {  	_ =	swait.ge [sflag:s15], $0xFA0  }
0x13f: {  	[sflag:s15] =	ssyncset.done $0x0  }
0x140: {  	[sflag:s15] =	ssyncadd.s32 $0xFFFFF060  }
0x141: {  	[spmem:s3] =	stream.indirect.scatter.add.f32 [tilespmem:s8], [sflag:$0x5], $0x20, s6, s7, $0xb8;
	[tilespmem:$0x1D8C0] =	vst v63  }
0x142: {  	_ =	swait.ge [sflag:s0], $0xFA0  }
0x143: {  	[sflag:s0] =	ssyncset.done $0x0  }
0x144: {  	[sflag:s0] =	ssyncadd.s32 $0xFFFFF060  }
0x145: {  	_ =	swait.ge [sflag:s16], $0xFA0  }
0x146: {  	[sflag:s16] =	ssyncset.done $0x0  }
0x147: {  	[sflag:s16] =	ssyncadd.s32 $0xFFFFF060  }
0x148: {  	[spmem:s3] =	stream.indirect.scatter.add.f32 [tilespmem:s10], [sflag:$0x5], $0x20, s17, s7, $0xb8;
	[tilespmem:$0x1D8C0] =	vst v63  }
0x149: {  	_ =	swait.ge [sflag:s0], $0xFA0  }
0x14a: {  	[sflag:s0] =	ssyncset.done $0x0  }
0x14b: {  	[sflag:s0] =	ssyncadd.s32 $0xFFFFF060  }
0x14c: {  	_ =	swait.ge [sflag:s18], $0xFA0  }
0x14d: {  	[sflag:s18] =	ssyncset.done $0x0  }
0x14e: {  	[sflag:s18] =	ssyncadd.s32 $0xFFFFF060  }
0x14f: {  	[spmem:s3] =	stream.indirect.scatter.add.f32 [tilespmem:s12], [sflag:$0x5], $0x20, s19, s7, $0xb8;
	[tilespmem:$0x1D8C0] =	vst v63  }
0x150: {  	_ =	swait.ge [sflag:s0], $0xFA0  }
0x151: {  	[sflag:s0] =	ssyncset.done $0x0  }
0x152: {  	[sflag:s0] =	ssyncadd.s32 $0xFFFFF060  }
0x153: {  	_ =	swait.ge [sflag:s20], $0xFA0  }
0x154: {  	[sflag:s20] =	ssyncset.done $0x0  }
0x155: {  	[sflag:s20] =	ssyncadd.s32 $0xFFFFF060  }
0x156: {  	[spmem:s3] =	stream.indirect.scatter.add.f32 [tilespmem:s14], [sflag:$0x5], $0x20, s21, s7, $0xb8;
	[tilespmem:$0x1D8C0] =	vst v63  }
0x157: {  	_ =	swait.ge [sflag:s0], $0xFA0  }
0x158: {  	[sflag:s0] =	ssyncset.done $0x0  }
0x159: {  	[sflag:s0] =	ssyncadd.s32 $0xFFFFF060  }
0x15a: {  	[bflag:$0x0] =	sbarrier.arrive $0xFFFF  }
0x15b: {  	s28 =	sld [smem:$0x7F7];
	_ =	sdelay $0x2  }
0x15c: {  	[tilespmem:s1], [sflag:$0x5] =	stream.linear.gather [spmem:s28], $0xFA0, $0x38;
	[tilespmem:$0x1D8C0] =	vst v63  }
0x15d: {  	_ =	swait.ge [sflag:s0], $0xFA0  }
0x15e: {  	[sflag:s0] =	ssyncset.done $0x0  }
0x15f: {  	s23 =	rddreg [dreg:$0x5];
	[sflag:s0] =	ssyncadd.s32 $0xFFFFF060  }
0x160: {  	[hbm4b:s23+s4] =	stream.linear.scatter [tilespmem:s1], [sflag:$0x5], $0xFA0, $0x38;
	[tilespmem:$0x1D8C0] =	vst v63  }
0x161: {  	_ =	swait.ge [sflag:s0], $0xFA0  }
0x162: {  	s22 =	sld [smem:$0x7E5]  }
0x163: {  	[sflag:s0] =	ssyncset.done $0x0  }
0x164: {  	[sflag:s0] =	ssyncadd.s32 $0xFFFFF060  }
0x165: {  	[tilespmem:s1], [sflag:$0x5] =	stream.linear.gather [spmem:s22], $0xFA0, $0x38;
	[tilespmem:$0x1D8C0] =	vst v63  }
0x166: {  	_ =	swait.ge [sflag:s0], $0xFA0  }
0x167: {  	[sflag:s0] =	ssyncset.done $0x0  }
0x168: {  	s22 =	rddreg [dreg:$0x6];
	[sflag:s0] =	ssyncadd.s32 $0xFFFFF060  }
0x169: {  	[hbm4b:s22+s4] =	stream.linear.scatter [tilespmem:s1], [sflag:$0x5], $0xFA0, $0x38;
	[tilespmem:$0x1D8C0] =	vst v63  }
0x16a: {  	_ =	swait.ge [sflag:s0], $0xFA0  }
0x16b: {  	s25 =	sld [smem:$0x7F9]  }
0x16c: {  	[sflag:s0] =	ssyncset.done $0x0  }
0x16d: {  	[sflag:s0] =	ssyncadd.s32 $0xFFFFF060  }
0x16e: {  	[tilespmem:s1], [sflag:$0x5] =	stream.linear.gather [spmem:s25], $0xFA0, $0x38;
	[tilespmem:$0x1D8C0] =	vst v63  }
0x16f: {  	_ =	swait.ge [sflag:s0], $0xFA0  }
0x170: {  	[sflag:s0] =	ssyncset.done $0x0  }
0x171: {  	s24 =	rddreg [dreg:$0x7];
	[sflag:s0] =	ssyncadd.s32 $0xFFFFF060  }
0x172: {  	[hbm4b:s24+s4] =	stream.linear.scatter [tilespmem:s1], [sflag:$0x5], $0xFA0, $0x38;
	[tilespmem:$0x1D8C0] =	vst v63  }
0x173: {  	_ =	swait.ge [sflag:s0], $0xFA0  }
0x174: {  	s26 =	sld [smem:$0x7F8]  }
0x175: {  	[sflag:s0] =	ssyncset.done $0x0  }
0x176: {  	[sflag:s0] =	ssyncadd.s32 $0xFFFFF060  }
0x177: {  	[tilespmem:s1], [sflag:$0x5] =	stream.linear.gather [spmem:s26], $0xFA0, $0x38;
	[tilespmem:$0x1D8C0] =	vst v63  }
0x178: {  	_ =	swait.ge [sflag:s0], $0xFA0  }
0x179: {  	[sflag:s0] =	ssyncset.done $0x0  }
0x17a: {  	s22 =	rddreg [dreg:$0x8];
	[sflag:s0] =	ssyncadd.s32 $0xFFFFF060  }
0x17b: {  	[hbm4b:s22+s4] =	stream.linear.scatter [tilespmem:s1], [sflag:$0x5], $0xFA0, $0x38;
	[tilespmem:$0x1D8C0] =	vst v63  }
0x17c: {  	_ =	swait.ge [sflag:s0], $0xFA0  }
0x17d: {  	[sflag:s0] =	ssyncset.done $0x0  }
0x17e: {  	s23 =	rddreg [dreg:$0x1f];
	[sflag:s0] =	ssyncadd.s32 $0xFFFFF060  }
0x17f: {  	[tilespmem:s1], [sflag:$0x5] =	stream.linear.gather [spmem:s23], $0xFA0, $0x38;
	[tilespmem:$0x1D8C0] =	vst v63  }
0x180: {  	_ =	swait.ge [sflag:s0], $0xFA0  }
0x181: {  	[sflag:s0] =	ssyncset.done $0x0  }
0x182: {  	s24 =	rddreg [dreg:$0x9];
	[sflag:s0] =	ssyncadd.s32 $0xFFFFF060  }
0x183: {  	[hbm4b:s24+s4] =	stream.linear.scatter [tilespmem:s1], [sflag:$0x5], $0xFA0, $0x38;
	[tilespmem:$0x1D8C0] =	vst v63  }
0x184: {  	_ =	swait.ge [sflag:s0], $0xFA0  }
0x185: {  	s26 =	sld [smem:$0x7E6]  }
0x186: {  	[sflag:s0] =	ssyncset.done $0x0  }
0x187: {  	[sflag:s0] =	ssyncadd.s32 $0xFFFFF060  }
0x188: {  	[tilespmem:s1], [sflag:$0x5] =	stream.linear.gather [spmem:s26], $0xFA0, $0x38;
	[tilespmem:$0x1D8C0] =	vst v63  }
0x189: {  	_ =	swait.ge [sflag:s0], $0xFA0  }
0x18a: {  	[sflag:s0] =	ssyncset.done $0x0  }
0x18b: {  	s22 =	rddreg [dreg:$0xa];
	[sflag:s0] =	ssyncadd.s32 $0xFFFFF060  }
0x18c: {  	[hbm4b:s22+s4] =	stream.linear.scatter [tilespmem:s1], [sflag:$0x5], $0xFA0, $0x38;
	[tilespmem:$0x1D8C0] =	vst v63  }
0x18d: {  	_ =	swait.ge [sflag:s0], $0xFA0  }
0x18e: {  	s30 =	sld [smem:$0x7F6]  }
0x18f: {  	[sflag:s0] =	ssyncset.done $0x0  }
0x190: {  	[sflag:s0] =	ssyncadd.s32 $0xFFFFF060  }
0x191: {  	[tilespmem:s1], [sflag:$0x5] =	stream.linear.gather [spmem:s30], $0xFA0, $0x38;
	[tilespmem:$0x1D8C0] =	vst v63  }
0x192: {  	_ =	swait.ge [sflag:s0], $0xFA0  }
0x193: {  	[sflag:s0] =	ssyncset.done $0x0  }
0x194: {  	s24 =	rddreg [dreg:$0xb];
	[sflag:s0] =	ssyncadd.s32 $0xFFFFF060  }
0x195: {  	[hbm4b:s24+s4] =	stream.linear.scatter [tilespmem:s1], [sflag:$0x5], $0xFA0, $0x38;
	[tilespmem:$0x1D8C0] =	vst v63  }
0x196: {  	_ =	swait.ge [sflag:s0], $0xFA0  }
0x197: {  	s26 =	sld [smem:$0x7E7]  }
0x198: {  	[sflag:s0] =	ssyncset.done $0x0  }
0x199: {  	[sflag:s0] =	ssyncadd.s32 $0xFFFFF060  }
0x19a: {  	[tilespmem:s1], [sflag:$0x5] =	stream.linear.gather [spmem:s26], $0xFA0, $0x38;
	[tilespmem:$0x1D8C0] =	vst v63  }
0x19b: {  	_ =	swait.ge [sflag:s0], $0xFA0  }
0x19c: {  	[sflag:s0] =	ssyncset.done $0x0  }
0x19d: {  	s22 =	rddreg [dreg:$0xc];
	[sflag:s0] =	ssyncadd.s32 $0xFFFFF060  }
0x19e: {  	[hbm4b:s22+s4] =	stream.linear.scatter [tilespmem:s1], [sflag:$0x5], $0xFA0, $0x38;
	[tilespmem:$0x1D8C0] =	vst v63  }
0x19f: {  	_ =	swait.ge [sflag:s0], $0xFA0  }
0x1a0: {  	s23 =	sld [smem:$0x7E8]  }
0x1a1: {  	[sflag:s0] =	ssyncset.done $0x0  }
0x1a2: {  	[sflag:s0] =	ssyncadd.s32 $0xFFFFF060  }
0x1a3: {  	[tilespmem:s1], [sflag:$0x5] =	stream.linear.gather [spmem:s23], $0xFA0, $0x38;
	[tilespmem:$0x1D8C0] =	vst v63  }
0x1a4: {  	_ =	swait.ge [sflag:s0], $0xFA0  }
0x1a5: {  	[sflag:s0] =	ssyncset.done $0x0  }
0x1a6: {  	s24 =	rddreg [dreg:$0xd];
	[sflag:s0] =	ssyncadd.s32 $0xFFFFF060  }
0x1a7: {  	[hbm4b:s24+s4] =	stream.linear.scatter [tilespmem:s1], [sflag:$0x5], $0xFA0, $0x38;
	[tilespmem:$0x1D8C0] =	vst v63  }
0x1a8: {  	_ =	swait.ge [sflag:s0], $0xFA0  }
0x1a9: {  	s26 =	sld [smem:$0x7E9]  }
0x1aa: {  	[sflag:s0] =	ssyncset.done $0x0  }
0x1ab: {  	[sflag:s0] =	ssyncadd.s32 $0xFFFFF060  }
0x1ac: {  	[tilespmem:s1], [sflag:$0x5] =	stream.linear.gather [spmem:s26], $0xFA0, $0x38;
	[tilespmem:$0x1D8C0] =	vst v63  }
0x1ad: {  	_ =	swait.ge [sflag:s0], $0xFA0  }
0x1ae: {  	[sflag:s0] =	ssyncset.done $0x0  }
0x1af: {  	s22 =	rddreg [dreg:$0xe];
	[sflag:s0] =	ssyncadd.s32 $0xFFFFF060  }
0x1b0: {  	[hbm4b:s22+s4] =	stream.linear.scatter [tilespmem:s1], [sflag:$0x5], $0xFA0, $0x38;
	[tilespmem:$0x1D8C0] =	vst v63  }
0x1b1: {  	_ =	swait.ge [sflag:s0], $0xFA0  }
0x1b2: {  	s23 =	sld [smem:$0x7EA]  }
0x1b3: {  	[sflag:s0] =	ssyncset.done $0x0  }
0x1b4: {  	[sflag:s0] =	ssyncadd.s32 $0xFFFFF060  }
0x1b5: {  	[tilespmem:s1], [sflag:$0x5] =	stream.linear.gather [spmem:s23], $0xFA0, $0x38;
	[tilespmem:$0x1D8C0] =	vst v63  }
0x1b6: {  	_ =	swait.ge [sflag:s0], $0xFA0  }
0x1b7: {  	[sflag:s0] =	ssyncset.done $0x0  }
0x1b8: {  	s24 =	rddreg [dreg:$0xf];
	[sflag:s0] =	ssyncadd.s32 $0xFFFFF060  }
0x1b9: {  	[hbm4b:s24+s4] =	stream.linear.scatter [tilespmem:s1], [sflag:$0x5], $0xFA0, $0x38;
	[tilespmem:$0x1D8C0] =	vst v63  }
0x1ba: {  	_ =	swait.ge [sflag:s0], $0xFA0  }
0x1bb: {  	s26 =	sld [smem:$0x7EB]  }
0x1bc: {  	[sflag:s0] =	ssyncset.done $0x0  }
0x1bd: {  	[sflag:s0] =	ssyncadd.s32 $0xFFFFF060  }
0x1be: {  	[tilespmem:s1], [sflag:$0x5] =	stream.linear.gather [spmem:s26], $0xFA0, $0x38;
	[tilespmem:$0x1D8C0] =	vst v63  }
0x1bf: {  	_ =	swait.ge [sflag:s0], $0xFA0  }
0x1c0: {  	[sflag:s0] =	ssyncset.done $0x0  }
0x1c1: {  	s22 =	rddreg [dreg:$0x10];
	[sflag:s0] =	ssyncadd.s32 $0xFFFFF060  }
0x1c2: {  	[hbm4b:s22+s4] =	stream.linear.scatter [tilespmem:s1], [sflag:$0x5], $0xFA0, $0x38;
	[tilespmem:$0x1D8C0] =	vst v63  }
0x1c3: {  	_ =	swait.ge [sflag:s0], $0xFA0  }
0x1c4: {  	s23 =	sld [smem:$0x7EC]  }
0x1c5: {  	[sflag:s0] =	ssyncset.done $0x0  }
0x1c6: {  	[sflag:s0] =	ssyncadd.s32 $0xFFFFF060  }
0x1c7: {  	[tilespmem:s1], [sflag:$0x5] =	stream.linear.gather [spmem:s23], $0xFA0, $0x38;
	[tilespmem:$0x1D8C0] =	vst v63  }
0x1c8: {  	_ =	swait.ge [sflag:s0], $0xFA0  }
0x1c9: {  	[sflag:s0] =	ssyncset.done $0x0  }
0x1ca: {  	s24 =	rddreg [dreg:$0x11];
	[sflag:s0] =	ssyncadd.s32 $0xFFFFF060  }
0x1cb: {  	[hbm4b:s24+s4] =	stream.linear.scatter [tilespmem:s1], [sflag:$0x5], $0xFA0, $0x38;
	[tilespmem:$0x1D8C0] =	vst v63  }
0x1cc: {  	_ =	swait.ge [sflag:s0], $0xFA0  }
0x1cd: {  	s26 =	sld [smem:$0x7ED]  }
0x1ce: {  	[sflag:s0] =	ssyncset.done $0x0  }
0x1cf: {  	[sflag:s0] =	ssyncadd.s32 $0xFFFFF060  }
0x1d0: {  	[tilespmem:s1], [sflag:$0x5] =	stream.linear.gather [spmem:s26], $0xFA0, $0x38;
	[tilespmem:$0x1D8C0] =	vst v63  }
0x1d1: {  	_ =	swait.ge [sflag:s0], $0xFA0  }
0x1d2: {  	[sflag:s0] =	ssyncset.done $0x0  }
0x1d3: {  	s22 =	rddreg [dreg:$0x12];
	[sflag:s0] =	ssyncadd.s32 $0xFFFFF060  }
0x1d4: {  	[hbm4b:s22+s4] =	stream.linear.scatter [tilespmem:s1], [sflag:$0x5], $0xFA0, $0x38;
	[tilespmem:$0x1D8C0] =	vst v63  }
0x1d5: {  	_ =	swait.ge [sflag:s0], $0xFA0  }
0x1d6: {  	s23 =	sld [smem:$0x7EE]  }
0x1d7: {  	[sflag:s0] =	ssyncset.done $0x0  }
0x1d8: {  	[sflag:s0] =	ssyncadd.s32 $0xFFFFF060  }
0x1d9: {  	[tilespmem:s1], [sflag:$0x5] =	stream.linear.gather [spmem:s23], $0xFA0, $0x38;
	[tilespmem:$0x1D8C0] =	vst v63  }
0x1da: {  	_ =	swait.ge [sflag:s0], $0xFA0  }
0x1db: {  	[sflag:s0] =	ssyncset.done $0x0  }
0x1dc: {  	s24 =	rddreg [dreg:$0x13];
	[sflag:s0] =	ssyncadd.s32 $0xFFFFF060  }
0x1dd: {  	[hbm4b:s24+s4] =	stream.linear.scatter [tilespmem:s1], [sflag:$0x5], $0xFA0, $0x38;
	[tilespmem:$0x1D8C0] =	vst v63  }
0x1de: {  	_ =	swait.ge [sflag:s0], $0xFA0  }
0x1df: {  	s26 =	sld [smem:$0x7EF]  }
0x1e0: {  	[sflag:s0] =	ssyncset.done $0x0  }
0x1e1: {  	[sflag:s0] =	ssyncadd.s32 $0xFFFFF060  }
0x1e2: {  	[tilespmem:s1], [sflag:$0x5] =	stream.linear.gather [spmem:s26], $0xFA0, $0x38;
	[tilespmem:$0x1D8C0] =	vst v63  }
0x1e3: {  	_ =	swait.ge [sflag:s0], $0xFA0  }
0x1e4: {  	[sflag:s0] =	ssyncset.done $0x0  }
0x1e5: {  	s22 =	rddreg [dreg:$0x14];
	[sflag:s0] =	ssyncadd.s32 $0xFFFFF060  }
0x1e6: {  	[hbm4b:s22+s4] =	stream.linear.scatter [tilespmem:s1], [sflag:$0x5], $0xFA0, $0x38;
	[tilespmem:$0x1D8C0] =	vst v63  }
0x1e7: {  	_ =	swait.ge [sflag:s0], $0xFA0  }
0x1e8: {  	s23 =	sld [smem:$0x7F0]  }
0x1e9: {  	[sflag:s0] =	ssyncset.done $0x0  }
0x1ea: {  	[sflag:s0] =	ssyncadd.s32 $0xFFFFF060  }
0x1eb: {  	[tilespmem:s1], [sflag:$0x5] =	stream.linear.gather [spmem:s23], $0xFA0, $0x38;
	[tilespmem:$0x1D8C0] =	vst v63  }
0x1ec: {  	_ =	swait.ge [sflag:s0], $0xFA0  }
0x1ed: {  	[sflag:s0] =	ssyncset.done $0x0  }
0x1ee: {  	s24 =	rddreg [dreg:$0x15];
	[sflag:s0] =	ssyncadd.s32 $0xFFFFF060  }
0x1ef: {  	[hbm4b:s24+s4] =	stream.linear.scatter [tilespmem:s1], [sflag:$0x5], $0xFA0, $0x38;
	[tilespmem:$0x1D8C0] =	vst v63  }
0x1f0: {  	_ =	swait.ge [sflag:s0], $0xFA0  }
0x1f1: {  	s26 =	sld [smem:$0x7F1]  }
0x1f2: {  	[sflag:s0] =	ssyncset.done $0x0  }
0x1f3: {  	[sflag:s0] =	ssyncadd.s32 $0xFFFFF060  }
0x1f4: {  	[tilespmem:s1], [sflag:$0x5] =	stream.linear.gather [spmem:s26], $0xFA0, $0x38;
	[tilespmem:$0x1D8C0] =	vst v63  }
0x1f5: {  	_ =	swait.ge [sflag:s0], $0xFA0  }
0x1f6: {  	[sflag:s0] =	ssyncset.done $0x0  }
0x1f7: {  	s22 =	rddreg [dreg:$0x16];
	[sflag:s0] =	ssyncadd.s32 $0xFFFFF060  }
0x1f8: {  	[hbm4b:s22+s4] =	stream.linear.scatter [tilespmem:s1], [sflag:$0x5], $0xFA0, $0x38;
	[tilespmem:$0x1D8C0] =	vst v63  }
0x1f9: {  	_ =	swait.ge [sflag:s0], $0xFA0  }
0x1fa: {  	s23 =	sld [smem:$0x7F2]  }
0x1fb: {  	[sflag:s0] =	ssyncset.done $0x0  }
0x1fc: {  	[sflag:s0] =	ssyncadd.s32 $0xFFFFF060  }
0x1fd: {  	[tilespmem:s1], [sflag:$0x5] =	stream.linear.gather [spmem:s23], $0xFA0, $0x38;
	[tilespmem:$0x1D8C0] =	vst v63  }
0x1fe: {  	_ =	swait.ge [sflag:s0], $0xFA0  }
0x1ff: {  	[sflag:s0] =	ssyncset.done $0x0  }
0x200: {  	s24 =	rddreg [dreg:$0x17];
	[sflag:s0] =	ssyncadd.s32 $0xFFFFF060  }
0x201: {  	[hbm4b:s24+s4] =	stream.linear.scatter [tilespmem:s1], [sflag:$0x5], $0xFA0, $0x38;
	[tilespmem:$0x1D8C0] =	vst v63  }
0x202: {  	_ =	swait.ge [sflag:s0], $0xFA0  }
0x203: {  	s26 =	sld [smem:$0x7F3]  }
0x204: {  	[sflag:s0] =	ssyncset.done $0x0  }
0x205: {  	[sflag:s0] =	ssyncadd.s32 $0xFFFFF060  }
0x206: {  	[tilespmem:s1], [sflag:$0x5] =	stream.linear.gather [spmem:s26], $0xFA0, $0x38;
	[tilespmem:$0x1D8C0] =	vst v63  }
0x207: {  	_ =	swait.ge [sflag:s0], $0xFA0  }
0x208: {  	[sflag:s0] =	ssyncset.done $0x0  }
0x209: {  	s22 =	rddreg [dreg:$0x18];
	[sflag:s0] =	ssyncadd.s32 $0xFFFFF060  }
0x20a: {  	[hbm4b:s22+s4] =	stream.linear.scatter [tilespmem:s1], [sflag:$0x5], $0xFA0, $0x38;
	[tilespmem:$0x1D8C0] =	vst v63  }
0x20b: {  	_ =	swait.ge [sflag:s0], $0xFA0  }
0x20c: {  	s24 =	sld [smem:$0x7F4]  }
0x20d: {  	[sflag:s0] =	ssyncset.done $0x0  }
0x20e: {  	[sflag:s0] =	ssyncadd.s32 $0xFFFFF060  }
0x20f: {  	[tilespmem:s1], [sflag:$0x5] =	stream.linear.gather [spmem:s24], $0xFA0, $0x38;
	[tilespmem:$0x1D8C0] =	vst v63  }
0x210: {  	_ =	swait.ge [sflag:s0], $0xFA0  }
0x211: {  	[sflag:s0] =	ssyncset.done $0x0  }
0x212: {  	s26 =	rddreg [dreg:$0x19];
	[sflag:s0] =	ssyncadd.s32 $0xFFFFF060  }
0x213: {  	[hbm4b:s26+s4] =	stream.linear.scatter [tilespmem:s1], [sflag:$0x5], $0xFA0, $0x38;
	[tilespmem:$0x1D8C0] =	vst v63  }
0x214: {  	_ =	swait.ge [sflag:s0], $0xFA0  }
0x215: {  	s24 =	sld [smem:$0x7FA]  }
0x216: {  	[sflag:s0] =	ssyncset.done $0x0  }
0x217: {  	[sflag:s0] =	ssyncadd.s32 $0xFFFFF060  }
0x218: {  	[tilespmem:s1], [sflag:$0x5] =	stream.linear.gather [spmem:s24], $0xFA0, $0x38;
	[tilespmem:$0x1D8C0] =	vst v63  }
0x219: {  	_ =	swait.ge [sflag:s0], $0xFA0  }
0x21a: {  	[sflag:s0] =	ssyncset.done $0x0  }
0x21b: {  	s22 =	rddreg [dreg:$0x1a];
	[sflag:s0] =	ssyncadd.s32 $0xFFFFF060  }
0x21c: {  	[hbm4b:s22+s4] =	stream.linear.scatter [tilespmem:s1], [sflag:$0x5], $0xFA0, $0x38;
	[tilespmem:$0x1D8C0] =	vst v63  }
0x21d: {  	_ =	swait.ge [sflag:s0], $0xFA0  }
0x21e: {  	s22 =	sld [smem:$0x7FB]  }
0x21f: {  	[sflag:s0] =	ssyncset.done $0x0  }
0x220: {  	[sflag:s0] =	ssyncadd.s32 $0xFFFFF060  }
0x221: {  	[tilespmem:s1], [sflag:$0x5] =	stream.linear.gather [spmem:s22], $0xFA0, $0x38;
	[tilespmem:$0x1D8C0] =	vst v63  }
0x222: {  	_ =	swait.ge [sflag:s0], $0xFA0  }
0x223: {  	[sflag:s0] =	ssyncset.done $0x0  }
0x224: {  	s26 =	rddreg [dreg:$0x1b];
	[sflag:s0] =	ssyncadd.s32 $0xFFFFF060  }
0x225: {  	[hbm4b:s26+s4] =	stream.linear.scatter [tilespmem:s1], [sflag:$0x5], $0xFA0, $0x38;
	[tilespmem:$0x1D8C0] =	vst v63  }
0x226: {  	_ =	swait.ge [sflag:s0], $0xFA0  }
0x227: {  	s29 =	sld [smem:$0x7FC]  }
0x228: {  	[sflag:s0] =	ssyncset.done $0x0  }
0x229: {  	[sflag:s0] =	ssyncadd.s32 $0xFFFFF060  }
0x22a: {  	[tilespmem:s1], [sflag:$0x5] =	stream.linear.gather [spmem:s29], $0xFA0, $0x38;
	[tilespmem:$0x1D8C0] =	vst v63  }
0x22b: {  	_ =	swait.ge [sflag:s0], $0xFA0  }
0x22c: {  	[sflag:s0] =	ssyncset.done $0x0  }
0x22d: {  	s26 =	rddreg [dreg:$0x1c];
	[sflag:s0] =	ssyncadd.s32 $0xFFFFF060  }
0x22e: {  	[hbm4b:s26+s4] =	stream.linear.scatter [tilespmem:s1], [sflag:$0x5], $0xFA0, $0x38;
	[tilespmem:$0x1D8C0] =	vst v63  }
0x22f: {  	_ =	swait.ge [sflag:s0], $0xFA0  }
0x230: {  	s26 =	sld [smem:$0x7FD]  }
0x231: {  	[sflag:s0] =	ssyncset.done $0x0  }
0x232: {  	[sflag:s0] =	ssyncadd.s32 $0xFFFFF060  }
0x233: {  	[tilespmem:s1], [sflag:$0x5] =	stream.linear.gather [spmem:s26], $0xFA0, $0x38;
	[tilespmem:$0x1D8C0] =	vst v63  }
0x234: {  	_ =	swait.ge [sflag:s0], $0xFA0  }
0x235: {  	[sflag:s0] =	ssyncset.done $0x0  }
0x236: {  	s23 =	rddreg [dreg:$0x1d];
	[sflag:s0] =	ssyncadd.s32 $0xFFFFF060  }
0x237: {  	[hbm4b:s23+s4] =	stream.linear.scatter [tilespmem:s1], [sflag:$0x5], $0xFA0, $0x38;
	[tilespmem:$0x1D8C0] =	vst v63  }
0x238: {  	_ =	swait.ge [sflag:s0], $0xFA0  }
0x239: {  	s31 =	sld [smem:$0x7F5];
	_ =	sdelay $0x2  }
0x23a: {  	s23 =	rddreg [dreg:$0x1e];
	s31 =	sadd.s32 $0x1, s31  }
0x23b: {  	p0 =	sne.s32 s31, s23  }
.Ltmp1:
0x23c: {  	_ = 	snop;
	(pc) =	sbr.rel @p0 .LBB2_1-.Ltmp1, $3  }
0x23d: {  	_ =	sdelay $0x1  }
0x23e: {  	[sflag:s0] =	ssyncset.done $0x0;
	[smem:$0x7F5] =	sst s31  }
0x23f: {  	[sflag:s0] =	ssyncadd.s32 $0xFFFFF060;
	s31 =	sld [smem:$0x7F8]  }
0x240: {  	_ =	sfence.sel $0x180000  }
0x241: {  	[bflag:$0x0] =	sbarrier.arrive $0xFFFF  }
0x242: {  	_ =	strace $0x9000004A  }
0x243: {  	s0 =	stileid.u32;
	[bflag:$0x2] =	sbarrier.arrive $0xFFFF  }
0x244: {  	p0 =	sne.s32 s0, $0x0;
	s0 =	rddreg [dreg:$0x3]  }
0x245: {  	s0 =	sadd.s32 @!p0 $0x100000, s0  }
0x246: {  	[sflag:s0] =	ssyncadd.tile.s32 @!p0 $0x1;
	_ =	shalt  }
.Lfunc_end2:
_tile_overlayer_lowered:
.L_overlay_start_2:
0x247: {  	(tag) =	ssettag $0x2  }
0x248: {  	s0 =	rddreg [dreg:$0x0];
	s2 =	stileid.u32  }
0x249: {  	s1 =	rddreg [dreg:$0x1];
	p0 =	sne.s32 s2, $0x0  }
0x24a: {  	s3 =	rddreg [dreg:$0x2];
	[bflag:$0x3] =	sbarrier.arrive $0xFFFF;
	s2 =	simm.s32 @!p0 $0x1C05  }
0x24b: {  	[timem:s3], [sflag:s2] =	dma.local @!p0 [hbm:s0], s1  }
0x24c: {  	s0 =	simm.s32 @!p0 $0x5  }
0x24d: {  	_ =	swait.ge @!p0 [sflag:s0], s1  }
0x24e: {  	s1 =	ssub.s32 @!p0 $0x0, s1;
	[sflag:s0] =	ssyncset.done @!p0 $0x0  }
0x24f: {  	[sflag:s0] =	ssyncadd.s32 @!p0 s1  }
0x250: {  	[bflag:$0x3] =	sbarrier.arrive $0xFFFF  }
0x251: {  	_ =	shalt  }

</sc_bundles>
